<compile_context>
chip_gen: v7x
topology: tpu7x:2x2x1
jax: 0.10.2.dev20260603
libtpu: 0.0.44.dev20260713+nightly
codegen_flags: <defaults>
</compile_context>

<pallas_src>
import functools

import jax
import jax.numpy as jnp
from jax import lax
from jax.experimental import pallas as pl
from jax.experimental.pallas import tpu as pltpu
from jax.experimental.pallas import tpu_sc as plsc

S, D = 2048, 768
HQ, HKV, HD = 12, 3, 64
E, TOPK, HEXP = 8, 2, 1536
THETA = 10000.0
EPS = 1e-6
HP = 128
DKP = HKV * HP
RB = 256
BLK = 128
R = S * TOPK + E * BLK
NB = R // BLK
NEG = -1e30


def _rope(t, c, s):
    lane = jax.lax.broadcasted_iota(jnp.int32, t.shape, 1)
    sw = jnp.where(lane % 2 == 0,
                   jnp.roll(t, -1, axis=1),
                   jnp.roll(t, 1, axis=1))
    return t * c + sw * s


def _stage_a_kern(x_ref, w1_ref, qw_ref, kw_ref, vw_ref,
                  cq_ref, sq_ref, ck_ref, sk_ref,
                  q_ref, k_ref, v_ref):
    xb = x_ref[...]
    ms = jnp.mean(xb * xb, axis=1, keepdims=True)
    xn = (xb / jnp.sqrt(ms + EPS)) * w1_ref[...]
    q = jnp.dot(xn, qw_ref[...], preferred_element_type=jnp.float32)
    k = jnp.dot(xn, kw_ref[...], preferred_element_type=jnp.float32)
    v = jnp.dot(xn, vw_ref[...], preferred_element_type=jnp.float32)
    q_ref[...] = _rope(q, cq_ref[...], sq_ref[...])
    k_ref[...] = _rope(k, ck_ref[...], sk_ref[...])
    v_ref[...] = v


def _stage_b_kern(q_ref, k_ref, v_ref, *refs, qb_off, ncols):
    o_ref = refs[-1]
    qb = pl.program_id(1) + qb_off
    kh = k_ref[:, :HD]
    vh = v_ref[:, :HD]
    row = jax.lax.broadcasted_iota(jnp.int32, (RB, ncols), 0) + qb * RB
    col = jax.lax.broadcasted_iota(jnp.int32, (RB, ncols), 1)
    mask = row >= col
    ctxs = []
    for j in range(4):
        qh = q_ref[:, j * HD:(j + 1) * HD]
        sc = jax.lax.dot_general(qh, kh, (((1,), (1,)), ((), ())),
                                 preferred_element_type=jnp.float32)
        sc = jnp.where(mask, sc, NEG)
        m = jnp.max(sc, axis=1, keepdims=True)
        p = jnp.exp(sc - m)
        p = jnp.where(mask, p, 0.0)
        p = p / jnp.sum(p, axis=1, keepdims=True)
        ctxs.append(jnp.dot(p, vh, preferred_element_type=jnp.float32))
    o_ref[:, 0:2 * HD] = jnp.concatenate(ctxs[0:2], axis=1)
    o_ref[:, 2 * HD:4 * HD] = jnp.concatenate(ctxs[2:4], axis=1)


def _stage_c_kern(ctx_ref, x_ref, ow_ref, w2_ref, gw_ref,
                  h_ref, h2_ref, ti_ref, tw_ref):
    h = x_ref[...] + jnp.dot(ctx_ref[...], ow_ref[...],
                             preferred_element_type=jnp.float32)
    h_ref[...] = h
    ms = jnp.mean(h * h, axis=1, keepdims=True)
    h2 = (h / jnp.sqrt(ms + EPS)) * w2_ref[...]
    h2_ref[...] = h2
    logits = jnp.dot(h2, gw_ref[...], preferred_element_type=jnp.float32)
    lane = jax.lax.broadcasted_iota(jnp.int32, (RB, E), 1)
    m1 = jnp.max(logits, axis=1, keepdims=True)
    i1 = jnp.min(jnp.where(logits == m1, lane, E), axis=1, keepdims=True)
    l2 = jnp.where(lane == i1, NEG, logits)
    m2 = jnp.max(l2, axis=1, keepdims=True)
    i2 = jnp.min(jnp.where(l2 == m2, lane, E), axis=1, keepdims=True)
    w1 = 1.0 / (1.0 + jnp.exp(m2 - m1))
    ti_ref[...] = jnp.where(lane == 0, i1, jnp.where(lane == 1, i2, 0))
    tw_ref[...] = jnp.where(lane == 0, w1, jnp.where(lane == 1, 1.0 - w1, 0.0))


def _stage_d_kern(be_ref, bl_ref, xs_ref, wgu_ref, wd_ref, y_ref):
    @pl.when(bl_ref[pl.program_id(0)] != 0)
    def _():
        gu = jnp.dot(xs_ref[...], wgu_ref[0],
                     preferred_element_type=jnp.float32)
        g = gu[:, :HEXP]
        u = gu[:, HEXP:]
        act = (g / (1.0 + jnp.exp(-g))) * u
        y_ref[...] = jnp.dot(act, wd_ref[0],
                             preferred_element_type=jnp.float32)


def _stage_e_kern(h_ref, tw_ref, y0_ref, y1_ref, o_ref):
    w0 = tw_ref[:, 0:1]
    w1 = tw_ref[:, 1:2]
    o_ref[...] = h_ref[...] + w0 * y0_ref[...] + w1 * y1_ref[...]


def _sc_gather(table, idx, chunk):
    bn = idx.shape[0]
    dd = table.shape[1]
    info = plsc.get_sparse_core_info()
    nc, ns = info.num_cores, info.num_subcores
    nw = nc * ns
    bpw = bn // nw
    nch = bpw // chunk
    idx3 = idx.reshape(nw, nch, chunk)

    @functools.partial(
        pl.kernel,
        mesh=plsc.VectorSubcoreMesh(core_axis_name="c", subcore_axis_name="s"),
        out_type=jax.ShapeDtypeStruct((bn, dd), jnp.float32),
        scratch_types=[
            pltpu.VMEM((nch, chunk), jnp.int32),
            pltpu.VMEM((bpw, dd), jnp.float32),
            pltpu.SemaphoreType.DMA,
        ],
    )
    def gk(table_hbm, idx_hbm, out_hbm, idx_v, rows_v, sem):
        wid = lax.axis_index("s") * nc + lax.axis_index("c")
        base = wid * bpw
        pltpu.sync_copy(idx_hbm.at[wid], idx_v)
        cps = [pltpu.async_copy(table_hbm.at[idx_v.at[j]],
                                rows_v.at[pl.ds(j * chunk, chunk)], sem)
               for j in range(nch)]
        for j, c in enumerate(cps):
            c.wait()
            pltpu.sync_copy(rows_v.at[pl.ds(j * chunk, chunk)],
                            out_hbm.at[pl.ds(base + j * chunk, chunk)])

    return gk(table, idx3)


def _pad_heads(w, nh):
    w3 = w.reshape(D, nh, HD)
    w3 = jnp.pad(w3, ((0, 0), (0, 0), (0, HP - HD)))
    return w3.reshape(D, nh * HP)


def _rope_tables():
    inv = 1.0 / (THETA ** (jnp.arange(0, HD, 2, dtype=jnp.float32) / HD))
    pos = jnp.arange(S, dtype=jnp.float32)
    fr = jnp.outer(pos, inv)
    cos_e = jnp.repeat(jnp.cos(fr), 2, axis=1)
    sin_b = jnp.sin(fr)
    sin_s = jnp.stack([-sin_b, sin_b], axis=-1).reshape(S, HD)
    return cos_e, sin_s


def kernel(x, qkv_W, out_W, norm1_w, norm2_w, gate_W, W_gate_up, W_down):
    f32 = jnp.float32
    x2 = x.reshape(S, D)
    scale = 1.0 / jnp.sqrt(jnp.asarray(HD, f32))
    cos_e, sin_s = _rope_tables()
    cos_p = jnp.pad(cos_e, ((0, 0), (0, HP - HD)))
    sin_p = jnp.pad(sin_s, ((0, 0), (0, HP - HD)))
    cq = jnp.tile(cos_e * scale, (1, HQ))
    sq = jnp.tile(sin_s * scale, (1, HQ))
    ck = jnp.tile(cos_p, (1, HKV))
    sk = jnp.tile(sin_p, (1, HKV))
    qw = qkv_W[:, :HQ * HD]
    kw = _pad_heads(qkv_W[:, HQ * HD:(HQ + HKV) * HD], HKV)
    vw = _pad_heads(qkv_W[:, (HQ + HKV) * HD:], HKV)
    ow = out_W
    w1r = norm1_w.reshape(1, D)
    w2r = norm2_w.reshape(1, D)

    nr = S // RB
    q, k, v = pl.pallas_call(
        _stage_a_kern,
        grid=(nr,),
        in_specs=[
            pl.BlockSpec((RB, D), lambda r: (r, 0)),
            pl.BlockSpec((1, D), lambda r: (0, 0)),
            pl.BlockSpec((D, D), lambda r: (0, 0)),
            pl.BlockSpec((D, DKP), lambda r: (0, 0)),
            pl.BlockSpec((D, DKP), lambda r: (0, 0)),
            pl.BlockSpec((RB, D), lambda r: (r, 0)),
            pl.BlockSpec((RB, D), lambda r: (r, 0)),
            pl.BlockSpec((RB, DKP), lambda r: (r, 0)),
            pl.BlockSpec((RB, DKP), lambda r: (r, 0)),
        ],
        out_specs=[
            pl.BlockSpec((RB, D), lambda r: (r, 0)),
            pl.BlockSpec((RB, DKP), lambda r: (r, 0)),
            pl.BlockSpec((RB, DKP), lambda r: (r, 0)),
        ],
        out_shape=[
            jax.ShapeDtypeStruct((S, D), f32),
            jax.ShapeDtypeStruct((S, DKP), f32),
            jax.ShapeDtypeStruct((S, DKP), f32),
        ],
    )(x2, w1r, qw, kw, vw, cq, sq, ck, sk)

    ctx = None
    for half in range(4):
        ncols = (half + 1) * 2 * RB
        in_specs = [
            pl.BlockSpec((RB, 4 * HD), lambda g, r, h=half: (r + 2 * h, g)),
            pl.BlockSpec((ncols, HP), lambda g, r: (0, g)),
            pl.BlockSpec((ncols, HP), lambda g, r: (0, g)),
        ]
        ins = [q, k, v]
        aliases = {}
        if ctx is not None:
            in_specs.append(pl.BlockSpec(memory_space=pltpu.MemorySpace.HBM))
            ins.append(ctx)
            aliases = {3: 0}
        ctx = pl.pallas_call(
            functools.partial(_stage_b_kern, qb_off=2 * half, ncols=ncols),
            grid=(HKV, 2),
            in_specs=in_specs,
            out_specs=pl.BlockSpec((RB, 4 * HD),
                                   lambda g, r, h=half: (r + 2 * h, g)),
            out_shape=jax.ShapeDtypeStruct((S, D), f32),
            input_output_aliases=aliases,
        )(*ins)

    h, h2, ti8, tw8 = pl.pallas_call(
        _stage_c_kern,
        grid=(nr,),
        in_specs=[
            pl.BlockSpec((RB, D), lambda r: (r, 0)),
            pl.BlockSpec((RB, D), lambda r: (r, 0)),
            pl.BlockSpec((D, D), lambda r: (0, 0)),
            pl.BlockSpec((1, D), lambda r: (0, 0)),
            pl.BlockSpec((D, E), lambda r: (0, 0)),
        ],
        out_specs=[
            pl.BlockSpec((RB, D), lambda r: (r, 0)),
            pl.BlockSpec((RB, D), lambda r: (r, 0)),
            pl.BlockSpec((RB, E), lambda r: (r, 0)),
            pl.BlockSpec((RB, E), lambda r: (r, 0)),
        ],
        out_shape=[
            jax.ShapeDtypeStruct((S, D), f32),
            jax.ShapeDtypeStruct((S, D), f32),
            jax.ShapeDtypeStruct((S, E), jnp.int32),
            jax.ShapeDtypeStruct((S, E), f32),
        ],
    )(ctx, x2, ow, w2r, gate_W)

    e = ti8[:, :TOPK].reshape(-1)
    perm = jnp.argsort(e, stable=True).astype(jnp.int32)
    es = e[perm]
    counts = jnp.zeros((E,), jnp.int32).at[e].add(1)
    start = jnp.concatenate([jnp.zeros((1,), jnp.int32),
                             jnp.cumsum(counts)[:-1].astype(jnp.int32)])
    pcounts = ((counts + BLK - 1) // BLK) * BLK
    pstart = jnp.concatenate([jnp.zeros((1,), jnp.int32),
                              jnp.cumsum(pcounts)[:-1].astype(jnp.int32)])
    ar = jnp.arange(S * TOPK, dtype=jnp.int32)
    dest = pstart[es] + ar - start[es]
    row_token = jnp.zeros((R,), jnp.int32).at[dest].set(perm // TOPK)
    slot_pos = jnp.zeros((S * TOPK,), jnp.int32).at[perm].set(dest)
    block_expert = jnp.clip(
        jnp.searchsorted(pstart, jnp.arange(NB, dtype=jnp.int32) * BLK,
                         side='right').astype(jnp.int32) - 1, 0, E - 1)
    total_used = pstart[E - 1] + pcounts[E - 1]
    block_live = (jnp.arange(NB, dtype=jnp.int32) * BLK
                  < total_used).astype(jnp.int32)

    xs = _sc_gather(h2, row_token, 80)

    y = pl.pallas_call(
        _stage_d_kern,
        grid_spec=pltpu.PrefetchScalarGridSpec(
            num_scalar_prefetch=2,
            grid=(NB,),
            in_specs=[
                pl.BlockSpec((BLK, D), lambda b, be, bl: (b, 0)),
                pl.BlockSpec((1, D, 2 * HEXP),
                             lambda b, be, bl: (be[b], 0, 0)),
                pl.BlockSpec((1, HEXP, D), lambda b, be, bl: (be[b], 0, 0)),
            ],
            out_specs=pl.BlockSpec((BLK, D), lambda b, be, bl: (b, 0)),
        ),
        out_shape=jax.ShapeDtypeStruct((R, D), f32),
    )(block_expert, block_live, xs, W_gate_up, W_down)

    sp2 = slot_pos.reshape(S, TOPK).T.reshape(-1)
    yg = _sc_gather(y, sp2, 64)

    out = pl.pallas_call(
        _stage_e_kern,
        grid=(nr,),
        in_specs=[
            pl.BlockSpec((RB, D), lambda r: (r, 0)),
            pl.BlockSpec((RB, E), lambda r: (r, 0)),
            pl.BlockSpec((RB, D), lambda r: (r, 0)),
            pl.BlockSpec((RB, D), lambda r: (nr + r, 0)),
        ],
        out_specs=pl.BlockSpec((RB, D), lambda r: (r, 0)),
        out_shape=jax.ShapeDtypeStruct((S, D), f32),
    )(h, tw8, yg, yg)

    return out.reshape(1, S, D)

# --- scband reference (transcript-rebuilt; emitter-appended) ---
"""Pipeline reference for scband-mo-etransformer-block-43894565765188 (READ-ONLY COPY).

The authoritative reference and input builder live on the scoring server;
editing this copy changes nothing except your own understanding.
"""

import jax, jax.numpy as jnp
import numpy as np

B, S, D = 1, 2048, 768
HQ, HKV, HD = 12, 3, 64
E, TOPK, HEXP = 8, 2, 1536
THETA = 10000.0
EPS = 1e-6


def setup_inputs(seed: int = 0) -> dict:
    key = jax.random.key(seed)
    ks = jax.random.split(key, 8)
    s = 0.02
    x = jax.random.normal(ks[0], (B, S, D), dtype=jnp.float32)
    qkv_W = jax.random.normal(ks[1], (D, (HQ + 2 * HKV) * HD), dtype=jnp.float32) * s
    out_W = jax.random.normal(ks[2], (HQ * HD, D), dtype=jnp.float32) * s
    norm1_w = jnp.ones((D,), dtype=jnp.float32)
    norm2_w = jnp.ones((D,), dtype=jnp.float32)
    gate_W = jax.random.normal(ks[3], (D, E), dtype=jnp.float32) * s
    W_gate_up = jax.random.normal(ks[4], (E, D, 2 * HEXP), dtype=jnp.float32) * s
    W_down = jax.random.normal(ks[5], (E, HEXP, D), dtype=jnp.float32) * s
    return {"x": x, "qkv_W": qkv_W, "out_W": out_W, "norm1_w": norm1_w,
            "norm2_w": norm2_w, "gate_W": gate_W, "W_gate_up": W_gate_up, "W_down": W_down}


def _rmsnorm(x, w):
    rms = jnp.sqrt(jnp.mean(x * x, axis=-1, keepdims=True) + EPS)
    return (x / rms) * w


def _rope_tables():
    inv = 1.0 / (THETA ** (jnp.arange(0, HD, 2, dtype=jnp.float32) / HD))
    pos = jnp.arange(S, dtype=jnp.float32)
    freqs = jnp.outer(pos, inv)  # [S, HD/2]
    return jnp.cos(freqs), jnp.sin(freqs)


def _apply_rope(t, cos, sin):
    # t: [B, S, H, HD]
    b, s, h, hd = t.shape
    t2 = t.reshape(b, s, h, hd // 2, 2)
    c = cos[:s][None, :, None, :]
    sn = sin[:s][None, :, None, :]
    r0 = t2[..., 0] * c - t2[..., 1] * sn
    r1 = t2[..., 0] * sn + t2[..., 1] * c
    return jnp.stack([r0, r1], axis=-1).reshape(b, s, h, hd)


def _attention(h, qkv_W, out_W):
    qkv = h @ qkv_W  # [B, S, (HQ+2*HKV)*HD]
    q_size = HQ * HD
    kv_size = HKV * HD
    q = qkv[..., :q_size].reshape(B, S, HQ, HD)
    k = qkv[..., q_size:q_size + kv_size].reshape(B, S, HKV, HD)
    v = qkv[..., q_size + kv_size:].reshape(B, S, HKV, HD)
    cos, sin = _rope_tables()
    q = _apply_rope(q, cos, sin)
    k = _apply_rope(k, cos, sin)
    rep = HQ // HKV
    k = jnp.repeat(k, rep, axis=2)
    v = jnp.repeat(v, rep, axis=2)
    q = q.transpose(0, 2, 1, 3)  # [B, HQ, S, HD]
    k = k.transpose(0, 2, 1, 3)
    v = v.transpose(0, 2, 1, 3)
    scale = 1.0 / jnp.sqrt(jnp.float32(HD))
    scores = jnp.einsum('bhqd,bhkd->bhqk', q, k) * scale
    causal = jnp.tril(jnp.ones((S, S), dtype=bool))
    scores = jnp.where(causal[None, None, :, :], scores, jnp.float32(-1e30))
    attn = jax.nn.softmax(scores, axis=-1)
    ctx = jnp.einsum('bhqk,bhkd->bhqd', attn, v)
    ctx = ctx.transpose(0, 2, 1, 3).reshape(B, S, HQ * HD)
    return ctx @ out_W


def _moe(h, gate_W, W_gate_up, W_down):
    N = B * S
    xt = h.reshape(N, D)
    logits = xt @ gate_W  # [N, E]
    probs = jax.nn.softmax(logits, axis=-1)
    topv, topi = jax.lax.top_k(probs, TOPK)
    weights = topv / jnp.sum(topv, axis=-1, keepdims=True)  # renormalize top-k
    w_full = jnp.zeros((N, E), dtype=jnp.float32).at[jnp.arange(N)[:, None], topi].add(weights)
    gu = jnp.einsum('nd,edh->neh', xt, W_gate_up)  # [N, E, 2*HEXP]
    gate, up = gu[..., :HEXP], gu[..., HEXP:]
    act = jax.nn.silu(gate) * up
    down = jnp.einsum('neh,ehd->ned', act, W_down)  # [N, E, D]
    out = jnp.sum(w_full[:, :, None] * down, axis=1)
    return out.reshape(B, S, D)


def reference(x, qkv_W, out_W, norm1_w, norm2_w, gate_W, W_gate_up, W_down):
    h = x + _attention(_rmsnorm(x, norm1_w), qkv_W, out_W)
    out = h + _moe(_rmsnorm(h, norm2_w), gate_W, W_gate_up, W_down)
    return out

if __name__ == "__main__":
    import jax
    _d = setup_inputs()
    print(jax.jit(kernel)(*tuple(_d.values())))

</pallas_src>

<mosaic_0001>
#map = affine_map<(d0, d1) -> (0, 0)>
#map1 = affine_map<(d0, d1) -> (0, 0, 0)>
module attributes {stable_mosaic.version = 14 : i64} {
  func.func @gk(%arg0: i32, %arg1: i32, %arg2: memref<2048x768xf32, #tpu.memory_space<hbm>>, %arg3: memref<32x2x80xi32, #tpu.memory_space<hbm>>, %arg4: memref<5120x768xf32, #tpu.memory_space<hbm>>, %arg5: memref<2x80xi32, #tpu.memory_space<vmem>>, %arg6: memref<160x768xf32, #tpu.memory_space<vmem>>, %arg7: memref<!tpu.dma_semaphore, #tpu.memory_space<semaphore_mem>>) attributes {dimension_semantics = [#tpu.dimension_semantics<core_parallel>, #tpu.dimension_semantics<subcore_parallel>], iteration_bounds = array<i64: 2, 16>, scalar_prefetch = 0 : i64, scratch_operands = 3 : i64, tpu.core_type = #tpu.core_type<sc_vector_subcore>, window_params = [{transform_indices = #map}, {transform_indices = #map1}, {transform_indices = #map}]} {
    %mul3A = arith.constant 2 : i32
    %mul3A_0 = arith.muli %arg1, %mul3A : i32
    %add3A = arith.addi %mul3A_0, %arg0 : i32
    %mul3A_1 = arith.constant 160 : i32
    %mul3A_2 = arith.muli %add3A, %mul3A_1 : i32
    "tpu.region"() ({
      %run_scoped3A = tpu.sem_alloc : memref<!tpu.dma_semaphore, #tpu.memory_space<semaphore_mem>>
      %dma_start3A_45 = arith.constant 0 : i32
      %dma_start3A_46 = arith.constant 0 : i32
      %dma_start3A_47 = tpu.memref_slice %arg3[%add3A, %dma_start3A_45, %dma_start3A_46] : memref<32x2x80xi32, #tpu.memory_space<hbm>> -> memref<1x2x80xi32, #tpu.memory_space<hbm>>
      %dma_start3A_48 = tpu.memref_squeeze %dma_start3A_47 : memref<1x2x80xi32, #tpu.memory_space<hbm>> -> memref<2x80xi32, #tpu.memory_space<hbm>>
      %dma_start3A_49 = arith.constant 0 : i32
      %dma_start3A_50 = arith.constant 0 : i32
      %dma_start3A_51 = tpu.memref_slice %arg3[%add3A, %dma_start3A_49, %dma_start3A_50] : memref<32x2x80xi32, #tpu.memory_space<hbm>> -> memref<1x2x80xi32, #tpu.memory_space<hbm>>
      %dma_start3A_52 = tpu.memref_squeeze %dma_start3A_51 : memref<1x2x80xi32, #tpu.memory_space<hbm>> -> memref<2x80xi32, #tpu.memory_space<hbm>>
      tpu.enqueue_dma source(%dma_start3A_52 : memref<2x80xi32, #tpu.memory_space<hbm>>) target(%arg5 : memref<2x80xi32, #tpu.memory_space<vmem>>) target_semaphore(%run_scoped3A : memref<!tpu.dma_semaphore, #tpu.memory_space<semaphore_mem>>)
      %dma_wait3A_53 = arith.constant 0 : i32
      %dma_wait3A_54 = arith.constant 0 : i32
      %dma_wait3A_55 = tpu.memref_slice %arg3[%add3A, %dma_wait3A_53, %dma_wait3A_54] : memref<32x2x80xi32, #tpu.memory_space<hbm>> -> memref<1x2x80xi32, #tpu.memory_space<hbm>>
      %dma_wait3A_56 = tpu.memref_squeeze %dma_wait3A_55 : memref<1x2x80xi32, #tpu.memory_space<hbm>> -> memref<2x80xi32, #tpu.memory_space<hbm>>
      %dma_wait3A_57 = arith.constant 0 : i32
      %dma_wait3A_58 = arith.constant 0 : i32
      %dma_wait3A_59 = tpu.memref_slice %arg3[%add3A, %dma_wait3A_57, %dma_wait3A_58] : memref<32x2x80xi32, #tpu.memory_space<hbm>> -> memref<1x2x80xi32, #tpu.memory_space<hbm>>
      %dma_wait3A_60 = tpu.memref_squeeze %dma_wait3A_59 : memref<1x2x80xi32, #tpu.memory_space<hbm>> -> memref<2x80xi32, #tpu.memory_space<hbm>>
      tpu.wait_dma2 semaphore(%run_scoped3A : memref<!tpu.dma_semaphore, #tpu.memory_space<semaphore_mem>>) src(%dma_wait3A_60 : memref<2x80xi32, #tpu.memory_space<hbm>>) dst(%arg5 : memref<2x80xi32, #tpu.memory_space<vmem>>)
      tpu.yield
    }) : () -> ()
    %dma_start3A = arith.constant 0 : i32
    %dma_start3A_3 = arith.constant 0 : i32
    %dma_start3A_4 = arith.constant 0 : i32
    %dma_start3A_5 = tpu.memref_slice %arg6[%dma_start3A_3, %dma_start3A_4] : memref<160x768xf32, #tpu.memory_space<vmem>> -> memref<80x768xf32, #tpu.memory_space<vmem>>
    %dma_start3A_6 = arith.constant 0 : i32
    %dma_start3A_7 = tpu.memref_slice %arg5[%dma_start3A, %dma_start3A_6] : memref<2x80xi32, #tpu.memory_space<vmem>> -> memref<1x80xi32, #tpu.memory_space<vmem>>
    %dma_start3A_8 = tpu.memref_squeeze %dma_start3A_7 : memref<1x80xi32, #tpu.memory_space<vmem>> -> memref<80xi32, #tpu.memory_space<vmem>>
    %dma_start3A_9 = arith.constant 0 : i32
    %dma_start3A_10 = arith.constant 0 : i32
    %dma_start3A_11 = tpu.memref_slice %arg2[%dma_start3A_9, %dma_start3A_10] : memref<2048x768xf32, #tpu.memory_space<hbm>> -> memref<2048x768xf32, #tpu.memory_space<hbm>>
    tpu.enqueue_indirect_dma source(%dma_start3A_11 : memref<2048x768xf32, #tpu.memory_space<hbm>>) target(%dma_start3A_5 : memref<80x768xf32, #tpu.memory_space<vmem>>) offsets(%dma_start3A_8 : memref<80xi32, #tpu.memory_space<vmem>>) semaphore(%arg7 : memref<!tpu.dma_semaphore, #tpu.memory_space<semaphore_mem>>)
    %dma_start3A_12 = arith.constant 1 : i32
    %dma_start3A_13 = arith.constant 80 : i32
    %dma_start3A_14 = arith.constant 0 : i32
    %dma_start3A_15 = tpu.memref_slice %arg6[%dma_start3A_13, %dma_start3A_14] : memref<160x768xf32, #tpu.memory_space<vmem>> -> memref<80x768xf32, #tpu.memory_space<vmem>>
    %dma_start3A_16 = arith.constant 0 : i32
    %dma_start3A_17 = tpu.memref_slice %arg5[%dma_start3A_12, %dma_start3A_16] : memref<2x80xi32, #tpu.memory_space<vmem>> -> memref<1x80xi32, #tpu.memory_space<vmem>>
    %dma_start3A_18 = tpu.memref_squeeze %dma_start3A_17 : memref<1x80xi32, #tpu.memory_space<vmem>> -> memref<80xi32, #tpu.memory_space<vmem>>
    %dma_start3A_19 = arith.constant 0 : i32
    %dma_start3A_20 = arith.constant 0 : i32
    %dma_start3A_21 = tpu.memref_slice %arg2[%dma_start3A_19, %dma_start3A_20] : memref<2048x768xf32, #tpu.memory_space<hbm>> -> memref<2048x768xf32, #tpu.memory_space<hbm>>
    tpu.enqueue_indirect_dma source(%dma_start3A_21 : memref<2048x768xf32, #tpu.memory_space<hbm>>) target(%dma_start3A_15 : memref<80x768xf32, #tpu.memory_space<vmem>>) offsets(%dma_start3A_18 : memref<80xi32, #tpu.memory_space<vmem>>) semaphore(%arg7 : memref<!tpu.dma_semaphore, #tpu.memory_space<semaphore_mem>>)
    %dma_wait3A = arith.constant 0 : i32
    %dma_wait3A_22 = arith.constant 0 : i32
    %dma_wait3A_23 = arith.constant 0 : i32
    %dma_wait3A_24 = tpu.memref_slice %arg6[%dma_wait3A_22, %dma_wait3A_23] : memref<160x768xf32, #tpu.memory_space<vmem>> -> memref<80x768xf32, #tpu.memory_space<vmem>>
    %dma_wait3A_25 = arith.constant 0 : i32
    %dma_wait3A_26 = tpu.memref_slice %arg5[%dma_wait3A, %dma_wait3A_25] : memref<2x80xi32, #tpu.memory_space<vmem>> -> memref<1x80xi32, #tpu.memory_space<vmem>>
    %dma_wait3A_27 = tpu.memref_squeeze %dma_wait3A_26 : memref<1x80xi32, #tpu.memory_space<vmem>> -> memref<80xi32, #tpu.memory_space<vmem>>
    %dma_wait3A_28 = arith.constant 0 : i32
    %dma_wait3A_29 = arith.constant 0 : i32
    %dma_wait3A_30 = tpu.memref_slice %arg2[%dma_wait3A_28, %dma_wait3A_29] : memref<2048x768xf32, #tpu.memory_space<hbm>> -> memref<2048x768xf32, #tpu.memory_space<hbm>>
    tpu.wait_indirect_dma semaphore(%arg7 : memref<!tpu.dma_semaphore, #tpu.memory_space<semaphore_mem>>) src(%dma_wait3A_30 : memref<2048x768xf32, #tpu.memory_space<hbm>>) dst(%dma_wait3A_24 : memref<80x768xf32, #tpu.memory_space<vmem>>)
    %add3A_31 = arith.constant 0 : i32
    %add3A_32 = arith.addi %mul3A_2, %add3A_31 : i32
    "tpu.region"() ({
      %run_scoped3A = tpu.sem_alloc : memref<!tpu.dma_semaphore, #tpu.memory_space<semaphore_mem>>
      %dma_start3A_45 = arith.constant 0 : i32
      %dma_start3A_46 = arith.constant 0 : i32
      %dma_start3A_47 = tpu.memref_slice %arg6[%dma_start3A_45, %dma_start3A_46] : memref<160x768xf32, #tpu.memory_space<vmem>> -> memref<80x768xf32, #tpu.memory_space<vmem>>
      %dma_start3A_48 = arith.constant 0 : i32
      %dma_start3A_49 = tpu.memref_slice %arg4[%add3A_32, %dma_start3A_48] : memref<5120x768xf32, #tpu.memory_space<hbm>> -> memref<80x768xf32, #tpu.memory_space<hbm>>
      %dma_start3A_50 = arith.constant 0 : i32
      %dma_start3A_51 = tpu.memref_slice %arg4[%add3A_32, %dma_start3A_50] : memref<5120x768xf32, #tpu.memory_space<hbm>> -> memref<80x768xf32, #tpu.memory_space<hbm>>
      %dma_start3A_52 = arith.constant 0 : i32
      %dma_start3A_53 = arith.constant 0 : i32
      %dma_start3A_54 = tpu.memref_slice %arg6[%dma_start3A_52, %dma_start3A_53] : memref<160x768xf32, #tpu.memory_space<vmem>> -> memref<80x768xf32, #tpu.memory_space<vmem>>
      tpu.enqueue_dma source(%dma_start3A_54 : memref<80x768xf32, #tpu.memory_space<vmem>>) target(%dma_start3A_51 : memref<80x768xf32, #tpu.memory_space<hbm>>) target_semaphore(%run_scoped3A : memref<!tpu.dma_semaphore, #tpu.memory_space<semaphore_mem>>)
      %dma_wait3A_55 = arith.constant 0 : i32
      %dma_wait3A_56 = arith.constant 0 : i32
      %dma_wait3A_57 = tpu.memref_slice %arg6[%dma_wait3A_55, %dma_wait3A_56] : memref<160x768xf32, #tpu.memory_space<vmem>> -> memref<80x768xf32, #tpu.memory_space<vmem>>
      %dma_wait3A_58 = arith.constant 0 : i32
      %dma_wait3A_59 = tpu.memref_slice %arg4[%add3A_32, %dma_wait3A_58] : memref<5120x768xf32, #tpu.memory_space<hbm>> -> memref<80x768xf32, #tpu.memory_space<hbm>>
      %dma_wait3A_60 = arith.constant 0 : i32
      %dma_wait3A_61 = tpu.memref_slice %arg4[%add3A_32, %dma_wait3A_60] : memref<5120x768xf32, #tpu.memory_space<hbm>> -> memref<80x768xf32, #tpu.memory_space<hbm>>
      %dma_wait3A_62 = arith.constant 0 : i32
      %dma_wait3A_63 = arith.constant 0 : i32
      %dma_wait3A_64 = tpu.memref_slice %arg6[%dma_wait3A_62, %dma_wait3A_63] : memref<160x768xf32, #tpu.memory_space<vmem>> -> memref<80x768xf32, #tpu.memory_space<vmem>>
      tpu.wait_dma2 semaphore(%run_scoped3A : memref<!tpu.dma_semaphore, #tpu.memory_space<semaphore_mem>>) src(%dma_wait3A_64 : memref<80x768xf32, #tpu.memory_space<vmem>>) dst(%dma_wait3A_61 : memref<80x768xf32, #tpu.memory_space<hbm>>)
      tpu.yield
    }) : () -> ()
    %dma_wait3A_33 = arith.constant 1 : i32
    %dma_wait3A_34 = arith.constant 80 : i32
    %dma_wait3A_35 = arith.constant 0 : i32
    %dma_wait3A_36 = tpu.memref_slice %arg6[%dma_wait3A_34, %dma_wait3A_35] : memref<160x768xf32, #tpu.memory_space<vmem>> -> memref<80x768xf32, #tpu.memory_space<vmem>>
    %dma_wait3A_37 = arith.constant 0 : i32
    %dma_wait3A_38 = tpu.memref_slice %arg5[%dma_wait3A_33, %dma_wait3A_37] : memref<2x80xi32, #tpu.memory_space<vmem>> -> memref<1x80xi32, #tpu.memory_space<vmem>>
    %dma_wait3A_39 = tpu.memref_squeeze %dma_wait3A_38 : memref<1x80xi32, #tpu.memory_space<vmem>> -> memref<80xi32, #tpu.memory_space<vmem>>
    %dma_wait3A_40 = arith.constant 0 : i32
    %dma_wait3A_41 = arith.constant 0 : i32
    %dma_wait3A_42 = tpu.memref_slice %arg2[%dma_wait3A_40, %dma_wait3A_41] : memref<2048x768xf32, #tpu.memory_space<hbm>> -> memref<2048x768xf32, #tpu.memory_space<hbm>>
    tpu.wait_indirect_dma semaphore(%arg7 : memref<!tpu.dma_semaphore, #tpu.memory_space<semaphore_mem>>) src(%dma_wait3A_42 : memref<2048x768xf32, #tpu.memory_space<hbm>>) dst(%dma_wait3A_36 : memref<80x768xf32, #tpu.memory_space<vmem>>)
    %add3A_43 = arith.constant 80 : i32
    %add3A_44 = arith.addi %mul3A_2, %add3A_43 : i32
    "tpu.region"() ({
      %run_scoped3A = tpu.sem_alloc : memref<!tpu.dma_semaphore, #tpu.memory_space<semaphore_mem>>
      %dma_start3A_45 = arith.constant 80 : i32
      %dma_start3A_46 = arith.constant 0 : i32
      %dma_start3A_47 = tpu.memref_slice %arg6[%dma_start3A_45, %dma_start3A_46] : memref<160x768xf32, #tpu.memory_space<vmem>> -> memref<80x768xf32, #tpu.memory_space<vmem>>
      %dma_start3A_48 = arith.constant 0 : i32
      %dma_start3A_49 = tpu.memref_slice %arg4[%add3A_44, %dma_start3A_48] : memref<5120x768xf32, #tpu.memory_space<hbm>> -> memref<80x768xf32, #tpu.memory_space<hbm>>
      %dma_start3A_50 = arith.constant 0 : i32
      %dma_start3A_51 = tpu.memref_slice %arg4[%add3A_44, %dma_start3A_50] : memref<5120x768xf32, #tpu.memory_space<hbm>> -> memref<80x768xf32, #tpu.memory_space<hbm>>
      %dma_start3A_52 = arith.constant 80 : i32
      %dma_start3A_53 = arith.constant 0 : i32
      %dma_start3A_54 = tpu.memref_slice %arg6[%dma_start3A_52, %dma_start3A_53] : memref<160x768xf32, #tpu.memory_space<vmem>> -> memref<80x768xf32, #tpu.memory_space<vmem>>
      tpu.enqueue_dma source(%dma_start3A_54 : memref<80x768xf32, #tpu.memory_space<vmem>>) target(%dma_start3A_51 : memref<80x768xf32, #tpu.memory_space<hbm>>) target_semaphore(%run_scoped3A : memref<!tpu.dma_semaphore, #tpu.memory_space<semaphore_mem>>)
      %dma_wait3A_55 = arith.constant 80 : i32
      %dma_wait3A_56 = arith.constant 0 : i32
      %dma_wait3A_57 = tpu.memref_slice %arg6[%dma_wait3A_55, %dma_wait3A_56] : memref<160x768xf32, #tpu.memory_space<vmem>> -> memref<80x768xf32, #tpu.memory_space<vmem>>
      %dma_wait3A_58 = arith.constant 0 : i32
      %dma_wait3A_59 = tpu.memref_slice %arg4[%add3A_44, %dma_wait3A_58] : memref<5120x768xf32, #tpu.memory_space<hbm>> -> memref<80x768xf32, #tpu.memory_space<hbm>>
      %dma_wait3A_60 = arith.constant 0 : i32
      %dma_wait3A_61 = tpu.memref_slice %arg4[%add3A_44, %dma_wait3A_60] : memref<5120x768xf32, #tpu.memory_space<hbm>> -> memref<80x768xf32, #tpu.memory_space<hbm>>
      %dma_wait3A_62 = arith.constant 80 : i32
      %dma_wait3A_63 = arith.constant 0 : i32
      %dma_wait3A_64 = tpu.memref_slice %arg6[%dma_wait3A_62, %dma_wait3A_63] : memref<160x768xf32, #tpu.memory_space<vmem>> -> memref<80x768xf32, #tpu.memory_space<vmem>>
      tpu.wait_dma2 semaphore(%run_scoped3A : memref<!tpu.dma_semaphore, #tpu.memory_space<semaphore_mem>>) src(%dma_wait3A_64 : memref<80x768xf32, #tpu.memory_space<vmem>>) dst(%dma_wait3A_61 : memref<80x768xf32, #tpu.memory_space<hbm>>)
      tpu.yield
    }) : () -> ()
    return
  }
}

#map = affine_map<(d0, d1) -> (0, 0)>
#map1 = affine_map<(d0, d1) -> (0, 0, 0)>
module attributes {stable_mosaic.version = 14 : i64} {
  func.func @gk(%arg0: i32, %arg1: i32, %arg2: memref<5120x768xf32, #tpu.memory_space<hbm>>, %arg3: memref<32x2x64xi32, #tpu.memory_space<hbm>>, %arg4: memref<4096x768xf32, #tpu.memory_space<hbm>>, %arg5: memref<2x64xi32, #tpu.memory_space<vmem>>, %arg6: memref<128x768xf32, #tpu.memory_space<vmem>>, %arg7: memref<!tpu.dma_semaphore, #tpu.memory_space<semaphore_mem>>) attributes {dimension_semantics = [#tpu.dimension_semantics<core_parallel>, #tpu.dimension_semantics<subcore_parallel>], iteration_bounds = array<i64: 2, 16>, scalar_prefetch = 0 : i64, scratch_operands = 3 : i64, tpu.core_type = #tpu.core_type<sc_vector_subcore>, window_params = [{transform_indices = #map}, {transform_indices = #map1}, {transform_indices = #map}]} {
    %mul3A = arith.constant 2 : i32
    %mul3A_0 = arith.muli %arg1, %mul3A : i32
    %add3A = arith.addi %mul3A_0, %arg0 : i32
    %mul3A_1 = arith.constant 128 : i32
    %mul3A_2 = arith.muli %add3A, %mul3A_1 : i32
    "tpu.region"() ({
      %run_scoped3A = tpu.sem_alloc : memref<!tpu.dma_semaphore, #tpu.memory_space<semaphore_mem>>
      %dma_start3A_45 = arith.constant 0 : i32
      %dma_start3A_46 = arith.constant 0 : i32
      %dma_start3A_47 = tpu.memref_slice %arg3[%add3A, %dma_start3A_45, %dma_start3A_46] : memref<32x2x64xi32, #tpu.memory_space<hbm>> -> memref<1x2x64xi32, #tpu.memory_space<hbm>>
      %dma_start3A_48 = tpu.memref_squeeze %dma_start3A_47 : memref<1x2x64xi32, #tpu.memory_space<hbm>> -> memref<2x64xi32, #tpu.memory_space<hbm>>
      %dma_start3A_49 = arith.constant 0 : i32
      %dma_start3A_50 = arith.constant 0 : i32
      %dma_start3A_51 = tpu.memref_slice %arg3[%add3A, %dma_start3A_49, %dma_start3A_50] : memref<32x2x64xi32, #tpu.memory_space<hbm>> -> memref<1x2x64xi32, #tpu.memory_space<hbm>>
      %dma_start3A_52 = tpu.memref_squeeze %dma_start3A_51 : memref<1x2x64xi32, #tpu.memory_space<hbm>> -> memref<2x64xi32, #tpu.memory_space<hbm>>
      tpu.enqueue_dma source(%dma_start3A_52 : memref<2x64xi32, #tpu.memory_space<hbm>>) target(%arg5 : memref<2x64xi32, #tpu.memory_space<vmem>>) target_semaphore(%run_scoped3A : memref<!tpu.dma_semaphore, #tpu.memory_space<semaphore_mem>>)
      %dma_wait3A_53 = arith.constant 0 : i32
      %dma_wait3A_54 = arith.constant 0 : i32
      %dma_wait3A_55 = tpu.memref_slice %arg3[%add3A, %dma_wait3A_53, %dma_wait3A_54] : memref<32x2x64xi32, #tpu.memory_space<hbm>> -> memref<1x2x64xi32, #tpu.memory_space<hbm>>
      %dma_wait3A_56 = tpu.memref_squeeze %dma_wait3A_55 : memref<1x2x64xi32, #tpu.memory_space<hbm>> -> memref<2x64xi32, #tpu.memory_space<hbm>>
      %dma_wait3A_57 = arith.constant 0 : i32
      %dma_wait3A_58 = arith.constant 0 : i32
      %dma_wait3A_59 = tpu.memref_slice %arg3[%add3A, %dma_wait3A_57, %dma_wait3A_58] : memref<32x2x64xi32, #tpu.memory_space<hbm>> -> memref<1x2x64xi32, #tpu.memory_space<hbm>>
      %dma_wait3A_60 = tpu.memref_squeeze %dma_wait3A_59 : memref<1x2x64xi32, #tpu.memory_space<hbm>> -> memref<2x64xi32, #tpu.memory_space<hbm>>
      tpu.wait_dma2 semaphore(%run_scoped3A : memref<!tpu.dma_semaphore, #tpu.memory_space<semaphore_mem>>) src(%dma_wait3A_60 : memref<2x64xi32, #tpu.memory_space<hbm>>) dst(%arg5 : memref<2x64xi32, #tpu.memory_space<vmem>>)
      tpu.yield
    }) : () -> ()
    %dma_start3A = arith.constant 0 : i32
    %dma_start3A_3 = arith.constant 0 : i32
    %dma_start3A_4 = arith.constant 0 : i32
    %dma_start3A_5 = tpu.memref_slice %arg6[%dma_start3A_3, %dma_start3A_4] : memref<128x768xf32, #tpu.memory_space<vmem>> -> memref<64x768xf32, #tpu.memory_space<vmem>>
    %dma_start3A_6 = arith.constant 0 : i32
    %dma_start3A_7 = tpu.memref_slice %arg5[%dma_start3A, %dma_start3A_6] : memref<2x64xi32, #tpu.memory_space<vmem>> -> memref<1x64xi32, #tpu.memory_space<vmem>>
    %dma_start3A_8 = tpu.memref_squeeze %dma_start3A_7 : memref<1x64xi32, #tpu.memory_space<vmem>> -> memref<64xi32, #tpu.memory_space<vmem>>
    %dma_start3A_9 = arith.constant 0 : i32
    %dma_start3A_10 = arith.constant 0 : i32
    %dma_start3A_11 = tpu.memref_slice %arg2[%dma_start3A_9, %dma_start3A_10] : memref<5120x768xf32, #tpu.memory_space<hbm>> -> memref<5120x768xf32, #tpu.memory_space<hbm>>
    tpu.enqueue_indirect_dma source(%dma_start3A_11 : memref<5120x768xf32, #tpu.memory_space<hbm>>) target(%dma_start3A_5 : memref<64x768xf32, #tpu.memory_space<vmem>>) offsets(%dma_start3A_8 : memref<64xi32, #tpu.memory_space<vmem>>) semaphore(%arg7 : memref<!tpu.dma_semaphore, #tpu.memory_space<semaphore_mem>>)
    %dma_start3A_12 = arith.constant 1 : i32
    %dma_start3A_13 = arith.constant 64 : i32
    %dma_start3A_14 = arith.constant 0 : i32
    %dma_start3A_15 = tpu.memref_slice %arg6[%dma_start3A_13, %dma_start3A_14] : memref<128x768xf32, #tpu.memory_space<vmem>> -> memref<64x768xf32, #tpu.memory_space<vmem>>
    %dma_start3A_16 = arith.constant 0 : i32
    %dma_start3A_17 = tpu.memref_slice %arg5[%dma_start3A_12, %dma_start3A_16] : memref<2x64xi32, #tpu.memory_space<vmem>> -> memref<1x64xi32, #tpu.memory_space<vmem>>
    %dma_start3A_18 = tpu.memref_squeeze %dma_start3A_17 : memref<1x64xi32, #tpu.memory_space<vmem>> -> memref<64xi32, #tpu.memory_space<vmem>>
    %dma_start3A_19 = arith.constant 0 : i32
    %dma_start3A_20 = arith.constant 0 : i32
    %dma_start3A_21 = tpu.memref_slice %arg2[%dma_start3A_19, %dma_start3A_20] : memref<5120x768xf32, #tpu.memory_space<hbm>> -> memref<5120x768xf32, #tpu.memory_space<hbm>>
    tpu.enqueue_indirect_dma source(%dma_start3A_21 : memref<5120x768xf32, #tpu.memory_space<hbm>>) target(%dma_start3A_15 : memref<64x768xf32, #tpu.memory_space<vmem>>) offsets(%dma_start3A_18 : memref<64xi32, #tpu.memory_space<vmem>>) semaphore(%arg7 : memref<!tpu.dma_semaphore, #tpu.memory_space<semaphore_mem>>)
    %dma_wait3A = arith.constant 0 : i32
    %dma_wait3A_22 = arith.constant 0 : i32
    %dma_wait3A_23 = arith.constant 0 : i32
    %dma_wait3A_24 = tpu.memref_slice %arg6[%dma_wait3A_22, %dma_wait3A_23] : memref<128x768xf32, #tpu.memory_space<vmem>> -> memref<64x768xf32, #tpu.memory_space<vmem>>
    %dma_wait3A_25 = arith.constant 0 : i32
    %dma_wait3A_26 = tpu.memref_slice %arg5[%dma_wait3A, %dma_wait3A_25] : memref<2x64xi32, #tpu.memory_space<vmem>> -> memref<1x64xi32, #tpu.memory_space<vmem>>
    %dma_wait3A_27 = tpu.memref_squeeze %dma_wait3A_26 : memref<1x64xi32, #tpu.memory_space<vmem>> -> memref<64xi32, #tpu.memory_space<vmem>>
    %dma_wait3A_28 = arith.constant 0 : i32
    %dma_wait3A_29 = arith.constant 0 : i32
    %dma_wait3A_30 = tpu.memref_slice %arg2[%dma_wait3A_28, %dma_wait3A_29] : memref<5120x768xf32, #tpu.memory_space<hbm>> -> memref<5120x768xf32, #tpu.memory_space<hbm>>
    tpu.wait_indirect_dma semaphore(%arg7 : memref<!tpu.dma_semaphore, #tpu.memory_space<semaphore_mem>>) src(%dma_wait3A_30 : memref<5120x768xf32, #tpu.memory_space<hbm>>) dst(%dma_wait3A_24 : memref<64x768xf32, #tpu.memory_space<vmem>>)
    %add3A_31 = arith.constant 0 : i32
    %add3A_32 = arith.addi %mul3A_2, %add3A_31 : i32
    "tpu.region"() ({
      %run_scoped3A = tpu.sem_alloc : memref<!tpu.dma_semaphore, #tpu.memory_space<semaphore_mem>>
      %dma_start3A_45 = arith.constant 0 : i32
      %dma_start3A_46 = arith.constant 0 : i32
      %dma_start3A_47 = tpu.memref_slice %arg6[%dma_start3A_45, %dma_start3A_46] : memref<128x768xf32, #tpu.memory_space<vmem>> -> memref<64x768xf32, #tpu.memory_space<vmem>>
      %dma_start3A_48 = arith.constant 0 : i32
      %dma_start3A_49 = tpu.memref_slice %arg4[%add3A_32, %dma_start3A_48] : memref<4096x768xf32, #tpu.memory_space<hbm>> -> memref<64x768xf32, #tpu.memory_space<hbm>>
      %dma_start3A_50 = arith.constant 0 : i32
      %dma_start3A_51 = tpu.memref_slice %arg4[%add3A_32, %dma_start3A_50] : memref<4096x768xf32, #tpu.memory_space<hbm>> -> memref<64x768xf32, #tpu.memory_space<hbm>>
      %dma_start3A_52 = arith.constant 0 : i32
      %dma_start3A_53 = arith.constant 0 : i32
      %dma_start3A_54 = tpu.memref_slice %arg6[%dma_start3A_52, %dma_start3A_53] : memref<128x768xf32, #tpu.memory_space<vmem>> -> memref<64x768xf32, #tpu.memory_space<vmem>>
      tpu.enqueue_dma source(%dma_start3A_54 : memref<64x768xf32, #tpu.memory_space<vmem>>) target(%dma_start3A_51 : memref<64x768xf32, #tpu.memory_space<hbm>>) target_semaphore(%run_scoped3A : memref<!tpu.dma_semaphore, #tpu.memory_space<semaphore_mem>>)
      %dma_wait3A_55 = arith.constant 0 : i32
      %dma_wait3A_56 = arith.constant 0 : i32
      %dma_wait3A_57 = tpu.memref_slice %arg6[%dma_wait3A_55, %dma_wait3A_56] : memref<128x768xf32, #tpu.memory_space<vmem>> -> memref<64x768xf32, #tpu.memory_space<vmem>>
      %dma_wait3A_58 = arith.constant 0 : i32
      %dma_wait3A_59 = tpu.memref_slice %arg4[%add3A_32, %dma_wait3A_58] : memref<4096x768xf32, #tpu.memory_space<hbm>> -> memref<64x768xf32, #tpu.memory_space<hbm>>
      %dma_wait3A_60 = arith.constant 0 : i32
      %dma_wait3A_61 = tpu.memref_slice %arg4[%add3A_32, %dma_wait3A_60] : memref<4096x768xf32, #tpu.memory_space<hbm>> -> memref<64x768xf32, #tpu.memory_space<hbm>>
      %dma_wait3A_62 = arith.constant 0 : i32
      %dma_wait3A_63 = arith.constant 0 : i32
      %dma_wait3A_64 = tpu.memref_slice %arg6[%dma_wait3A_62, %dma_wait3A_63] : memref<128x768xf32, #tpu.memory_space<vmem>> -> memref<64x768xf32, #tpu.memory_space<vmem>>
      tpu.wait_dma2 semaphore(%run_scoped3A : memref<!tpu.dma_semaphore, #tpu.memory_space<semaphore_mem>>) src(%dma_wait3A_64 : memref<64x768xf32, #tpu.memory_space<vmem>>) dst(%dma_wait3A_61 : memref<64x768xf32, #tpu.memory_space<hbm>>)
      tpu.yield
    }) : () -> ()
    %dma_wait3A_33 = arith.constant 1 : i32
    %dma_wait3A_34 = arith.constant 64 : i32
    %dma_wait3A_35 = arith.constant 0 : i32
    %dma_wait3A_36 = tpu.memref_slice %arg6[%dma_wait3A_34, %dma_wait3A_35] : memref<128x768xf32, #tpu.memory_space<vmem>> -> memref<64x768xf32, #tpu.memory_space<vmem>>
    %dma_wait3A_37 = arith.constant 0 : i32
    %dma_wait3A_38 = tpu.memref_slice %arg5[%dma_wait3A_33, %dma_wait3A_37] : memref<2x64xi32, #tpu.memory_space<vmem>> -> memref<1x64xi32, #tpu.memory_space<vmem>>
    %dma_wait3A_39 = tpu.memref_squeeze %dma_wait3A_38 : memref<1x64xi32, #tpu.memory_space<vmem>> -> memref<64xi32, #tpu.memory_space<vmem>>
    %dma_wait3A_40 = arith.constant 0 : i32
    %dma_wait3A_41 = arith.constant 0 : i32
    %dma_wait3A_42 = tpu.memref_slice %arg2[%dma_wait3A_40, %dma_wait3A_41] : memref<5120x768xf32, #tpu.memory_space<hbm>> -> memref<5120x768xf32, #tpu.memory_space<hbm>>
    tpu.wait_indirect_dma semaphore(%arg7 : memref<!tpu.dma_semaphore, #tpu.memory_space<semaphore_mem>>) src(%dma_wait3A_42 : memref<5120x768xf32, #tpu.memory_space<hbm>>) dst(%dma_wait3A_36 : memref<64x768xf32, #tpu.memory_space<vmem>>)
    %add3A_43 = arith.constant 64 : i32
    %add3A_44 = arith.addi %mul3A_2, %add3A_43 : i32
    "tpu.region"() ({
      %run_scoped3A = tpu.sem_alloc : memref<!tpu.dma_semaphore, #tpu.memory_space<semaphore_mem>>
      %dma_start3A_45 = arith.constant 64 : i32
      %dma_start3A_46 = arith.constant 0 : i32
      %dma_start3A_47 = tpu.memref_slice %arg6[%dma_start3A_45, %dma_start3A_46] : memref<128x768xf32, #tpu.memory_space<vmem>> -> memref<64x768xf32, #tpu.memory_space<vmem>>
      %dma_start3A_48 = arith.constant 0 : i32
      %dma_start3A_49 = tpu.memref_slice %arg4[%add3A_44, %dma_start3A_48] : memref<4096x768xf32, #tpu.memory_space<hbm>> -> memref<64x768xf32, #tpu.memory_space<hbm>>
      %dma_start3A_50 = arith.constant 0 : i32
      %dma_start3A_51 = tpu.memref_slice %arg4[%add3A_44, %dma_start3A_50] : memref<4096x768xf32, #tpu.memory_space<hbm>> -> memref<64x768xf32, #tpu.memory_space<hbm>>
      %dma_start3A_52 = arith.constant 64 : i32
      %dma_start3A_53 = arith.constant 0 : i32
      %dma_start3A_54 = tpu.memref_slice %arg6[%dma_start3A_52, %dma_start3A_53] : memref<128x768xf32, #tpu.memory_space<vmem>> -> memref<64x768xf32, #tpu.memory_space<vmem>>
      tpu.enqueue_dma source(%dma_start3A_54 : memref<64x768xf32, #tpu.memory_space<vmem>>) target(%dma_start3A_51 : memref<64x768xf32, #tpu.memory_space<hbm>>) target_semaphore(%run_scoped3A : memref<!tpu.dma_semaphore, #tpu.memory_space<semaphore_mem>>)
      %dma_wait3A_55 = arith.constant 64 : i32
      %dma_wait3A_56 = arith.constant 0 : i32
      %dma_wait3A_57 = tpu.memref_slice %arg6[%dma_wait3A_55, %dma_wait3A_56] : memref<128x768xf32, #tpu.memory_space<vmem>> -> memref<64x768xf32, #tpu.memory_space<vmem>>
      %dma_wait3A_58 = arith.constant 0 : i32
      %dma_wait3A_59 = tpu.memref_slice %arg4[%add3A_44, %dma_wait3A_58] : memref<4096x768xf32, #tpu.memory_space<hbm>> -> memref<64x768xf32, #tpu.memory_space<hbm>>
      %dma_wait3A_60 = arith.constant 0 : i32
      %dma_wait3A_61 = tpu.memref_slice %arg4[%add3A_44, %dma_wait3A_60] : memref<4096x768xf32, #tpu.memory_space<hbm>> -> memref<64x768xf32, #tpu.memory_space<hbm>>
      %dma_wait3A_62 = arith.constant 64 : i32
      %dma_wait3A_63 = arith.constant 0 : i32
      %dma_wait3A_64 = tpu.memref_slice %arg6[%dma_wait3A_62, %dma_wait3A_63] : memref<128x768xf32, #tpu.memory_space<vmem>> -> memref<64x768xf32, #tpu.memory_space<vmem>>
      tpu.wait_dma2 semaphore(%run_scoped3A : memref<!tpu.dma_semaphore, #tpu.memory_space<semaphore_mem>>) src(%dma_wait3A_64 : memref<64x768xf32, #tpu.memory_space<vmem>>) dst(%dma_wait3A_61 : memref<64x768xf32, #tpu.memory_space<hbm>>)
      tpu.yield
    }) : () -> ()
    return
  }
}

module attributes {stable_mosaic.version = 14 : i64} {
  func.func @_stage_a_kern(%arg0: i32, %arg1: memref<256x768xf32, #tpu.memory_space<vmem>>, %arg2: memref<1x768xf32, #tpu.memory_space<vmem>>, %arg3: memref<768x768xf32, #tpu.memory_space<vmem>>, %arg4: memref<768x384xf32, #tpu.memory_space<vmem>>, %arg5: memref<768x384xf32, #tpu.memory_space<vmem>>, %arg6: memref<256x768xf32, #tpu.memory_space<vmem>>, %arg7: memref<256x768xf32, #tpu.memory_space<vmem>>, %arg8: memref<256x384xf32, #tpu.memory_space<vmem>>, %arg9: memref<256x384xf32, #tpu.memory_space<vmem>>, %arg10: memref<256x768xf32, #tpu.memory_space<vmem>>, %arg11: memref<256x384xf32, #tpu.memory_space<vmem>>, %arg12: memref<256x384xf32, #tpu.memory_space<vmem>>) attributes {dimension_semantics = [#tpu.dimension_semantics<arbitrary>], iteration_bounds = array<i64: 8>, scalar_prefetch = 0 : i64, scratch_operands = 0 : i64, tpu.core_type = #tpu.core_type<tc>, window_params = [{transform_indices = @transform_0, window_bounds = array<i64: 256, 768>}, {pipeline_mode = #tpu.pipeline_mode<synchronous>, transform_indices = @transform_1, window_bounds = array<i64: 1, 768>}, {pipeline_mode = #tpu.pipeline_mode<synchronous>, transform_indices = @transform_2, window_bounds = array<i64: 768, 768>}, {pipeline_mode = #tpu.pipeline_mode<synchronous>, transform_indices = @transform_3, window_bounds = array<i64: 768, 384>}, {pipeline_mode = #tpu.pipeline_mode<synchronous>, transform_indices = @transform_4, window_bounds = array<i64: 768, 384>}, {transform_indices = @transform_5, window_bounds = array<i64: 256, 768>}, {transform_indices = @transform_6, window_bounds = array<i64: 256, 768>}, {transform_indices = @transform_7, window_bounds = array<i64: 256, 384>}, {transform_indices = @transform_8, window_bounds = array<i64: 256, 384>}, {transform_indices = @transform_9, window_bounds = array<i64: 256, 768>}, {transform_indices = @transform_10, window_bounds = array<i64: 256, 384>}, {transform_indices = @transform_11, window_bounds = array<i64: 256, 384>}]} {
    %get3A = arith.constant 0 : index
    %get3A_0 = arith.constant 0 : index
    %get3A_1 = vector.load %arg1[%get3A, %get3A_0] : memref<256x768xf32, #tpu.memory_space<vmem>>, vector<256x768xf32>
    %mul3A = arith.mulf %get3A_1, %get3A_1 : vector<256x768xf32>
    %reduce_sum3A = arith.constant dense<0.000000e+00> : vector<256xf32>
    %reduce_sum3A_2 = vector.multi_reduction <add>, %mul3A, %reduce_sum3A [1] : vector<256x768xf32> to vector<256xf32>
    %broadcast_in_dim3A = vector.shape_cast %reduce_sum3A_2 : vector<256xf32> to vector<256x1xf32>
    %div3A = arith.constant 7.680000e+02 : f32
    %div3A_3 = vector.broadcast %div3A : f32 to vector<256x1xf32>
    %div3A_4 = arith.divf %broadcast_in_dim3A, %div3A_3 : vector<256x1xf32>
    %add3A = arith.constant 9.99999997E-7 : f32
    %add3A_5 = vector.broadcast %add3A : f32 to vector<256x1xf32>
    %add3A_6 = arith.addf %div3A_4, %add3A_5 : vector<256x1xf32>
    %sqrt3A = math.sqrt %add3A_6 : vector<256x1xf32>
    %div3A_7 = vector.broadcast %sqrt3A : vector<256x1xf32> to vector<256x768xf32>
    %div3A_8 = arith.divf %get3A_1, %div3A_7 : vector<256x768xf32>
    %get3A_9 = arith.constant 0 : index
    %get3A_10 = arith.constant 0 : index
    %get3A_11 = vector.load %arg2[%get3A_9, %get3A_10] : memref<1x768xf32, #tpu.memory_space<vmem>>, vector<1x768xf32>
    %mul3A_12 = vector.broadcast %get3A_11 : vector<1x768xf32> to vector<256x768xf32>
    %mul3A_13 = arith.mulf %div3A_8, %mul3A_12 : vector<256x768xf32>
    %get3A_14 = arith.constant 0 : index
    %get3A_15 = arith.constant 0 : index
    %get3A_16 = vector.load %arg3[%get3A_14, %get3A_15] : memref<768x768xf32, #tpu.memory_space<vmem>>, vector<768x768xf32>
    %dot_general3A = arith.constant dense<0.000000e+00> : vector<256x768xf32>
    %dot_general3A_17 = tpu.matmul %mul3A_13, %get3A_16, %dot_general3A {dimension_numbers = #tpu.dot_dimension_numbers<[1], [0], [0], [1], [0, 0, 1, 1], [], []>, transpose_lhs_hint = false} : vector<256x768xf32>, vector<768x768xf32>, vector<256x768xf32> -> vector<256x768xf32>
    %get3A_18 = arith.constant 0 : index
    %get3A_19 = arith.constant 0 : index
    %get3A_20 = vector.load %arg4[%get3A_18, %get3A_19] : memref<768x384xf32, #tpu.memory_space<vmem>>, vector<768x384xf32>
    %dot_general3A_21 = arith.constant dense<0.000000e+00> : vector<256x384xf32>
    %dot_general3A_22 = tpu.matmul %mul3A_13, %get3A_20, %dot_general3A_21 {dimension_numbers = #tpu.dot_dimension_numbers<[1], [0], [0], [1], [0, 0, 1, 1], [], []>, transpose_lhs_hint = false} : vector<256x768xf32>, vector<768x384xf32>, vector<256x384xf32> -> vector<256x384xf32>
    %get3A_23 = arith.constant 0 : index
    %get3A_24 = arith.constant 0 : index
    %get3A_25 = vector.load %arg5[%get3A_23, %get3A_24] : memref<768x384xf32, #tpu.memory_space<vmem>>, vector<768x384xf32>
    %dot_general3A_26 = arith.constant dense<0.000000e+00> : vector<256x384xf32>
    %dot_general3A_27 = tpu.matmul %mul3A_13, %get3A_25, %dot_general3A_26 {dimension_numbers = #tpu.dot_dimension_numbers<[1], [0], [0], [1], [0, 0, 1, 1], [], []>, transpose_lhs_hint = false} : vector<256x768xf32>, vector<768x384xf32>, vector<256x384xf32> -> vector<256x384xf32>
    %get3A_28 = arith.constant 0 : index
    %get3A_29 = arith.constant 0 : index
    %get3A_30 = vector.load %arg6[%get3A_28, %get3A_29] : memref<256x768xf32, #tpu.memory_space<vmem>>, vector<256x768xf32>
    %get3A_31 = arith.constant 0 : index
    %get3A_32 = arith.constant 0 : index
    %get3A_33 = vector.load %arg7[%get3A_31, %get3A_32] : memref<256x768xf32, #tpu.memory_space<vmem>>, vector<256x768xf32>
    %iota3A = tpu.iota {dimensions = array<i32: 1>} : vector<256x768xi32>
    %jit3A = arith.constant 2 : i32
    %eq3A = arith.constant 0 : i32
    %eq3A_34 = arith.cmpi eq, %jit3A, %eq3A : i32
    %jit3A_35 = arith.constant 1 : i32
    %select_n3A = arith.select %eq3A_34, %jit3A_35, %jit3A : i32
    %rem3A = vector.broadcast %select_n3A : i32 to vector<256x768xi32>
    %rem3A_36 = arith.remsi %iota3A, %rem3A : vector<256x768xi32>
    %ne3A = arith.constant 0 : i32
    %ne3A_37 = vector.broadcast %ne3A : i32 to vector<256x768xi32>
    %ne3A_38 = arith.cmpi ne, %rem3A_36, %ne3A_37 : vector<256x768xi32>
    %lt3A = arith.constant 0 : i32
    %lt3A_39 = vector.broadcast %lt3A : i32 to vector<256x768xi32>
    %lt3A_40 = arith.cmpi slt, %rem3A_36, %lt3A_39 : vector<256x768xi32>
    %lt3A_41 = arith.constant 0 : i32
    %lt3A_42 = arith.cmpi slt, %select_n3A, %lt3A_41 : i32
    %ne3A_43 = vector.broadcast %lt3A_42 : i1 to vector<256x768xi1>
    %ne3A_44 = vector.broadcast %ne3A_43 : vector<256x768xi1> to vector<256x768xi1>
    %ne3A_45 = arith.xori %lt3A_40, %ne3A_44 : vector<256x768xi1>
    %and3A = arith.andi %ne3A_45, %ne3A_38 : vector<256x768xi1>
    %add3A_46 = vector.broadcast %select_n3A : i32 to vector<256x768xi32>
    %add3A_47 = arith.addi %rem3A_36, %add3A_46 : vector<256x768xi32>
    %select_n3A_48 = arith.select %and3A, %add3A_47, %rem3A_36 : vector<256x768xi1>, vector<256x768xi32>
    %eq3A_49 = arith.constant 0 : i32
    %eq3A_50 = vector.broadcast %eq3A_49 : i32 to vector<256x768xi32>
    %eq3A_51 = arith.cmpi eq, %select_n3A_48, %eq3A_50 : vector<256x768xi32>
    %slice3A = vector.extract_strided_slice %dot_general3A_17 {offsets = [0, 1], sizes = [256, 767], strides = [1, 1]} : vector<256x768xf32> to vector<256x767xf32>
    %slice3A_52 = vector.extract_strided_slice %dot_general3A_17 {offsets = [0, 0], sizes = [256, 1], strides = [1, 1]} : vector<256x768xf32> to vector<256x1xf32>
    %concatenate3A = tpu.concatenate %slice3A, %slice3A_52 in 1 : vector<256x767xf32>, vector<256x1xf32> -> vector<256x768xf32>
    %slice3A_53 = vector.extract_strided_slice %dot_general3A_17 {offsets = [0, 767], sizes = [256, 1], strides = [1, 1]} : vector<256x768xf32> to vector<256x1xf32>
    %slice3A_54 = vector.extract_strided_slice %dot_general3A_17 {offsets = [0, 0], sizes = [256, 767], strides = [1, 1]} : vector<256x768xf32> to vector<256x767xf32>
    %concatenate3A_55 = tpu.concatenate %slice3A_53, %slice3A_54 in 1 : vector<256x1xf32>, vector<256x767xf32> -> vector<256x768xf32>
    %select_n3A_56 = arith.select %eq3A_51, %concatenate3A, %concatenate3A_55 : vector<256x768xi1>, vector<256x768xf32>
    %mul3A_57 = arith.mulf %dot_general3A_17, %get3A_30 : vector<256x768xf32>
    %mul3A_58 = arith.mulf %select_n3A_56, %get3A_33 : vector<256x768xf32>
    %add3A_59 = arith.addf %mul3A_57, %mul3A_58 : vector<256x768xf32>
    %swap3A = arith.constant 0 : index
    %swap3A_60 = arith.constant 0 : index
    %swap3A_61 = vector.load %arg10[%swap3A, %swap3A_60] : memref<256x768xf32, #tpu.memory_space<vmem>>, vector<256x768xf32>
    tpu.vector_store %arg10[%swap3A, %swap3A_60], %add3A_59 {strides = array<i32>} : memref<256x768xf32, #tpu.memory_space<vmem>>, vector<256x768xf32>,
    %get3A_62 = arith.constant 0 : index
    %get3A_63 = arith.constant 0 : index
    %get3A_64 = vector.load %arg8[%get3A_62, %get3A_63] : memref<256x384xf32, #tpu.memory_space<vmem>>, vector<256x384xf32>
    %get3A_65 = arith.constant 0 : index
    %get3A_66 = arith.constant 0 : index
    %get3A_67 = vector.load %arg9[%get3A_65, %get3A_66] : memref<256x384xf32, #tpu.memory_space<vmem>>, vector<256x384xf32>
    %iota3A_68 = tpu.iota {dimensions = array<i32: 1>} : vector<256x384xi32>
    %jit3A_69 = arith.constant 2 : i32
    %eq3A_70 = arith.constant 0 : i32
    %eq3A_71 = arith.cmpi eq, %jit3A_69, %eq3A_70 : i32
    %jit3A_72 = arith.constant 1 : i32
    %select_n3A_73 = arith.select %eq3A_71, %jit3A_72, %jit3A_69 : i32
    %rem3A_74 = vector.broadcast %select_n3A_73 : i32 to vector<256x384xi32>
    %rem3A_75 = arith.remsi %iota3A_68, %rem3A_74 : vector<256x384xi32>
    %ne3A_76 = arith.constant 0 : i32
    %ne3A_77 = vector.broadcast %ne3A_76 : i32 to vector<256x384xi32>
    %ne3A_78 = arith.cmpi ne, %rem3A_75, %ne3A_77 : vector<256x384xi32>
    %lt3A_79 = arith.constant 0 : i32
    %lt3A_80 = vector.broadcast %lt3A_79 : i32 to vector<256x384xi32>
    %lt3A_81 = arith.cmpi slt, %rem3A_75, %lt3A_80 : vector<256x384xi32>
    %lt3A_82 = arith.constant 0 : i32
    %lt3A_83 = arith.cmpi slt, %select_n3A_73, %lt3A_82 : i32
    %ne3A_84 = vector.broadcast %lt3A_83 : i1 to vector<256x384xi1>
    %ne3A_85 = vector.broadcast %ne3A_84 : vector<256x384xi1> to vector<256x384xi1>
    %ne3A_86 = arith.xori %lt3A_81, %ne3A_85 : vector<256x384xi1>
    %and3A_87 = arith.andi %ne3A_86, %ne3A_78 : vector<256x384xi1>
    %add3A_88 = vector.broadcast %select_n3A_73 : i32 to vector<256x384xi32>
    %add3A_89 = arith.addi %rem3A_75, %add3A_88 : vector<256x384xi32>
    %select_n3A_90 = arith.select %and3A_87, %add3A_89, %rem3A_75 : vector<256x384xi1>, vector<256x384xi32>
    %eq3A_91 = arith.constant 0 : i32
    %eq3A_92 = vector.broadcast %eq3A_91 : i32 to vector<256x384xi32>
    %eq3A_93 = arith.cmpi eq, %select_n3A_90, %eq3A_92 : vector<256x384xi32>
    %slice3A_94 = vector.extract_strided_slice %dot_general3A_22 {offsets = [0, 1], sizes = [256, 383], strides = [1, 1]} : vector<256x384xf32> to vector<256x383xf32>
    %slice3A_95 = vector.extract_strided_slice %dot_general3A_22 {offsets = [0, 0], sizes = [256, 1], strides = [1, 1]} : vector<256x384xf32> to vector<256x1xf32>
    %concatenate3A_96 = tpu.concatenate %slice3A_94, %slice3A_95 in 1 : vector<256x383xf32>, vector<256x1xf32> -> vector<256x384xf32>
    %slice3A_97 = vector.extract_strided_slice %dot_general3A_22 {offsets = [0, 383], sizes = [256, 1], strides = [1, 1]} : vector<256x384xf32> to vector<256x1xf32>
    %slice3A_98 = vector.extract_strided_slice %dot_general3A_22 {offsets = [0, 0], sizes = [256, 383], strides = [1, 1]} : vector<256x384xf32> to vector<256x383xf32>
    %concatenate3A_99 = tpu.concatenate %slice3A_97, %slice3A_98 in 1 : vector<256x1xf32>, vector<256x383xf32> -> vector<256x384xf32>
    %select_n3A_100 = arith.select %eq3A_93, %concatenate3A_96, %concatenate3A_99 : vector<256x384xi1>, vector<256x384xf32>
    %mul3A_101 = arith.mulf %dot_general3A_22, %get3A_64 : vector<256x384xf32>
    %mul3A_102 = arith.mulf %select_n3A_100, %get3A_67 : vector<256x384xf32>
    %add3A_103 = arith.addf %mul3A_101, %mul3A_102 : vector<256x384xf32>
    %swap3A_104 = arith.constant 0 : index
    %swap3A_105 = arith.constant 0 : index
    %swap3A_106 = vector.load %arg11[%swap3A_104, %swap3A_105] : memref<256x384xf32, #tpu.memory_space<vmem>>, vector<256x384xf32>
    tpu.vector_store %arg11[%swap3A_104, %swap3A_105], %add3A_103 {strides = array<i32>} : memref<256x384xf32, #tpu.memory_space<vmem>>, vector<256x384xf32>,
    %swap3A_107 = arith.constant 0 : index
    %swap3A_108 = arith.constant 0 : index
    %swap3A_109 = vector.load %arg12[%swap3A_107, %swap3A_108] : memref<256x384xf32, #tpu.memory_space<vmem>>, vector<256x384xf32>
    tpu.vector_store %arg12[%swap3A_107, %swap3A_108], %dot_general3A_27 {strides = array<i32>} : memref<256x384xf32, #tpu.memory_space<vmem>>, vector<256x384xf32>,
    return
  }
  func.func @transform_0(%arg0: i32) -> (i32, i32) {
    %c0_i32 = arith.constant 0 : i32
    %c0_i32_0 = arith.constant 0 : i32
    return %arg0, %c0_i32 : i32, i32
  }
  func.func @transform_1(%arg0: i32) -> (i32, i32) {
    %c0_i32 = arith.constant 0 : i32
    %c0_i32_0 = arith.constant 0 : i32
    %c0_i32_1 = arith.constant 0 : i32
    return %c0_i32, %c0_i32_0 : i32, i32
  }
  func.func @transform_2(%arg0: i32) -> (i32, i32) {
    %c0_i32 = arith.constant 0 : i32
    %c0_i32_0 = arith.constant 0 : i32
    %c0_i32_1 = arith.constant 0 : i32
    return %c0_i32, %c0_i32_0 : i32, i32
  }
  func.func @transform_3(%arg0: i32) -> (i32, i32) {
    %c0_i32 = arith.constant 0 : i32
    %c0_i32_0 = arith.constant 0 : i32
    %c0_i32_1 = arith.constant 0 : i32
    return %c0_i32, %c0_i32_0 : i32, i32
  }
  func.func @transform_4(%arg0: i32) -> (i32, i32) {
    %c0_i32 = arith.constant 0 : i32
    %c0_i32_0 = arith.constant 0 : i32
    %c0_i32_1 = arith.constant 0 : i32
    return %c0_i32, %c0_i32_0 : i32, i32
  }
  func.func @transform_5(%arg0: i32) -> (i32, i32) {
    %c0_i32 = arith.constant 0 : i32
    %c0_i32_0 = arith.constant 0 : i32
    return %arg0, %c0_i32 : i32, i32
  }
  func.func @transform_6(%arg0: i32) -> (i32, i32) {
    %c0_i32 = arith.constant 0 : i32
    %c0_i32_0 = arith.constant 0 : i32
    return %arg0, %c0_i32 : i32, i32
  }
  func.func @transform_7(%arg0: i32) -> (i32, i32) {
    %c0_i32 = arith.constant 0 : i32
    %c0_i32_0 = arith.constant 0 : i32
    return %arg0, %c0_i32 : i32, i32
  }
  func.func @transform_8(%arg0: i32) -> (i32, i32) {
    %c0_i32 = arith.constant 0 : i32
    %c0_i32_0 = arith.constant 0 : i32
    return %arg0, %c0_i32 : i32, i32
  }
  func.func @transform_9(%arg0: i32) -> (i32, i32) {
    %c0_i32 = arith.constant 0 : i32
    %c0_i32_0 = arith.constant 0 : i32
    return %arg0, %c0_i32 : i32, i32
  }
  func.func @transform_10(%arg0: i32) -> (i32, i32) {
    %c0_i32 = arith.constant 0 : i32
    %c0_i32_0 = arith.constant 0 : i32
    return %arg0, %c0_i32 : i32, i32
  }
  func.func @transform_11(%arg0: i32) -> (i32, i32) {
    %c0_i32 = arith.constant 0 : i32
    %c0_i32_0 = arith.constant 0 : i32
    return %arg0, %c0_i32 : i32, i32
  }
}

module attributes {stable_mosaic.version = 14 : i64} {
  func.func @_stage_b_kern(%arg0: i32, %arg1: i32, %arg2: memref<256x256xf32, #tpu.memory_space<vmem>>, %arg3: memref<512x128xf32, #tpu.memory_space<vmem>>, %arg4: memref<512x128xf32, #tpu.memory_space<vmem>>, %arg5: memref<256x256xf32, #tpu.memory_space<vmem>>) attributes {dimension_semantics = [#tpu.dimension_semantics<arbitrary>, #tpu.dimension_semantics<arbitrary>], iteration_bounds = array<i64: 3, 2>, scalar_prefetch = 0 : i64, scratch_operands = 0 : i64, tpu.core_type = #tpu.core_type<tc>, window_params = [{transform_indices = @transform_0, window_bounds = array<i64: 256, 256>}, {transform_indices = @transform_1, window_bounds = array<i64: 512, 128>}, {transform_indices = @transform_2, window_bounds = array<i64: 512, 128>}, {transform_indices = @transform_3, window_bounds = array<i64: 256, 256>}]} {
    %add3A = arith.constant 0 : i32
    %add3A_0 = arith.addi %arg1, %add3A : i32
    %get3A = arith.constant 0 : index
    %get3A_1 = arith.constant 0 : index
    %get3A_2 = vector.load %arg3[%get3A, %get3A_1] : memref<512x128xf32, #tpu.memory_space<vmem>>, vector<512x64xf32>
    %get3A_3 = arith.constant 0 : index
    %get3A_4 = arith.constant 0 : index
    %get3A_5 = vector.load %arg4[%get3A_3, %get3A_4] : memref<512x128xf32, #tpu.memory_space<vmem>>, vector<512x64xf32>
    %iota3A = tpu.iota {dimensions = array<i32: 0>} : vector<256x512xi32>
    %mul3A = arith.constant 256 : i32
    %mul3A_6 = arith.muli %add3A_0, %mul3A : i32
    %add3A_7 = vector.broadcast %mul3A_6 : i32 to vector<256x512xi32>
    %add3A_8 = arith.addi %iota3A, %add3A_7 : vector<256x512xi32>
    %iota3A_9 = tpu.iota {dimensions = array<i32: 1>} : vector<256x512xi32>
    %ge3A = arith.cmpi sge, %add3A_8, %iota3A_9 : vector<256x512xi32>
    %get3A_10 = arith.constant 0 : index
    %get3A_11 = arith.constant 0 : index
    %get3A_12 = vector.load %arg2[%get3A_10, %get3A_11] : memref<256x256xf32, #tpu.memory_space<vmem>>, vector<256x64xf32>
    %dot_general3A = arith.constant dense<0.000000e+00> : vector<256x512xf32>
    %dot_general3A_13 = tpu.matmul %get3A_12, %get3A_2, %dot_general3A {dimension_numbers = #tpu.dot_dimension_numbers<[1], [1], [0], [0], [0, 0, 1, 0], [], []>, transpose_lhs_hint = false} : vector<256x64xf32>, vector<512x64xf32>, vector<256x512xf32> -> vector<256x512xf32>
    %jit3A = arith.constant -1.000000e+30 : f32
    %broadcast_in_dim3A = vector.broadcast %jit3A : f32 to vector<256x512xf32>
    %select_n3A = arith.select %ge3A, %dot_general3A_13, %broadcast_in_dim3A : vector<256x512xi1>, vector<256x512xf32>
    %reduce_max3A = arith.constant dense<0xFF800000> : vector<256xf32>
    %reduce_max3A_14 = vector.multi_reduction <maximumf>, %select_n3A, %reduce_max3A [1] : vector<256x512xf32> to vector<256xf32>
    %broadcast_in_dim3A_15 = vector.shape_cast %reduce_max3A_14 : vector<256xf32> to vector<256x1xf32>
    %sub3A = vector.broadcast %broadcast_in_dim3A_15 : vector<256x1xf32> to vector<256x512xf32>
    %sub3A_16 = arith.subf %select_n3A, %sub3A : vector<256x512xf32>
    %exp3A = math.exp %sub3A_16 : vector<256x512xf32>
    %jit3A_17 = arith.constant 0.000000e+00 : f32
    %broadcast_in_dim3A_18 = vector.broadcast %jit3A_17 : f32 to vector<256x512xf32>
    %select_n3A_19 = arith.select %ge3A, %exp3A, %broadcast_in_dim3A_18 : vector<256x512xi1>, vector<256x512xf32>
    %reduce_sum3A = arith.constant dense<0.000000e+00> : vector<256xf32>
    %reduce_sum3A_20 = vector.multi_reduction <add>, %select_n3A_19, %reduce_sum3A [1] : vector<256x512xf32> to vector<256xf32>
    %broadcast_in_dim3A_21 = vector.shape_cast %reduce_sum3A_20 : vector<256xf32> to vector<256x1xf32>
    %div3A = vector.broadcast %broadcast_in_dim3A_21 : vector<256x1xf32> to vector<256x512xf32>
    %div3A_22 = arith.divf %select_n3A_19, %div3A : vector<256x512xf32>
    %dot_general3A_23 = arith.constant dense<0.000000e+00> : vector<256x64xf32>
    %dot_general3A_24 = tpu.matmul %div3A_22, %get3A_5, %dot_general3A_23 {dimension_numbers = #tpu.dot_dimension_numbers<[1], [0], [0], [1], [0, 0, 1, 1], [], []>, transpose_lhs_hint = false} : vector<256x512xf32>, vector<512x64xf32>, vector<256x64xf32> -> vector<256x64xf32>
    %get3A_25 = arith.constant 0 : index
    %get3A_26 = arith.constant 64 : index
    %get3A_27 = vector.load %arg2[%get3A_25, %get3A_26] : memref<256x256xf32, #tpu.memory_space<vmem>>, vector<256x64xf32>
    %dot_general3A_28 = arith.constant dense<0.000000e+00> : vector<256x512xf32>
    %dot_general3A_29 = tpu.matmul %get3A_27, %get3A_2, %dot_general3A_28 {dimension_numbers = #tpu.dot_dimension_numbers<[1], [1], [0], [0], [0, 0, 1, 0], [], []>, transpose_lhs_hint = false} : vector<256x64xf32>, vector<512x64xf32>, vector<256x512xf32> -> vector<256x512xf32>
    %jit3A_30 = arith.constant -1.000000e+30 : f32
    %broadcast_in_dim3A_31 = vector.broadcast %jit3A_30 : f32 to vector<256x512xf32>
    %select_n3A_32 = arith.select %ge3A, %dot_general3A_29, %broadcast_in_dim3A_31 : vector<256x512xi1>, vector<256x512xf32>
    %reduce_max3A_33 = arith.constant dense<0xFF800000> : vector<256xf32>
    %reduce_max3A_34 = vector.multi_reduction <maximumf>, %select_n3A_32, %reduce_max3A_33 [1] : vector<256x512xf32> to vector<256xf32>
    %broadcast_in_dim3A_35 = vector.shape_cast %reduce_max3A_34 : vector<256xf32> to vector<256x1xf32>
    %sub3A_36 = vector.broadcast %broadcast_in_dim3A_35 : vector<256x1xf32> to vector<256x512xf32>
    %sub3A_37 = arith.subf %select_n3A_32, %sub3A_36 : vector<256x512xf32>
    %exp3A_38 = math.exp %sub3A_37 : vector<256x512xf32>
    %jit3A_39 = arith.constant 0.000000e+00 : f32
    %broadcast_in_dim3A_40 = vector.broadcast %jit3A_39 : f32 to vector<256x512xf32>
    %select_n3A_41 = arith.select %ge3A, %exp3A_38, %broadcast_in_dim3A_40 : vector<256x512xi1>, vector<256x512xf32>
    %reduce_sum3A_42 = arith.constant dense<0.000000e+00> : vector<256xf32>
    %reduce_sum3A_43 = vector.multi_reduction <add>, %select_n3A_41, %reduce_sum3A_42 [1] : vector<256x512xf32> to vector<256xf32>
    %broadcast_in_dim3A_44 = vector.shape_cast %reduce_sum3A_43 : vector<256xf32> to vector<256x1xf32>
    %div3A_45 = vector.broadcast %broadcast_in_dim3A_44 : vector<256x1xf32> to vector<256x512xf32>
    %div3A_46 = arith.divf %select_n3A_41, %div3A_45 : vector<256x512xf32>
    %dot_general3A_47 = arith.constant dense<0.000000e+00> : vector<256x64xf32>
    %dot_general3A_48 = tpu.matmul %div3A_46, %get3A_5, %dot_general3A_47 {dimension_numbers = #tpu.dot_dimension_numbers<[1], [0], [0], [1], [0, 0, 1, 1], [], []>, transpose_lhs_hint = false} : vector<256x512xf32>, vector<512x64xf32>, vector<256x64xf32> -> vector<256x64xf32>
    %get3A_49 = arith.constant 0 : index
    %get3A_50 = arith.constant 128 : index
    %get3A_51 = vector.load %arg2[%get3A_49, %get3A_50] : memref<256x256xf32, #tpu.memory_space<vmem>>, vector<256x64xf32>
    %dot_general3A_52 = arith.constant dense<0.000000e+00> : vector<256x512xf32>
    %dot_general3A_53 = tpu.matmul %get3A_51, %get3A_2, %dot_general3A_52 {dimension_numbers = #tpu.dot_dimension_numbers<[1], [1], [0], [0], [0, 0, 1, 0], [], []>, transpose_lhs_hint = false} : vector<256x64xf32>, vector<512x64xf32>, vector<256x512xf32> -> vector<256x512xf32>
    %jit3A_54 = arith.constant -1.000000e+30 : f32
    %broadcast_in_dim3A_55 = vector.broadcast %jit3A_54 : f32 to vector<256x512xf32>
    %select_n3A_56 = arith.select %ge3A, %dot_general3A_53, %broadcast_in_dim3A_55 : vector<256x512xi1>, vector<256x512xf32>
    %reduce_max3A_57 = arith.constant dense<0xFF800000> : vector<256xf32>
    %reduce_max3A_58 = vector.multi_reduction <maximumf>, %select_n3A_56, %reduce_max3A_57 [1] : vector<256x512xf32> to vector<256xf32>
    %broadcast_in_dim3A_59 = vector.shape_cast %reduce_max3A_58 : vector<256xf32> to vector<256x1xf32>
    %sub3A_60 = vector.broadcast %broadcast_in_dim3A_59 : vector<256x1xf32> to vector<256x512xf32>
    %sub3A_61 = arith.subf %select_n3A_56, %sub3A_60 : vector<256x512xf32>
    %exp3A_62 = math.exp %sub3A_61 : vector<256x512xf32>
    %jit3A_63 = arith.constant 0.000000e+00 : f32
    %broadcast_in_dim3A_64 = vector.broadcast %jit3A_63 : f32 to vector<256x512xf32>
    %select_n3A_65 = arith.select %ge3A, %exp3A_62, %broadcast_in_dim3A_64 : vector<256x512xi1>, vector<256x512xf32>
    %reduce_sum3A_66 = arith.constant dense<0.000000e+00> : vector<256xf32>
    %reduce_sum3A_67 = vector.multi_reduction <add>, %select_n3A_65, %reduce_sum3A_66 [1] : vector<256x512xf32> to vector<256xf32>
    %broadcast_in_dim3A_68 = vector.shape_cast %reduce_sum3A_67 : vector<256xf32> to vector<256x1xf32>
    %div3A_69 = vector.broadcast %broadcast_in_dim3A_68 : vector<256x1xf32> to vector<256x512xf32>
    %div3A_70 = arith.divf %select_n3A_65, %div3A_69 : vector<256x512xf32>
    %dot_general3A_71 = arith.constant dense<0.000000e+00> : vector<256x64xf32>
    %dot_general3A_72 = tpu.matmul %div3A_70, %get3A_5, %dot_general3A_71 {dimension_numbers = #tpu.dot_dimension_numbers<[1], [0], [0], [1], [0, 0, 1, 1], [], []>, transpose_lhs_hint = false} : vector<256x512xf32>, vector<512x64xf32>, vector<256x64xf32> -> vector<256x64xf32>
    %get3A_73 = arith.constant 0 : index
    %get3A_74 = arith.constant 192 : index
    %get3A_75 = vector.load %arg2[%get3A_73, %get3A_74] : memref<256x256xf32, #tpu.memory_space<vmem>>, vector<256x64xf32>
    %dot_general3A_76 = arith.constant dense<0.000000e+00> : vector<256x512xf32>
    %dot_general3A_77 = tpu.matmul %get3A_75, %get3A_2, %dot_general3A_76 {dimension_numbers = #tpu.dot_dimension_numbers<[1], [1], [0], [0], [0, 0, 1, 0], [], []>, transpose_lhs_hint = false} : vector<256x64xf32>, vector<512x64xf32>, vector<256x512xf32> -> vector<256x512xf32>
    %jit3A_78 = arith.constant -1.000000e+30 : f32
    %broadcast_in_dim3A_79 = vector.broadcast %jit3A_78 : f32 to vector<256x512xf32>
    %select_n3A_80 = arith.select %ge3A, %dot_general3A_77, %broadcast_in_dim3A_79 : vector<256x512xi1>, vector<256x512xf32>
    %reduce_max3A_81 = arith.constant dense<0xFF800000> : vector<256xf32>
    %reduce_max3A_82 = vector.multi_reduction <maximumf>, %select_n3A_80, %reduce_max3A_81 [1] : vector<256x512xf32> to vector<256xf32>
    %broadcast_in_dim3A_83 = vector.shape_cast %reduce_max3A_82 : vector<256xf32> to vector<256x1xf32>
    %sub3A_84 = vector.broadcast %broadcast_in_dim3A_83 : vector<256x1xf32> to vector<256x512xf32>
    %sub3A_85 = arith.subf %select_n3A_80, %sub3A_84 : vector<256x512xf32>
    %exp3A_86 = math.exp %sub3A_85 : vector<256x512xf32>
    %jit3A_87 = arith.constant 0.000000e+00 : f32
    %broadcast_in_dim3A_88 = vector.broadcast %jit3A_87 : f32 to vector<256x512xf32>
    %select_n3A_89 = arith.select %ge3A, %exp3A_86, %broadcast_in_dim3A_88 : vector<256x512xi1>, vector<256x512xf32>
    %reduce_sum3A_90 = arith.constant dense<0.000000e+00> : vector<256xf32>
    %reduce_sum3A_91 = vector.multi_reduction <add>, %select_n3A_89, %reduce_sum3A_90 [1] : vector<256x512xf32> to vector<256xf32>
    %broadcast_in_dim3A_92 = vector.shape_cast %reduce_sum3A_91 : vector<256xf32> to vector<256x1xf32>
    %div3A_93 = vector.broadcast %broadcast_in_dim3A_92 : vector<256x1xf32> to vector<256x512xf32>
    %div3A_94 = arith.divf %select_n3A_89, %div3A_93 : vector<256x512xf32>
    %dot_general3A_95 = arith.constant dense<0.000000e+00> : vector<256x64xf32>
    %dot_general3A_96 = tpu.matmul %div3A_94, %get3A_5, %dot_general3A_95 {dimension_numbers = #tpu.dot_dimension_numbers<[1], [0], [0], [1], [0, 0, 1, 1], [], []>, transpose_lhs_hint = false} : vector<256x512xf32>, vector<512x64xf32>, vector<256x64xf32> -> vector<256x64xf32>
    %concatenate3A = tpu.concatenate %dot_general3A_24, %dot_general3A_48 in 1 : vector<256x64xf32>, vector<256x64xf32> -> vector<256x128xf32>
    %swap3A = arith.constant 0 : index
    %swap3A_97 = arith.constant 0 : index
    %swap3A_98 = vector.load %arg5[%swap3A, %swap3A_97] : memref<256x256xf32, #tpu.memory_space<vmem>>, vector<256x128xf32>
    tpu.vector_store %arg5[%swap3A, %swap3A_97], %concatenate3A {strides = array<i32>} : memref<256x256xf32, #tpu.memory_space<vmem>>, vector<256x128xf32>,
    %concatenate3A_99 = tpu.concatenate %dot_general3A_72, %dot_general3A_96 in 1 : vector<256x64xf32>, vector<256x64xf32> -> vector<256x128xf32>
    %swap3A_100 = arith.constant 0 : index
    %swap3A_101 = arith.constant 128 : index
    %swap3A_102 = vector.load %arg5[%swap3A_100, %swap3A_101] : memref<256x256xf32, #tpu.memory_space<vmem>>, vector<256x128xf32>
    tpu.vector_store %arg5[%swap3A_100, %swap3A_101], %concatenate3A_99 {strides = array<i32>} : memref<256x256xf32, #tpu.memory_space<vmem>>, vector<256x128xf32>,
    return
  }
  func.func @transform_0(%arg0: i32, %arg1: i32) -> (i32, i32) {
    %add3A = arith.constant 0 : i32
    %add3A_0 = arith.addi %arg1, %add3A : i32
    %c0_i32 = arith.constant 0 : i32
    return %add3A_0, %arg0 : i32, i32
  }
  func.func @transform_1(%arg0: i32, %arg1: i32) -> (i32, i32) {
    %c0_i32 = arith.constant 0 : i32
    %c0_i32_0 = arith.constant 0 : i32
    return %c0_i32, %arg0 : i32, i32
  }
  func.func @transform_2(%arg0: i32, %arg1: i32) -> (i32, i32) {
    %c0_i32 = arith.constant 0 : i32
    %c0_i32_0 = arith.constant 0 : i32
    return %c0_i32, %arg0 : i32, i32
  }
  func.func @transform_3(%arg0: i32, %arg1: i32) -> (i32, i32) {
    %add3A = arith.constant 0 : i32
    %add3A_0 = arith.addi %arg1, %add3A : i32
    %c0_i32 = arith.constant 0 : i32
    return %add3A_0, %arg0 : i32, i32
  }
}

module attributes {stable_mosaic.version = 14 : i64} {
  func.func @_stage_b_kern(%arg0: i32, %arg1: i32, %arg2: memref<256x256xf32, #tpu.memory_space<vmem>>, %arg3: memref<1024x128xf32, #tpu.memory_space<vmem>>, %arg4: memref<1024x128xf32, #tpu.memory_space<vmem>>, %arg5: memref<2048x768xf32, #tpu.memory_space<hbm>>, %arg6: memref<256x256xf32, #tpu.memory_space<vmem>>) attributes {dimension_semantics = [#tpu.dimension_semantics<arbitrary>, #tpu.dimension_semantics<arbitrary>], iteration_bounds = array<i64: 3, 2>, scalar_prefetch = 0 : i64, scratch_operands = 0 : i64, tpu.core_type = #tpu.core_type<tc>, window_params = [{transform_indices = @transform_0, window_bounds = array<i64: 256, 256>}, {transform_indices = @transform_1, window_bounds = array<i64: 1024, 128>}, {transform_indices = @transform_2, window_bounds = array<i64: 1024, 128>}, {}, {transform_indices = @transform_4, window_bounds = array<i64: 256, 256>}]} {
    %add3A = arith.constant 2 : i32
    %add3A_0 = arith.addi %arg1, %add3A : i32
    %get3A = arith.constant 0 : index
    %get3A_1 = arith.constant 0 : index
    %get3A_2 = vector.load %arg3[%get3A, %get3A_1] : memref<1024x128xf32, #tpu.memory_space<vmem>>, vector<1024x64xf32>
    %get3A_3 = arith.constant 0 : index
    %get3A_4 = arith.constant 0 : index
    %get3A_5 = vector.load %arg4[%get3A_3, %get3A_4] : memref<1024x128xf32, #tpu.memory_space<vmem>>, vector<1024x64xf32>
    %iota3A = tpu.iota {dimensions = array<i32: 0>} : vector<256x1024xi32>
    %mul3A = arith.constant 256 : i32
    %mul3A_6 = arith.muli %add3A_0, %mul3A : i32
    %add3A_7 = vector.broadcast %mul3A_6 : i32 to vector<256x1024xi32>
    %add3A_8 = arith.addi %iota3A, %add3A_7 : vector<256x1024xi32>
    %iota3A_9 = tpu.iota {dimensions = array<i32: 1>} : vector<256x1024xi32>
    %ge3A = arith.cmpi sge, %add3A_8, %iota3A_9 : vector<256x1024xi32>
    %get3A_10 = arith.constant 0 : index
    %get3A_11 = arith.constant 0 : index
    %get3A_12 = vector.load %arg2[%get3A_10, %get3A_11] : memref<256x256xf32, #tpu.memory_space<vmem>>, vector<256x64xf32>
    %dot_general3A = arith.constant dense<0.000000e+00> : vector<256x1024xf32>
    %dot_general3A_13 = tpu.matmul %get3A_12, %get3A_2, %dot_general3A {dimension_numbers = #tpu.dot_dimension_numbers<[1], [1], [0], [0], [0, 0, 1, 0], [], []>, transpose_lhs_hint = false} : vector<256x64xf32>, vector<1024x64xf32>, vector<256x1024xf32> -> vector<256x1024xf32>
    %jit3A = arith.constant -1.000000e+30 : f32
    %broadcast_in_dim3A = vector.broadcast %jit3A : f32 to vector<256x1024xf32>
    %select_n3A = arith.select %ge3A, %dot_general3A_13, %broadcast_in_dim3A : vector<256x1024xi1>, vector<256x1024xf32>
    %reduce_max3A = arith.constant dense<0xFF800000> : vector<256xf32>
    %reduce_max3A_14 = vector.multi_reduction <maximumf>, %select_n3A, %reduce_max3A [1] : vector<256x1024xf32> to vector<256xf32>
    %broadcast_in_dim3A_15 = vector.shape_cast %reduce_max3A_14 : vector<256xf32> to vector<256x1xf32>
    %sub3A = vector.broadcast %broadcast_in_dim3A_15 : vector<256x1xf32> to vector<256x1024xf32>
    %sub3A_16 = arith.subf %select_n3A, %sub3A : vector<256x1024xf32>
    %exp3A = math.exp %sub3A_16 : vector<256x1024xf32>
    %jit3A_17 = arith.constant 0.000000e+00 : f32
    %broadcast_in_dim3A_18 = vector.broadcast %jit3A_17 : f32 to vector<256x1024xf32>
    %select_n3A_19 = arith.select %ge3A, %exp3A, %broadcast_in_dim3A_18 : vector<256x1024xi1>, vector<256x1024xf32>
    %reduce_sum3A = arith.constant dense<0.000000e+00> : vector<256xf32>
    %reduce_sum3A_20 = vector.multi_reduction <add>, %select_n3A_19, %reduce_sum3A [1] : vector<256x1024xf32> to vector<256xf32>
    %broadcast_in_dim3A_21 = vector.shape_cast %reduce_sum3A_20 : vector<256xf32> to vector<256x1xf32>
    %div3A = vector.broadcast %broadcast_in_dim3A_21 : vector<256x1xf32> to vector<256x1024xf32>
    %div3A_22 = arith.divf %select_n3A_19, %div3A : vector<256x1024xf32>
    %dot_general3A_23 = arith.constant dense<0.000000e+00> : vector<256x64xf32>
    %dot_general3A_24 = tpu.matmul %div3A_22, %get3A_5, %dot_general3A_23 {dimension_numbers = #tpu.dot_dimension_numbers<[1], [0], [0], [1], [0, 0, 1, 1], [], []>, transpose_lhs_hint = false} : vector<256x1024xf32>, vector<1024x64xf32>, vector<256x64xf32> -> vector<256x64xf32>
    %get3A_25 = arith.constant 0 : index
    %get3A_26 = arith.constant 64 : index
    %get3A_27 = vector.load %arg2[%get3A_25, %get3A_26] : memref<256x256xf32, #tpu.memory_space<vmem>>, vector<256x64xf32>
    %dot_general3A_28 = arith.constant dense<0.000000e+00> : vector<256x1024xf32>
    %dot_general3A_29 = tpu.matmul %get3A_27, %get3A_2, %dot_general3A_28 {dimension_numbers = #tpu.dot_dimension_numbers<[1], [1], [0], [0], [0, 0, 1, 0], [], []>, transpose_lhs_hint = false} : vector<256x64xf32>, vector<1024x64xf32>, vector<256x1024xf32> -> vector<256x1024xf32>
    %jit3A_30 = arith.constant -1.000000e+30 : f32
    %broadcast_in_dim3A_31 = vector.broadcast %jit3A_30 : f32 to vector<256x1024xf32>
    %select_n3A_32 = arith.select %ge3A, %dot_general3A_29, %broadcast_in_dim3A_31 : vector<256x1024xi1>, vector<256x1024xf32>
    %reduce_max3A_33 = arith.constant dense<0xFF800000> : vector<256xf32>
    %reduce_max3A_34 = vector.multi_reduction <maximumf>, %select_n3A_32, %reduce_max3A_33 [1] : vector<256x1024xf32> to vector<256xf32>
    %broadcast_in_dim3A_35 = vector.shape_cast %reduce_max3A_34 : vector<256xf32> to vector<256x1xf32>
    %sub3A_36 = vector.broadcast %broadcast_in_dim3A_35 : vector<256x1xf32> to vector<256x1024xf32>
    %sub3A_37 = arith.subf %select_n3A_32, %sub3A_36 : vector<256x1024xf32>
    %exp3A_38 = math.exp %sub3A_37 : vector<256x1024xf32>
    %jit3A_39 = arith.constant 0.000000e+00 : f32
    %broadcast_in_dim3A_40 = vector.broadcast %jit3A_39 : f32 to vector<256x1024xf32>
    %select_n3A_41 = arith.select %ge3A, %exp3A_38, %broadcast_in_dim3A_40 : vector<256x1024xi1>, vector<256x1024xf32>
    %reduce_sum3A_42 = arith.constant dense<0.000000e+00> : vector<256xf32>
    %reduce_sum3A_43 = vector.multi_reduction <add>, %select_n3A_41, %reduce_sum3A_42 [1] : vector<256x1024xf32> to vector<256xf32>
    %broadcast_in_dim3A_44 = vector.shape_cast %reduce_sum3A_43 : vector<256xf32> to vector<256x1xf32>
    %div3A_45 = vector.broadcast %broadcast_in_dim3A_44 : vector<256x1xf32> to vector<256x1024xf32>
    %div3A_46 = arith.divf %select_n3A_41, %div3A_45 : vector<256x1024xf32>
    %dot_general3A_47 = arith.constant dense<0.000000e+00> : vector<256x64xf32>
    %dot_general3A_48 = tpu.matmul %div3A_46, %get3A_5, %dot_general3A_47 {dimension_numbers = #tpu.dot_dimension_numbers<[1], [0], [0], [1], [0, 0, 1, 1], [], []>, transpose_lhs_hint = false} : vector<256x1024xf32>, vector<1024x64xf32>, vector<256x64xf32> -> vector<256x64xf32>
    %get3A_49 = arith.constant 0 : index
    %get3A_50 = arith.constant 128 : index
    %get3A_51 = vector.load %arg2[%get3A_49, %get3A_50] : memref<256x256xf32, #tpu.memory_space<vmem>>, vector<256x64xf32>
    %dot_general3A_52 = arith.constant dense<0.000000e+00> : vector<256x1024xf32>
    %dot_general3A_53 = tpu.matmul %get3A_51, %get3A_2, %dot_general3A_52 {dimension_numbers = #tpu.dot_dimension_numbers<[1], [1], [0], [0], [0, 0, 1, 0], [], []>, transpose_lhs_hint = false} : vector<256x64xf32>, vector<1024x64xf32>, vector<256x1024xf32> -> vector<256x1024xf32>
    %jit3A_54 = arith.constant -1.000000e+30 : f32
    %broadcast_in_dim3A_55 = vector.broadcast %jit3A_54 : f32 to vector<256x1024xf32>
    %select_n3A_56 = arith.select %ge3A, %dot_general3A_53, %broadcast_in_dim3A_55 : vector<256x1024xi1>, vector<256x1024xf32>
    %reduce_max3A_57 = arith.constant dense<0xFF800000> : vector<256xf32>
    %reduce_max3A_58 = vector.multi_reduction <maximumf>, %select_n3A_56, %reduce_max3A_57 [1] : vector<256x1024xf32> to vector<256xf32>
    %broadcast_in_dim3A_59 = vector.shape_cast %reduce_max3A_58 : vector<256xf32> to vector<256x1xf32>
    %sub3A_60 = vector.broadcast %broadcast_in_dim3A_59 : vector<256x1xf32> to vector<256x1024xf32>
    %sub3A_61 = arith.subf %select_n3A_56, %sub3A_60 : vector<256x1024xf32>
    %exp3A_62 = math.exp %sub3A_61 : vector<256x1024xf32>
    %jit3A_63 = arith.constant 0.000000e+00 : f32
    %broadcast_in_dim3A_64 = vector.broadcast %jit3A_63 : f32 to vector<256x1024xf32>
    %select_n3A_65 = arith.select %ge3A, %exp3A_62, %broadcast_in_dim3A_64 : vector<256x1024xi1>, vector<256x1024xf32>
    %reduce_sum3A_66 = arith.constant dense<0.000000e+00> : vector<256xf32>
    %reduce_sum3A_67 = vector.multi_reduction <add>, %select_n3A_65, %reduce_sum3A_66 [1] : vector<256x1024xf32> to vector<256xf32>
    %broadcast_in_dim3A_68 = vector.shape_cast %reduce_sum3A_67 : vector<256xf32> to vector<256x1xf32>
    %div3A_69 = vector.broadcast %broadcast_in_dim3A_68 : vector<256x1xf32> to vector<256x1024xf32>
    %div3A_70 = arith.divf %select_n3A_65, %div3A_69 : vector<256x1024xf32>
    %dot_general3A_71 = arith.constant dense<0.000000e+00> : vector<256x64xf32>
    %dot_general3A_72 = tpu.matmul %div3A_70, %get3A_5, %dot_general3A_71 {dimension_numbers = #tpu.dot_dimension_numbers<[1], [0], [0], [1], [0, 0, 1, 1], [], []>, transpose_lhs_hint = false} : vector<256x1024xf32>, vector<1024x64xf32>, vector<256x64xf32> -> vector<256x64xf32>
    %get3A_73 = arith.constant 0 : index
    %get3A_74 = arith.constant 192 : index
    %get3A_75 = vector.load %arg2[%get3A_73, %get3A_74] : memref<256x256xf32, #tpu.memory_space<vmem>>, vector<256x64xf32>
    %dot_general3A_76 = arith.constant dense<0.000000e+00> : vector<256x1024xf32>
    %dot_general3A_77 = tpu.matmul %get3A_75, %get3A_2, %dot_general3A_76 {dimension_numbers = #tpu.dot_dimension_numbers<[1], [1], [0], [0], [0, 0, 1, 0], [], []>, transpose_lhs_hint = false} : vector<256x64xf32>, vector<1024x64xf32>, vector<256x1024xf32> -> vector<256x1024xf32>
    %jit3A_78 = arith.constant -1.000000e+30 : f32
    %broadcast_in_dim3A_79 = vector.broadcast %jit3A_78 : f32 to vector<256x1024xf32>
    %select_n3A_80 = arith.select %ge3A, %dot_general3A_77, %broadcast_in_dim3A_79 : vector<256x1024xi1>, vector<256x1024xf32>
    %reduce_max3A_81 = arith.constant dense<0xFF800000> : vector<256xf32>
    %reduce_max3A_82 = vector.multi_reduction <maximumf>, %select_n3A_80, %reduce_max3A_81 [1] : vector<256x1024xf32> to vector<256xf32>
    %broadcast_in_dim3A_83 = vector.shape_cast %reduce_max3A_82 : vector<256xf32> to vector<256x1xf32>
    %sub3A_84 = vector.broadcast %broadcast_in_dim3A_83 : vector<256x1xf32> to vector<256x1024xf32>
    %sub3A_85 = arith.subf %select_n3A_80, %sub3A_84 : vector<256x1024xf32>
    %exp3A_86 = math.exp %sub3A_85 : vector<256x1024xf32>
    %jit3A_87 = arith.constant 0.000000e+00 : f32
    %broadcast_in_dim3A_88 = vector.broadcast %jit3A_87 : f32 to vector<256x1024xf32>
    %select_n3A_89 = arith.select %ge3A, %exp3A_86, %broadcast_in_dim3A_88 : vector<256x1024xi1>, vector<256x1024xf32>
    %reduce_sum3A_90 = arith.constant dense<0.000000e+00> : vector<256xf32>
    %reduce_sum3A_91 = vector.multi_reduction <add>, %select_n3A_89, %reduce_sum3A_90 [1] : vector<256x1024xf32> to vector<256xf32>
    %broadcast_in_dim3A_92 = vector.shape_cast %reduce_sum3A_91 : vector<256xf32> to vector<256x1xf32>
    %div3A_93 = vector.broadcast %broadcast_in_dim3A_92 : vector<256x1xf32> to vector<256x1024xf32>
    %div3A_94 = arith.divf %select_n3A_89, %div3A_93 : vector<256x1024xf32>
    %dot_general3A_95 = arith.constant dense<0.000000e+00> : vector<256x64xf32>
    %dot_general3A_96 = tpu.matmul %div3A_94, %get3A_5, %dot_general3A_95 {dimension_numbers = #tpu.dot_dimension_numbers<[1], [0], [0], [1], [0, 0, 1, 1], [], []>, transpose_lhs_hint = false} : vector<256x1024xf32>, vector<1024x64xf32>, vector<256x64xf32> -> vector<256x64xf32>
    %concatenate3A = tpu.concatenate %dot_general3A_24, %dot_general3A_48 in 1 : vector<256x64xf32>, vector<256x64xf32> -> vector<256x128xf32>
    %swap3A = arith.constant 0 : index
    %swap3A_97 = arith.constant 0 : index
    %swap3A_98 = vector.load %arg6[%swap3A, %swap3A_97] : memref<256x256xf32, #tpu.memory_space<vmem>>, vector<256x128xf32>
    tpu.vector_store %arg6[%swap3A, %swap3A_97], %concatenate3A {strides = array<i32>} : memref<256x256xf32, #tpu.memory_space<vmem>>, vector<256x128xf32>,
    %concatenate3A_99 = tpu.concatenate %dot_general3A_72, %dot_general3A_96 in 1 : vector<256x64xf32>, vector<256x64xf32> -> vector<256x128xf32>
    %swap3A_100 = arith.constant 0 : index
    %swap3A_101 = arith.constant 128 : index
    %swap3A_102 = vector.load %arg6[%swap3A_100, %swap3A_101] : memref<256x256xf32, #tpu.memory_space<vmem>>, vector<256x128xf32>
    tpu.vector_store %arg6[%swap3A_100, %swap3A_101], %concatenate3A_99 {strides = array<i32>} : memref<256x256xf32, #tpu.memory_space<vmem>>, vector<256x128xf32>,
    return
  }
  func.func @transform_0(%arg0: i32, %arg1: i32) -> (i32, i32) {
    %add3A = arith.constant 2 : i32
    %add3A_0 = arith.addi %arg1, %add3A : i32
    %c0_i32 = arith.constant 0 : i32
    return %add3A_0, %arg0 : i32, i32
  }
  func.func @transform_1(%arg0: i32, %arg1: i32) -> (i32, i32) {
    %c0_i32 = arith.constant 0 : i32
    %c0_i32_0 = arith.constant 0 : i32
    return %c0_i32, %arg0 : i32, i32
  }
  func.func @transform_2(%arg0: i32, %arg1: i32) -> (i32, i32) {
    %c0_i32 = arith.constant 0 : i32
    %c0_i32_0 = arith.constant 0 : i32
    return %c0_i32, %arg0 : i32, i32
  }
  func.func @transform_4(%arg0: i32, %arg1: i32) -> (i32, i32) {
    %add3A = arith.constant 2 : i32
    %add3A_0 = arith.addi %arg1, %add3A : i32
    %c0_i32 = arith.constant 0 : i32
    return %add3A_0, %arg0 : i32, i32
  }
}

module attributes {stable_mosaic.version = 14 : i64} {
  func.func @_stage_b_kern(%arg0: i32, %arg1: i32, %arg2: memref<256x256xf32, #tpu.memory_space<vmem>>, %arg3: memref<1536x128xf32, #tpu.memory_space<vmem>>, %arg4: memref<1536x128xf32, #tpu.memory_space<vmem>>, %arg5: memref<2048x768xf32, #tpu.memory_space<hbm>>, %arg6: memref<256x256xf32, #tpu.memory_space<vmem>>) attributes {dimension_semantics = [#tpu.dimension_semantics<arbitrary>, #tpu.dimension_semantics<arbitrary>], iteration_bounds = array<i64: 3, 2>, scalar_prefetch = 0 : i64, scratch_operands = 0 : i64, tpu.core_type = #tpu.core_type<tc>, window_params = [{transform_indices = @transform_0, window_bounds = array<i64: 256, 256>}, {transform_indices = @transform_1, window_bounds = array<i64: 1536, 128>}, {transform_indices = @transform_2, window_bounds = array<i64: 1536, 128>}, {}, {transform_indices = @transform_4, window_bounds = array<i64: 256, 256>}]} {
    %add3A = arith.constant 4 : i32
    %add3A_0 = arith.addi %arg1, %add3A : i32
    %get3A = arith.constant 0 : index
    %get3A_1 = arith.constant 0 : index
    %get3A_2 = vector.load %arg3[%get3A, %get3A_1] : memref<1536x128xf32, #tpu.memory_space<vmem>>, vector<1536x64xf32>
    %get3A_3 = arith.constant 0 : index
    %get3A_4 = arith.constant 0 : index
    %get3A_5 = vector.load %arg4[%get3A_3, %get3A_4] : memref<1536x128xf32, #tpu.memory_space<vmem>>, vector<1536x64xf32>
    %iota3A = tpu.iota {dimensions = array<i32: 0>} : vector<256x1536xi32>
    %mul3A = arith.constant 256 : i32
    %mul3A_6 = arith.muli %add3A_0, %mul3A : i32
    %add3A_7 = vector.broadcast %mul3A_6 : i32 to vector<256x1536xi32>
    %add3A_8 = arith.addi %iota3A, %add3A_7 : vector<256x1536xi32>
    %iota3A_9 = tpu.iota {dimensions = array<i32: 1>} : vector<256x1536xi32>
    %ge3A = arith.cmpi sge, %add3A_8, %iota3A_9 : vector<256x1536xi32>
    %get3A_10 = arith.constant 0 : index
    %get3A_11 = arith.constant 0 : index
    %get3A_12 = vector.load %arg2[%get3A_10, %get3A_11] : memref<256x256xf32, #tpu.memory_space<vmem>>, vector<256x64xf32>
    %dot_general3A = arith.constant dense<0.000000e+00> : vector<256x1536xf32>
    %dot_general3A_13 = tpu.matmul %get3A_12, %get3A_2, %dot_general3A {dimension_numbers = #tpu.dot_dimension_numbers<[1], [1], [0], [0], [0, 0, 1, 0], [], []>, transpose_lhs_hint = false} : vector<256x64xf32>, vector<1536x64xf32>, vector<256x1536xf32> -> vector<256x1536xf32>
    %jit3A = arith.constant -1.000000e+30 : f32
    %broadcast_in_dim3A = vector.broadcast %jit3A : f32 to vector<256x1536xf32>
    %select_n3A = arith.select %ge3A, %dot_general3A_13, %broadcast_in_dim3A : vector<256x1536xi1>, vector<256x1536xf32>
    %reduce_max3A = arith.constant dense<0xFF800000> : vector<256xf32>
    %reduce_max3A_14 = vector.multi_reduction <maximumf>, %select_n3A, %reduce_max3A [1] : vector<256x1536xf32> to vector<256xf32>
    %broadcast_in_dim3A_15 = vector.shape_cast %reduce_max3A_14 : vector<256xf32> to vector<256x1xf32>
    %sub3A = vector.broadcast %broadcast_in_dim3A_15 : vector<256x1xf32> to vector<256x1536xf32>
    %sub3A_16 = arith.subf %select_n3A, %sub3A : vector<256x1536xf32>
    %exp3A = math.exp %sub3A_16 : vector<256x1536xf32>
    %jit3A_17 = arith.constant 0.000000e+00 : f32
    %broadcast_in_dim3A_18 = vector.broadcast %jit3A_17 : f32 to vector<256x1536xf32>
    %select_n3A_19 = arith.select %ge3A, %exp3A, %broadcast_in_dim3A_18 : vector<256x1536xi1>, vector<256x1536xf32>
    %reduce_sum3A = arith.constant dense<0.000000e+00> : vector<256xf32>
    %reduce_sum3A_20 = vector.multi_reduction <add>, %select_n3A_19, %reduce_sum3A [1] : vector<256x1536xf32> to vector<256xf32>
    %broadcast_in_dim3A_21 = vector.shape_cast %reduce_sum3A_20 : vector<256xf32> to vector<256x1xf32>
    %div3A = vector.broadcast %broadcast_in_dim3A_21 : vector<256x1xf32> to vector<256x1536xf32>
    %div3A_22 = arith.divf %select_n3A_19, %div3A : vector<256x1536xf32>
    %dot_general3A_23 = arith.constant dense<0.000000e+00> : vector<256x64xf32>
    %dot_general3A_24 = tpu.matmul %div3A_22, %get3A_5, %dot_general3A_23 {dimension_numbers = #tpu.dot_dimension_numbers<[1], [0], [0], [1], [0, 0, 1, 1], [], []>, transpose_lhs_hint = false} : vector<256x1536xf32>, vector<1536x64xf32>, vector<256x64xf32> -> vector<256x64xf32>
    %get3A_25 = arith.constant 0 : index
    %get3A_26 = arith.constant 64 : index
    %get3A_27 = vector.load %arg2[%get3A_25, %get3A_26] : memref<256x256xf32, #tpu.memory_space<vmem>>, vector<256x64xf32>
    %dot_general3A_28 = arith.constant dense<0.000000e+00> : vector<256x1536xf32>
    %dot_general3A_29 = tpu.matmul %get3A_27, %get3A_2, %dot_general3A_28 {dimension_numbers = #tpu.dot_dimension_numbers<[1], [1], [0], [0], [0, 0, 1, 0], [], []>, transpose_lhs_hint = false} : vector<256x64xf32>, vector<1536x64xf32>, vector<256x1536xf32> -> vector<256x1536xf32>
    %jit3A_30 = arith.constant -1.000000e+30 : f32
    %broadcast_in_dim3A_31 = vector.broadcast %jit3A_30 : f32 to vector<256x1536xf32>
    %select_n3A_32 = arith.select %ge3A, %dot_general3A_29, %broadcast_in_dim3A_31 : vector<256x1536xi1>, vector<256x1536xf32>
    %reduce_max3A_33 = arith.constant dense<0xFF800000> : vector<256xf32>
    %reduce_max3A_34 = vector.multi_reduction <maximumf>, %select_n3A_32, %reduce_max3A_33 [1] : vector<256x1536xf32> to vector<256xf32>
    %broadcast_in_dim3A_35 = vector.shape_cast %reduce_max3A_34 : vector<256xf32> to vector<256x1xf32>
    %sub3A_36 = vector.broadcast %broadcast_in_dim3A_35 : vector<256x1xf32> to vector<256x1536xf32>
    %sub3A_37 = arith.subf %select_n3A_32, %sub3A_36 : vector<256x1536xf32>
    %exp3A_38 = math.exp %sub3A_37 : vector<256x1536xf32>
    %jit3A_39 = arith.constant 0.000000e+00 : f32
    %broadcast_in_dim3A_40 = vector.broadcast %jit3A_39 : f32 to vector<256x1536xf32>
    %select_n3A_41 = arith.select %ge3A, %exp3A_38, %broadcast_in_dim3A_40 : vector<256x1536xi1>, vector<256x1536xf32>
    %reduce_sum3A_42 = arith.constant dense<0.000000e+00> : vector<256xf32>
    %reduce_sum3A_43 = vector.multi_reduction <add>, %select_n3A_41, %reduce_sum3A_42 [1] : vector<256x1536xf32> to vector<256xf32>
    %broadcast_in_dim3A_44 = vector.shape_cast %reduce_sum3A_43 : vector<256xf32> to vector<256x1xf32>
    %div3A_45 = vector.broadcast %broadcast_in_dim3A_44 : vector<256x1xf32> to vector<256x1536xf32>
    %div3A_46 = arith.divf %select_n3A_41, %div3A_45 : vector<256x1536xf32>
    %dot_general3A_47 = arith.constant dense<0.000000e+00> : vector<256x64xf32>
    %dot_general3A_48 = tpu.matmul %div3A_46, %get3A_5, %dot_general3A_47 {dimension_numbers = #tpu.dot_dimension_numbers<[1], [0], [0], [1], [0, 0, 1, 1], [], []>, transpose_lhs_hint = false} : vector<256x1536xf32>, vector<1536x64xf32>, vector<256x64xf32> -> vector<256x64xf32>
    %get3A_49 = arith.constant 0 : index
    %get3A_50 = arith.constant 128 : index
    %get3A_51 = vector.load %arg2[%get3A_49, %get3A_50] : memref<256x256xf32, #tpu.memory_space<vmem>>, vector<256x64xf32>
    %dot_general3A_52 = arith.constant dense<0.000000e+00> : vector<256x1536xf32>
    %dot_general3A_53 = tpu.matmul %get3A_51, %get3A_2, %dot_general3A_52 {dimension_numbers = #tpu.dot_dimension_numbers<[1], [1], [0], [0], [0, 0, 1, 0], [], []>, transpose_lhs_hint = false} : vector<256x64xf32>, vector<1536x64xf32>, vector<256x1536xf32> -> vector<256x1536xf32>
    %jit3A_54 = arith.constant -1.000000e+30 : f32
    %broadcast_in_dim3A_55 = vector.broadcast %jit3A_54 : f32 to vector<256x1536xf32>
    %select_n3A_56 = arith.select %ge3A, %dot_general3A_53, %broadcast_in_dim3A_55 : vector<256x1536xi1>, vector<256x1536xf32>
    %reduce_max3A_57 = arith.constant dense<0xFF800000> : vector<256xf32>
    %reduce_max3A_58 = vector.multi_reduction <maximumf>, %select_n3A_56, %reduce_max3A_57 [1] : vector<256x1536xf32> to vector<256xf32>
    %broadcast_in_dim3A_59 = vector.shape_cast %reduce_max3A_58 : vector<256xf32> to vector<256x1xf32>
    %sub3A_60 = vector.broadcast %broadcast_in_dim3A_59 : vector<256x1xf32> to vector<256x1536xf32>
    %sub3A_61 = arith.subf %select_n3A_56, %sub3A_60 : vector<256x1536xf32>
    %exp3A_62 = math.exp %sub3A_61 : vector<256x1536xf32>
    %jit3A_63 = arith.constant 0.000000e+00 : f32
    %broadcast_in_dim3A_64 = vector.broadcast %jit3A_63 : f32 to vector<256x1536xf32>
    %select_n3A_65 = arith.select %ge3A, %exp3A_62, %broadcast_in_dim3A_64 : vector<256x1536xi1>, vector<256x1536xf32>
    %reduce_sum3A_66 = arith.constant dense<0.000000e+00> : vector<256xf32>
    %reduce_sum3A_67 = vector.multi_reduction <add>, %select_n3A_65, %reduce_sum3A_66 [1] : vector<256x1536xf32> to vector<256xf32>
    %broadcast_in_dim3A_68 = vector.shape_cast %reduce_sum3A_67 : vector<256xf32> to vector<256x1xf32>
    %div3A_69 = vector.broadcast %broadcast_in_dim3A_68 : vector<256x1xf32> to vector<256x1536xf32>
    %div3A_70 = arith.divf %select_n3A_65, %div3A_69 : vector<256x1536xf32>
    %dot_general3A_71 = arith.constant dense<0.000000e+00> : vector<256x64xf32>
    %dot_general3A_72 = tpu.matmul %div3A_70, %get3A_5, %dot_general3A_71 {dimension_numbers = #tpu.dot_dimension_numbers<[1], [0], [0], [1], [0, 0, 1, 1], [], []>, transpose_lhs_hint = false} : vector<256x1536xf32>, vector<1536x64xf32>, vector<256x64xf32> -> vector<256x64xf32>
    %get3A_73 = arith.constant 0 : index
    %get3A_74 = arith.constant 192 : index
    %get3A_75 = vector.load %arg2[%get3A_73, %get3A_74] : memref<256x256xf32, #tpu.memory_space<vmem>>, vector<256x64xf32>
    %dot_general3A_76 = arith.constant dense<0.000000e+00> : vector<256x1536xf32>
    %dot_general3A_77 = tpu.matmul %get3A_75, %get3A_2, %dot_general3A_76 {dimension_numbers = #tpu.dot_dimension_numbers<[1], [1], [0], [0], [0, 0, 1, 0], [], []>, transpose_lhs_hint = false} : vector<256x64xf32>, vector<1536x64xf32>, vector<256x1536xf32> -> vector<256x1536xf32>
    %jit3A_78 = arith.constant -1.000000e+30 : f32
    %broadcast_in_dim3A_79 = vector.broadcast %jit3A_78 : f32 to vector<256x1536xf32>
    %select_n3A_80 = arith.select %ge3A, %dot_general3A_77, %broadcast_in_dim3A_79 : vector<256x1536xi1>, vector<256x1536xf32>
    %reduce_max3A_81 = arith.constant dense<0xFF800000> : vector<256xf32>
    %reduce_max3A_82 = vector.multi_reduction <maximumf>, %select_n3A_80, %reduce_max3A_81 [1] : vector<256x1536xf32> to vector<256xf32>
    %broadcast_in_dim3A_83 = vector.shape_cast %reduce_max3A_82 : vector<256xf32> to vector<256x1xf32>
    %sub3A_84 = vector.broadcast %broadcast_in_dim3A_83 : vector<256x1xf32> to vector<256x1536xf32>
    %sub3A_85 = arith.subf %select_n3A_80, %sub3A_84 : vector<256x1536xf32>
    %exp3A_86 = math.exp %sub3A_85 : vector<256x1536xf32>
    %jit3A_87 = arith.constant 0.000000e+00 : f32
    %broadcast_in_dim3A_88 = vector.broadcast %jit3A_87 : f32 to vector<256x1536xf32>
    %select_n3A_89 = arith.select %ge3A, %exp3A_86, %broadcast_in_dim3A_88 : vector<256x1536xi1>, vector<256x1536xf32>
    %reduce_sum3A_90 = arith.constant dense<0.000000e+00> : vector<256xf32>
    %reduce_sum3A_91 = vector.multi_reduction <add>, %select_n3A_89, %reduce_sum3A_90 [1] : vector<256x1536xf32> to vector<256xf32>
    %broadcast_in_dim3A_92 = vector.shape_cast %reduce_sum3A_91 : vector<256xf32> to vector<256x1xf32>
    %div3A_93 = vector.broadcast %broadcast_in_dim3A_92 : vector<256x1xf32> to vector<256x1536xf32>
    %div3A_94 = arith.divf %select_n3A_89, %div3A_93 : vector<256x1536xf32>
    %dot_general3A_95 = arith.constant dense<0.000000e+00> : vector<256x64xf32>
    %dot_general3A_96 = tpu.matmul %div3A_94, %get3A_5, %dot_general3A_95 {dimension_numbers = #tpu.dot_dimension_numbers<[1], [0], [0], [1], [0, 0, 1, 1], [], []>, transpose_lhs_hint = false} : vector<256x1536xf32>, vector<1536x64xf32>, vector<256x64xf32> -> vector<256x64xf32>
    %concatenate3A = tpu.concatenate %dot_general3A_24, %dot_general3A_48 in 1 : vector<256x64xf32>, vector<256x64xf32> -> vector<256x128xf32>
    %swap3A = arith.constant 0 : index
    %swap3A_97 = arith.constant 0 : index
    %swap3A_98 = vector.load %arg6[%swap3A, %swap3A_97] : memref<256x256xf32, #tpu.memory_space<vmem>>, vector<256x128xf32>
    tpu.vector_store %arg6[%swap3A, %swap3A_97], %concatenate3A {strides = array<i32>} : memref<256x256xf32, #tpu.memory_space<vmem>>, vector<256x128xf32>,
    %concatenate3A_99 = tpu.concatenate %dot_general3A_72, %dot_general3A_96 in 1 : vector<256x64xf32>, vector<256x64xf32> -> vector<256x128xf32>
    %swap3A_100 = arith.constant 0 : index
    %swap3A_101 = arith.constant 128 : index
    %swap3A_102 = vector.load %arg6[%swap3A_100, %swap3A_101] : memref<256x256xf32, #tpu.memory_space<vmem>>, vector<256x128xf32>
    tpu.vector_store %arg6[%swap3A_100, %swap3A_101], %concatenate3A_99 {strides = array<i32>} : memref<256x256xf32, #tpu.memory_space<vmem>>, vector<256x128xf32>,
    return
  }
  func.func @transform_0(%arg0: i32, %arg1: i32) -> (i32, i32) {
    %add3A = arith.constant 4 : i32
    %add3A_0 = arith.addi %arg1, %add3A : i32
    %c0_i32 = arith.constant 0 : i32
    return %add3A_0, %arg0 : i32, i32
  }
  func.func @transform_1(%arg0: i32, %arg1: i32) -> (i32, i32) {
    %c0_i32 = arith.constant 0 : i32
    %c0_i32_0 = arith.constant 0 : i32
    return %c0_i32, %arg0 : i32, i32
  }
  func.func @transform_2(%arg0: i32, %arg1: i32) -> (i32, i32) {
    %c0_i32 = arith.constant 0 : i32
    %c0_i32_0 = arith.constant 0 : i32
    return %c0_i32, %arg0 : i32, i32
  }
  func.func @transform_4(%arg0: i32, %arg1: i32) -> (i32, i32) {
    %add3A = arith.constant 4 : i32
    %add3A_0 = arith.addi %arg1, %add3A : i32
    %c0_i32 = arith.constant 0 : i32
    return %add3A_0, %arg0 : i32, i32
  }
}

module attributes {stable_mosaic.version = 14 : i64} {
  func.func @_stage_b_kern(%arg0: i32, %arg1: i32, %arg2: memref<256x256xf32, #tpu.memory_space<vmem>>, %arg3: memref<2048x128xf32, #tpu.memory_space<vmem>>, %arg4: memref<2048x128xf32, #tpu.memory_space<vmem>>, %arg5: memref<2048x768xf32, #tpu.memory_space<hbm>>, %arg6: memref<256x256xf32, #tpu.memory_space<vmem>>) attributes {dimension_semantics = [#tpu.dimension_semantics<arbitrary>, #tpu.dimension_semantics<arbitrary>], iteration_bounds = array<i64: 3, 2>, scalar_prefetch = 0 : i64, scratch_operands = 0 : i64, tpu.core_type = #tpu.core_type<tc>, window_params = [{transform_indices = @transform_0, window_bounds = array<i64: 256, 256>}, {transform_indices = @transform_1, window_bounds = array<i64: 2048, 128>}, {transform_indices = @transform_2, window_bounds = array<i64: 2048, 128>}, {}, {transform_indices = @transform_4, window_bounds = array<i64: 256, 256>}]} {
    %add3A = arith.constant 6 : i32
    %add3A_0 = arith.addi %arg1, %add3A : i32
    %get3A = arith.constant 0 : index
    %get3A_1 = arith.constant 0 : index
    %get3A_2 = vector.load %arg3[%get3A, %get3A_1] : memref<2048x128xf32, #tpu.memory_space<vmem>>, vector<2048x64xf32>
    %get3A_3 = arith.constant 0 : index
    %get3A_4 = arith.constant 0 : index
    %get3A_5 = vector.load %arg4[%get3A_3, %get3A_4] : memref<2048x128xf32, #tpu.memory_space<vmem>>, vector<2048x64xf32>
    %iota3A = tpu.iota {dimensions = array<i32: 0>} : vector<256x2048xi32>
    %mul3A = arith.constant 256 : i32
    %mul3A_6 = arith.muli %add3A_0, %mul3A : i32
    %add3A_7 = vector.broadcast %mul3A_6 : i32 to vector<256x2048xi32>
    %add3A_8 = arith.addi %iota3A, %add3A_7 : vector<256x2048xi32>
    %iota3A_9 = tpu.iota {dimensions = array<i32: 1>} : vector<256x2048xi32>
    %ge3A = arith.cmpi sge, %add3A_8, %iota3A_9 : vector<256x2048xi32>
    %get3A_10 = arith.constant 0 : index
    %get3A_11 = arith.constant 0 : index
    %get3A_12 = vector.load %arg2[%get3A_10, %get3A_11] : memref<256x256xf32, #tpu.memory_space<vmem>>, vector<256x64xf32>
    %dot_general3A = arith.constant dense<0.000000e+00> : vector<256x2048xf32>
    %dot_general3A_13 = tpu.matmul %get3A_12, %get3A_2, %dot_general3A {dimension_numbers = #tpu.dot_dimension_numbers<[1], [1], [0], [0], [0, 0, 1, 0], [], []>, transpose_lhs_hint = false} : vector<256x64xf32>, vector<2048x64xf32>, vector<256x2048xf32> -> vector<256x2048xf32>
    %jit3A = arith.constant -1.000000e+30 : f32
    %broadcast_in_dim3A = vector.broadcast %jit3A : f32 to vector<256x2048xf32>
    %select_n3A = arith.select %ge3A, %dot_general3A_13, %broadcast_in_dim3A : vector<256x2048xi1>, vector<256x2048xf32>
    %reduce_max3A = arith.constant dense<0xFF800000> : vector<256xf32>
    %reduce_max3A_14 = vector.multi_reduction <maximumf>, %select_n3A, %reduce_max3A [1] : vector<256x2048xf32> to vector<256xf32>
    %broadcast_in_dim3A_15 = vector.shape_cast %reduce_max3A_14 : vector<256xf32> to vector<256x1xf32>
    %sub3A = vector.broadcast %broadcast_in_dim3A_15 : vector<256x1xf32> to vector<256x2048xf32>
    %sub3A_16 = arith.subf %select_n3A, %sub3A : vector<256x2048xf32>
    %exp3A = math.exp %sub3A_16 : vector<256x2048xf32>
    %jit3A_17 = arith.constant 0.000000e+00 : f32
    %broadcast_in_dim3A_18 = vector.broadcast %jit3A_17 : f32 to vector<256x2048xf32>
    %select_n3A_19 = arith.select %ge3A, %exp3A, %broadcast_in_dim3A_18 : vector<256x2048xi1>, vector<256x2048xf32>
    %reduce_sum3A = arith.constant dense<0.000000e+00> : vector<256xf32>
    %reduce_sum3A_20 = vector.multi_reduction <add>, %select_n3A_19, %reduce_sum3A [1] : vector<256x2048xf32> to vector<256xf32>
    %broadcast_in_dim3A_21 = vector.shape_cast %reduce_sum3A_20 : vector<256xf32> to vector<256x1xf32>
    %div3A = vector.broadcast %broadcast_in_dim3A_21 : vector<256x1xf32> to vector<256x2048xf32>
    %div3A_22 = arith.divf %select_n3A_19, %div3A : vector<256x2048xf32>
    %dot_general3A_23 = arith.constant dense<0.000000e+00> : vector<256x64xf32>
    %dot_general3A_24 = tpu.matmul %div3A_22, %get3A_5, %dot_general3A_23 {dimension_numbers = #tpu.dot_dimension_numbers<[1], [0], [0], [1], [0, 0, 1, 1], [], []>, transpose_lhs_hint = false} : vector<256x2048xf32>, vector<2048x64xf32>, vector<256x64xf32> -> vector<256x64xf32>
    %get3A_25 = arith.constant 0 : index
    %get3A_26 = arith.constant 64 : index
    %get3A_27 = vector.load %arg2[%get3A_25, %get3A_26] : memref<256x256xf32, #tpu.memory_space<vmem>>, vector<256x64xf32>
    %dot_general3A_28 = arith.constant dense<0.000000e+00> : vector<256x2048xf32>
    %dot_general3A_29 = tpu.matmul %get3A_27, %get3A_2, %dot_general3A_28 {dimension_numbers = #tpu.dot_dimension_numbers<[1], [1], [0], [0], [0, 0, 1, 0], [], []>, transpose_lhs_hint = false} : vector<256x64xf32>, vector<2048x64xf32>, vector<256x2048xf32> -> vector<256x2048xf32>
    %jit3A_30 = arith.constant -1.000000e+30 : f32
    %broadcast_in_dim3A_31 = vector.broadcast %jit3A_30 : f32 to vector<256x2048xf32>
    %select_n3A_32 = arith.select %ge3A, %dot_general3A_29, %broadcast_in_dim3A_31 : vector<256x2048xi1>, vector<256x2048xf32>
    %reduce_max3A_33 = arith.constant dense<0xFF800000> : vector<256xf32>
    %reduce_max3A_34 = vector.multi_reduction <maximumf>, %select_n3A_32, %reduce_max3A_33 [1] : vector<256x2048xf32> to vector<256xf32>
    %broadcast_in_dim3A_35 = vector.shape_cast %reduce_max3A_34 : vector<256xf32> to vector<256x1xf32>
    %sub3A_36 = vector.broadcast %broadcast_in_dim3A_35 : vector<256x1xf32> to vector<256x2048xf32>
    %sub3A_37 = arith.subf %select_n3A_32, %sub3A_36 : vector<256x2048xf32>
    %exp3A_38 = math.exp %sub3A_37 : vector<256x2048xf32>
    %jit3A_39 = arith.constant 0.000000e+00 : f32
    %broadcast_in_dim3A_40 = vector.broadcast %jit3A_39 : f32 to vector<256x2048xf32>
    %select_n3A_41 = arith.select %ge3A, %exp3A_38, %broadcast_in_dim3A_40 : vector<256x2048xi1>, vector<256x2048xf32>
    %reduce_sum3A_42 = arith.constant dense<0.000000e+00> : vector<256xf32>
    %reduce_sum3A_43 = vector.multi_reduction <add>, %select_n3A_41, %reduce_sum3A_42 [1] : vector<256x2048xf32> to vector<256xf32>
    %broadcast_in_dim3A_44 = vector.shape_cast %reduce_sum3A_43 : vector<256xf32> to vector<256x1xf32>
    %div3A_45 = vector.broadcast %broadcast_in_dim3A_44 : vector<256x1xf32> to vector<256x2048xf32>
    %div3A_46 = arith.divf %select_n3A_41, %div3A_45 : vector<256x2048xf32>
    %dot_general3A_47 = arith.constant dense<0.000000e+00> : vector<256x64xf32>
    %dot_general3A_48 = tpu.matmul %div3A_46, %get3A_5, %dot_general3A_47 {dimension_numbers = #tpu.dot_dimension_numbers<[1], [0], [0], [1], [0, 0, 1, 1], [], []>, transpose_lhs_hint = false} : vector<256x2048xf32>, vector<2048x64xf32>, vector<256x64xf32> -> vector<256x64xf32>
    %get3A_49 = arith.constant 0 : index
    %get3A_50 = arith.constant 128 : index
    %get3A_51 = vector.load %arg2[%get3A_49, %get3A_50] : memref<256x256xf32, #tpu.memory_space<vmem>>, vector<256x64xf32>
    %dot_general3A_52 = arith.constant dense<0.000000e+00> : vector<256x2048xf32>
    %dot_general3A_53 = tpu.matmul %get3A_51, %get3A_2, %dot_general3A_52 {dimension_numbers = #tpu.dot_dimension_numbers<[1], [1], [0], [0], [0, 0, 1, 0], [], []>, transpose_lhs_hint = false} : vector<256x64xf32>, vector<2048x64xf32>, vector<256x2048xf32> -> vector<256x2048xf32>
    %jit3A_54 = arith.constant -1.000000e+30 : f32
    %broadcast_in_dim3A_55 = vector.broadcast %jit3A_54 : f32 to vector<256x2048xf32>
    %select_n3A_56 = arith.select %ge3A, %dot_general3A_53, %broadcast_in_dim3A_55 : vector<256x2048xi1>, vector<256x2048xf32>
    %reduce_max3A_57 = arith.constant dense<0xFF800000> : vector<256xf32>
    %reduce_max3A_58 = vector.multi_reduction <maximumf>, %select_n3A_56, %reduce_max3A_57 [1] : vector<256x2048xf32> to vector<256xf32>
    %broadcast_in_dim3A_59 = vector.shape_cast %reduce_max3A_58 : vector<256xf32> to vector<256x1xf32>
    %sub3A_60 = vector.broadcast %broadcast_in_dim3A_59 : vector<256x1xf32> to vector<256x2048xf32>
    %sub3A_61 = arith.subf %select_n3A_56, %sub3A_60 : vector<256x2048xf32>
    %exp3A_62 = math.exp %sub3A_61 : vector<256x2048xf32>
    %jit3A_63 = arith.constant 0.000000e+00 : f32
    %broadcast_in_dim3A_64 = vector.broadcast %jit3A_63 : f32 to vector<256x2048xf32>
    %select_n3A_65 = arith.select %ge3A, %exp3A_62, %broadcast_in_dim3A_64 : vector<256x2048xi1>, vector<256x2048xf32>
    %reduce_sum3A_66 = arith.constant dense<0.000000e+00> : vector<256xf32>
    %reduce_sum3A_67 = vector.multi_reduction <add>, %select_n3A_65, %reduce_sum3A_66 [1] : vector<256x2048xf32> to vector<256xf32>
    %broadcast_in_dim3A_68 = vector.shape_cast %reduce_sum3A_67 : vector<256xf32> to vector<256x1xf32>
    %div3A_69 = vector.broadcast %broadcast_in_dim3A_68 : vector<256x1xf32> to vector<256x2048xf32>
    %div3A_70 = arith.divf %select_n3A_65, %div3A_69 : vector<256x2048xf32>
    %dot_general3A_71 = arith.constant dense<0.000000e+00> : vector<256x64xf32>
    %dot_general3A_72 = tpu.matmul %div3A_70, %get3A_5, %dot_general3A_71 {dimension_numbers = #tpu.dot_dimension_numbers<[1], [0], [0], [1], [0, 0, 1, 1], [], []>, transpose_lhs_hint = false} : vector<256x2048xf32>, vector<2048x64xf32>, vector<256x64xf32> -> vector<256x64xf32>
    %get3A_73 = arith.constant 0 : index
    %get3A_74 = arith.constant 192 : index
    %get3A_75 = vector.load %arg2[%get3A_73, %get3A_74] : memref<256x256xf32, #tpu.memory_space<vmem>>, vector<256x64xf32>
    %dot_general3A_76 = arith.constant dense<0.000000e+00> : vector<256x2048xf32>
    %dot_general3A_77 = tpu.matmul %get3A_75, %get3A_2, %dot_general3A_76 {dimension_numbers = #tpu.dot_dimension_numbers<[1], [1], [0], [0], [0, 0, 1, 0], [], []>, transpose_lhs_hint = false} : vector<256x64xf32>, vector<2048x64xf32>, vector<256x2048xf32> -> vector<256x2048xf32>
    %jit3A_78 = arith.constant -1.000000e+30 : f32
    %broadcast_in_dim3A_79 = vector.broadcast %jit3A_78 : f32 to vector<256x2048xf32>
    %select_n3A_80 = arith.select %ge3A, %dot_general3A_77, %broadcast_in_dim3A_79 : vector<256x2048xi1>, vector<256x2048xf32>
    %reduce_max3A_81 = arith.constant dense<0xFF800000> : vector<256xf32>
    %reduce_max3A_82 = vector.multi_reduction <maximumf>, %select_n3A_80, %reduce_max3A_81 [1] : vector<256x2048xf32> to vector<256xf32>
    %broadcast_in_dim3A_83 = vector.shape_cast %reduce_max3A_82 : vector<256xf32> to vector<256x1xf32>
    %sub3A_84 = vector.broadcast %broadcast_in_dim3A_83 : vector<256x1xf32> to vector<256x2048xf32>
    %sub3A_85 = arith.subf %select_n3A_80, %sub3A_84 : vector<256x2048xf32>
    %exp3A_86 = math.exp %sub3A_85 : vector<256x2048xf32>
    %jit3A_87 = arith.constant 0.000000e+00 : f32
    %broadcast_in_dim3A_88 = vector.broadcast %jit3A_87 : f32 to vector<256x2048xf32>
    %select_n3A_89 = arith.select %ge3A, %exp3A_86, %broadcast_in_dim3A_88 : vector<256x2048xi1>, vector<256x2048xf32>
    %reduce_sum3A_90 = arith.constant dense<0.000000e+00> : vector<256xf32>
    %reduce_sum3A_91 = vector.multi_reduction <add>, %select_n3A_89, %reduce_sum3A_90 [1] : vector<256x2048xf32> to vector<256xf32>
    %broadcast_in_dim3A_92 = vector.shape_cast %reduce_sum3A_91 : vector<256xf32> to vector<256x1xf32>
    %div3A_93 = vector.broadcast %broadcast_in_dim3A_92 : vector<256x1xf32> to vector<256x2048xf32>
    %div3A_94 = arith.divf %select_n3A_89, %div3A_93 : vector<256x2048xf32>
    %dot_general3A_95 = arith.constant dense<0.000000e+00> : vector<256x64xf32>
    %dot_general3A_96 = tpu.matmul %div3A_94, %get3A_5, %dot_general3A_95 {dimension_numbers = #tpu.dot_dimension_numbers<[1], [0], [0], [1], [0, 0, 1, 1], [], []>, transpose_lhs_hint = false} : vector<256x2048xf32>, vector<2048x64xf32>, vector<256x64xf32> -> vector<256x64xf32>
    %concatenate3A = tpu.concatenate %dot_general3A_24, %dot_general3A_48 in 1 : vector<256x64xf32>, vector<256x64xf32> -> vector<256x128xf32>
    %swap3A = arith.constant 0 : index
    %swap3A_97 = arith.constant 0 : index
    %swap3A_98 = vector.load %arg6[%swap3A, %swap3A_97] : memref<256x256xf32, #tpu.memory_space<vmem>>, vector<256x128xf32>
    tpu.vector_store %arg6[%swap3A, %swap3A_97], %concatenate3A {strides = array<i32>} : memref<256x256xf32, #tpu.memory_space<vmem>>, vector<256x128xf32>,
    %concatenate3A_99 = tpu.concatenate %dot_general3A_72, %dot_general3A_96 in 1 : vector<256x64xf32>, vector<256x64xf32> -> vector<256x128xf32>
    %swap3A_100 = arith.constant 0 : index
    %swap3A_101 = arith.constant 128 : index
    %swap3A_102 = vector.load %arg6[%swap3A_100, %swap3A_101] : memref<256x256xf32, #tpu.memory_space<vmem>>, vector<256x128xf32>
    tpu.vector_store %arg6[%swap3A_100, %swap3A_101], %concatenate3A_99 {strides = array<i32>} : memref<256x256xf32, #tpu.memory_space<vmem>>, vector<256x128xf32>,
    return
  }
  func.func @transform_0(%arg0: i32, %arg1: i32) -> (i32, i32) {
    %add3A = arith.constant 6 : i32
    %add3A_0 = arith.addi %arg1, %add3A : i32
    %c0_i32 = arith.constant 0 : i32
    return %add3A_0, %arg0 : i32, i32
  }
  func.func @transform_1(%arg0: i32, %arg1: i32) -> (i32, i32) {
    %c0_i32 = arith.constant 0 : i32
    %c0_i32_0 = arith.constant 0 : i32
    return %c0_i32, %arg0 : i32, i32
  }
  func.func @transform_2(%arg0: i32, %arg1: i32) -> (i32, i32) {
    %c0_i32 = arith.constant 0 : i32
    %c0_i32_0 = arith.constant 0 : i32
    return %c0_i32, %arg0 : i32, i32
  }
  func.func @transform_4(%arg0: i32, %arg1: i32) -> (i32, i32) {
    %add3A = arith.constant 6 : i32
    %add3A_0 = arith.addi %arg1, %add3A : i32
    %c0_i32 = arith.constant 0 : i32
    return %add3A_0, %arg0 : i32, i32
  }
}

module attributes {stable_mosaic.version = 14 : i64} {
  func.func @_stage_c_kern(%arg0: i32, %arg1: memref<256x768xf32, #tpu.memory_space<vmem>>, %arg2: memref<256x768xf32, #tpu.memory_space<vmem>>, %arg3: memref<768x768xf32, #tpu.memory_space<vmem>>, %arg4: memref<1x768xf32, #tpu.memory_space<vmem>>, %arg5: memref<768x8xf32, #tpu.memory_space<vmem>>, %arg6: memref<256x768xf32, #tpu.memory_space<vmem>>, %arg7: memref<256x768xf32, #tpu.memory_space<vmem>>, %arg8: memref<256x8xi32, #tpu.memory_space<vmem>>, %arg9: memref<256x8xf32, #tpu.memory_space<vmem>>) attributes {dimension_semantics = [#tpu.dimension_semantics<arbitrary>], iteration_bounds = array<i64: 8>, scalar_prefetch = 0 : i64, scratch_operands = 0 : i64, tpu.core_type = #tpu.core_type<tc>, window_params = [{transform_indices = @transform_0, window_bounds = array<i64: 256, 768>}, {transform_indices = @transform_1, window_bounds = array<i64: 256, 768>}, {pipeline_mode = #tpu.pipeline_mode<synchronous>, transform_indices = @transform_2, window_bounds = array<i64: 768, 768>}, {pipeline_mode = #tpu.pipeline_mode<synchronous>, transform_indices = @transform_3, window_bounds = array<i64: 1, 768>}, {pipeline_mode = #tpu.pipeline_mode<synchronous>, transform_indices = @transform_4, window_bounds = array<i64: 768, 8>}, {transform_indices = @transform_5, window_bounds = array<i64: 256, 768>}, {transform_indices = @transform_6, window_bounds = array<i64: 256, 768>}, {transform_indices = @transform_7, window_bounds = array<i64: 256, 8>}, {transform_indices = @transform_8, window_bounds = array<i64: 256, 8>}]} {
    %get3A = arith.constant 0 : index
    %get3A_0 = arith.constant 0 : index
    %get3A_1 = vector.load %arg2[%get3A, %get3A_0] : memref<256x768xf32, #tpu.memory_space<vmem>>, vector<256x768xf32>
    %get3A_2 = arith.constant 0 : index
    %get3A_3 = arith.constant 0 : index
    %get3A_4 = vector.load %arg1[%get3A_2, %get3A_3] : memref<256x768xf32, #tpu.memory_space<vmem>>, vector<256x768xf32>
    %get3A_5 = arith.constant 0 : index
    %get3A_6 = arith.constant 0 : index
    %get3A_7 = vector.load %arg3[%get3A_5, %get3A_6] : memref<768x768xf32, #tpu.memory_space<vmem>>, vector<768x768xf32>
    %dot_general3A = arith.constant dense<0.000000e+00> : vector<256x768xf32>
    %dot_general3A_8 = tpu.matmul %get3A_4, %get3A_7, %dot_general3A {dimension_numbers = #tpu.dot_dimension_numbers<[1], [0], [0], [1], [0, 0, 1, 1], [], []>, transpose_lhs_hint = false} : vector<256x768xf32>, vector<768x768xf32>, vector<256x768xf32> -> vector<256x768xf32>
    %add3A = arith.addf %get3A_1, %dot_general3A_8 : vector<256x768xf32>
    %swap3A = arith.constant 0 : index
    %swap3A_9 = arith.constant 0 : index
    %swap3A_10 = vector.load %arg6[%swap3A, %swap3A_9] : memref<256x768xf32, #tpu.memory_space<vmem>>, vector<256x768xf32>
    tpu.vector_store %arg6[%swap3A, %swap3A_9], %add3A {strides = array<i32>} : memref<256x768xf32, #tpu.memory_space<vmem>>, vector<256x768xf32>,
    %mul3A = arith.mulf %add3A, %add3A : vector<256x768xf32>
    %reduce_sum3A = arith.constant dense<0.000000e+00> : vector<256xf32>
    %reduce_sum3A_11 = vector.multi_reduction <add>, %mul3A, %reduce_sum3A [1] : vector<256x768xf32> to vector<256xf32>
    %broadcast_in_dim3A = vector.shape_cast %reduce_sum3A_11 : vector<256xf32> to vector<256x1xf32>
    %div3A = arith.constant 7.680000e+02 : f32
    %div3A_12 = vector.broadcast %div3A : f32 to vector<256x1xf32>
    %div3A_13 = arith.divf %broadcast_in_dim3A, %div3A_12 : vector<256x1xf32>
    %add3A_14 = arith.constant 9.99999997E-7 : f32
    %add3A_15 = vector.broadcast %add3A_14 : f32 to vector<256x1xf32>
    %add3A_16 = arith.addf %div3A_13, %add3A_15 : vector<256x1xf32>
    %sqrt3A = math.sqrt %add3A_16 : vector<256x1xf32>
    %div3A_17 = vector.broadcast %sqrt3A : vector<256x1xf32> to vector<256x768xf32>
    %div3A_18 = arith.divf %add3A, %div3A_17 : vector<256x768xf32>
    %get3A_19 = arith.constant 0 : index
    %get3A_20 = arith.constant 0 : index
    %get3A_21 = vector.load %arg4[%get3A_19, %get3A_20] : memref<1x768xf32, #tpu.memory_space<vmem>>, vector<1x768xf32>
    %mul3A_22 = vector.broadcast %get3A_21 : vector<1x768xf32> to vector<256x768xf32>
    %mul3A_23 = arith.mulf %div3A_18, %mul3A_22 : vector<256x768xf32>
    %swap3A_24 = arith.constant 0 : index
    %swap3A_25 = arith.constant 0 : index
    %swap3A_26 = vector.load %arg7[%swap3A_24, %swap3A_25] : memref<256x768xf32, #tpu.memory_space<vmem>>, vector<256x768xf32>
    tpu.vector_store %arg7[%swap3A_24, %swap3A_25], %mul3A_23 {strides = array<i32>} : memref<256x768xf32, #tpu.memory_space<vmem>>, vector<256x768xf32>,
    %get3A_27 = arith.constant 0 : index
    %get3A_28 = arith.constant 0 : index
    %get3A_29 = vector.load %arg5[%get3A_27, %get3A_28] : memref<768x8xf32, #tpu.memory_space<vmem>>, vector<768x8xf32>
    %dot_general3A_30 = arith.constant dense<0.000000e+00> : vector<256x8xf32>
    %dot_general3A_31 = tpu.matmul %mul3A_23, %get3A_29, %dot_general3A_30 {dimension_numbers = #tpu.dot_dimension_numbers<[1], [0], [0], [1], [0, 0, 1, 1], [], []>, transpose_lhs_hint = false} : vector<256x768xf32>, vector<768x8xf32>, vector<256x8xf32> -> vector<256x8xf32>
    %iota3A = tpu.iota {dimensions = array<i32: 1>} : vector<256x8xi32>
    %reduce_max3A = arith.constant dense<0xFF800000> : vector<256xf32>
    %reduce_max3A_32 = vector.multi_reduction <maximumf>, %dot_general3A_31, %reduce_max3A [1] : vector<256x8xf32> to vector<256xf32>
    %broadcast_in_dim3A_33 = vector.shape_cast %reduce_max3A_32 : vector<256xf32> to vector<256x1xf32>
    %eq3A = vector.broadcast %broadcast_in_dim3A_33 : vector<256x1xf32> to vector<256x8xf32>
    %eq3A_34 = arith.cmpf oeq, %dot_general3A_31, %eq3A : vector<256x8xf32>
    %jit3A = arith.constant 8 : i32
    %broadcast_in_dim3A_35 = vector.broadcast %jit3A : i32 to vector<256x8xi32>
    %select_n3A = arith.select %eq3A_34, %iota3A, %broadcast_in_dim3A_35 : vector<256x8xi1>, vector<256x8xi32>
    %reduce_min3A = arith.constant dense<2147483647> : vector<256xi32>
    %reduce_min3A_36 = vector.multi_reduction <minsi>, %select_n3A, %reduce_min3A [1] : vector<256x8xi32> to vector<256xi32>
    %broadcast_in_dim3A_37 = vector.shape_cast %reduce_min3A_36 : vector<256xi32> to vector<256x1xi32>
    %eq3A_38 = vector.broadcast %broadcast_in_dim3A_37 : vector<256x1xi32> to vector<256x8xi32>
    %eq3A_39 = arith.cmpi eq, %iota3A, %eq3A_38 : vector<256x8xi32>
    %jit3A_40 = arith.constant -1.000000e+30 : f32
    %broadcast_in_dim3A_41 = vector.broadcast %jit3A_40 : f32 to vector<256x8xf32>
    %select_n3A_42 = arith.select %eq3A_39, %broadcast_in_dim3A_41, %dot_general3A_31 : vector<256x8xi1>, vector<256x8xf32>
    %reduce_max3A_43 = arith.constant dense<0xFF800000> : vector<256xf32>
    %reduce_max3A_44 = vector.multi_reduction <maximumf>, %select_n3A_42, %reduce_max3A_43 [1] : vector<256x8xf32> to vector<256xf32>
    %broadcast_in_dim3A_45 = vector.shape_cast %reduce_max3A_44 : vector<256xf32> to vector<256x1xf32>
    %eq3A_46 = vector.broadcast %broadcast_in_dim3A_45 : vector<256x1xf32> to vector<256x8xf32>
    %eq3A_47 = arith.cmpf oeq, %select_n3A_42, %eq3A_46 : vector<256x8xf32>
    %jit3A_48 = arith.constant 8 : i32
    %broadcast_in_dim3A_49 = vector.broadcast %jit3A_48 : i32 to vector<256x8xi32>
    %select_n3A_50 = arith.select %eq3A_47, %iota3A, %broadcast_in_dim3A_49 : vector<256x8xi1>, vector<256x8xi32>
    %reduce_min3A_51 = arith.constant dense<2147483647> : vector<256xi32>
    %reduce_min3A_52 = vector.multi_reduction <minsi>, %select_n3A_50, %reduce_min3A_51 [1] : vector<256x8xi32> to vector<256xi32>
    %broadcast_in_dim3A_53 = vector.shape_cast %reduce_min3A_52 : vector<256xi32> to vector<256x1xi32>
    %sub3A = arith.subf %broadcast_in_dim3A_45, %broadcast_in_dim3A_33 : vector<256x1xf32>
    %exp3A = math.exp %sub3A : vector<256x1xf32>
    %add3A_54 = arith.constant 1.000000e+00 : f32
    %add3A_55 = vector.broadcast %add3A_54 : f32 to vector<256x1xf32>
    %add3A_56 = arith.addf %add3A_55, %exp3A : vector<256x1xf32>
    %div3A_57 = arith.constant 1.000000e+00 : f32
    %div3A_58 = vector.broadcast %div3A_57 : f32 to vector<256x1xf32>
    %div3A_59 = arith.divf %div3A_58, %add3A_56 : vector<256x1xf32>
    %eq3A_60 = arith.constant 0 : i32
    %eq3A_61 = vector.broadcast %eq3A_60 : i32 to vector<256x8xi32>
    %eq3A_62 = arith.cmpi eq, %iota3A, %eq3A_61 : vector<256x8xi32>
    %eq3A_63 = arith.constant 1 : i32
    %eq3A_64 = vector.broadcast %eq3A_63 : i32 to vector<256x8xi32>
    %eq3A_65 = arith.cmpi eq, %iota3A, %eq3A_64 : vector<256x8xi32>
    %jit3A_66 = arith.constant 0 : i32
    %broadcast_in_dim3A_67 = vector.shape_cast %broadcast_in_dim3A_53 : vector<256x1xi32> to vector<256x1xi32>
    %broadcast_in_dim3A_68 = vector.broadcast %broadcast_in_dim3A_67 : vector<256x1xi32> to vector<256x8xi32>
    %broadcast_in_dim3A_69 = vector.broadcast %jit3A_66 : i32 to vector<256x8xi32>
    %select_n3A_70 = arith.select %eq3A_65, %broadcast_in_dim3A_68, %broadcast_in_dim3A_69 : vector<256x8xi1>, vector<256x8xi32>
    %broadcast_in_dim3A_71 = vector.shape_cast %broadcast_in_dim3A_37 : vector<256x1xi32> to vector<256x1xi32>
    %broadcast_in_dim3A_72 = vector.broadcast %broadcast_in_dim3A_71 : vector<256x1xi32> to vector<256x8xi32>
    %select_n3A_73 = arith.select %eq3A_62, %broadcast_in_dim3A_72, %select_n3A_70 : vector<256x8xi1>, vector<256x8xi32>
    %swap3A_74 = arith.constant 0 : index
    %swap3A_75 = arith.constant 0 : index
    %swap3A_76 = vector.load %arg8[%swap3A_74, %swap3A_75] : memref<256x8xi32, #tpu.memory_space<vmem>>, vector<256x8xi32>
    tpu.vector_store %arg8[%swap3A_74, %swap3A_75], %select_n3A_73 {strides = array<i32>} : memref<256x8xi32, #tpu.memory_space<vmem>>, vector<256x8xi32>,
    %eq3A_77 = arith.constant 0 : i32
    %eq3A_78 = vector.broadcast %eq3A_77 : i32 to vector<256x8xi32>
    %eq3A_79 = arith.cmpi eq, %iota3A, %eq3A_78 : vector<256x8xi32>
    %eq3A_80 = arith.constant 1 : i32
    %eq3A_81 = vector.broadcast %eq3A_80 : i32 to vector<256x8xi32>
    %eq3A_82 = arith.cmpi eq, %iota3A, %eq3A_81 : vector<256x8xi32>
    %sub3A_83 = arith.constant 1.000000e+00 : f32
    %sub3A_84 = vector.broadcast %sub3A_83 : f32 to vector<256x1xf32>
    %sub3A_85 = arith.subf %sub3A_84, %div3A_59 : vector<256x1xf32>
    %jit3A_86 = arith.constant 0.000000e+00 : f32
    %broadcast_in_dim3A_87 = vector.shape_cast %sub3A_85 : vector<256x1xf32> to vector<256x1xf32>
    %broadcast_in_dim3A_88 = vector.broadcast %broadcast_in_dim3A_87 : vector<256x1xf32> to vector<256x8xf32>
    %broadcast_in_dim3A_89 = vector.broadcast %jit3A_86 : f32 to vector<256x8xf32>
    %select_n3A_90 = arith.select %eq3A_82, %broadcast_in_dim3A_88, %broadcast_in_dim3A_89 : vector<256x8xi1>, vector<256x8xf32>
    %broadcast_in_dim3A_91 = vector.shape_cast %div3A_59 : vector<256x1xf32> to vector<256x1xf32>
    %broadcast_in_dim3A_92 = vector.broadcast %broadcast_in_dim3A_91 : vector<256x1xf32> to vector<256x8xf32>
    %select_n3A_93 = arith.select %eq3A_79, %broadcast_in_dim3A_92, %select_n3A_90 : vector<256x8xi1>, vector<256x8xf32>
    %swap3A_94 = arith.constant 0 : index
    %swap3A_95 = arith.constant 0 : index
    %swap3A_96 = vector.load %arg9[%swap3A_94, %swap3A_95] : memref<256x8xf32, #tpu.memory_space<vmem>>, vector<256x8xf32>
    tpu.vector_store %arg9[%swap3A_94, %swap3A_95], %select_n3A_93 {strides = array<i32>} : memref<256x8xf32, #tpu.memory_space<vmem>>, vector<256x8xf32>,
    return
  }
  func.func @transform_0(%arg0: i32) -> (i32, i32) {
    %c0_i32 = arith.constant 0 : i32
    %c0_i32_0 = arith.constant 0 : i32
    return %arg0, %c0_i32 : i32, i32
  }
  func.func @transform_1(%arg0: i32) -> (i32, i32) {
    %c0_i32 = arith.constant 0 : i32
    %c0_i32_0 = arith.constant 0 : i32
    return %arg0, %c0_i32 : i32, i32
  }
  func.func @transform_2(%arg0: i32) -> (i32, i32) {
    %c0_i32 = arith.constant 0 : i32
    %c0_i32_0 = arith.constant 0 : i32
    %c0_i32_1 = arith.constant 0 : i32
    return %c0_i32, %c0_i32_0 : i32, i32
  }
  func.func @transform_3(%arg0: i32) -> (i32, i32) {
    %c0_i32 = arith.constant 0 : i32
    %c0_i32_0 = arith.constant 0 : i32
    %c0_i32_1 = arith.constant 0 : i32
    return %c0_i32, %c0_i32_0 : i32, i32
  }
  func.func @transform_4(%arg0: i32) -> (i32, i32) {
    %c0_i32 = arith.constant 0 : i32
    %c0_i32_0 = arith.constant 0 : i32
    %c0_i32_1 = arith.constant 0 : i32
    return %c0_i32, %c0_i32_0 : i32, i32
  }
  func.func @transform_5(%arg0: i32) -> (i32, i32) {
    %c0_i32 = arith.constant 0 : i32
    %c0_i32_0 = arith.constant 0 : i32
    return %arg0, %c0_i32 : i32, i32
  }
  func.func @transform_6(%arg0: i32) -> (i32, i32) {
    %c0_i32 = arith.constant 0 : i32
    %c0_i32_0 = arith.constant 0 : i32
    return %arg0, %c0_i32 : i32, i32
  }
  func.func @transform_7(%arg0: i32) -> (i32, i32) {
    %c0_i32 = arith.constant 0 : i32
    %c0_i32_0 = arith.constant 0 : i32
    return %arg0, %c0_i32 : i32, i32
  }
  func.func @transform_8(%arg0: i32) -> (i32, i32) {
    %c0_i32 = arith.constant 0 : i32
    %c0_i32_0 = arith.constant 0 : i32
    return %arg0, %c0_i32 : i32, i32
  }
}

module attributes {stable_mosaic.version = 14 : i64} {
  func.func @_stage_e_kern(%arg0: i32, %arg1: memref<256x768xf32, #tpu.memory_space<vmem>>, %arg2: memref<256x8xf32, #tpu.memory_space<vmem>>, %arg3: memref<256x768xf32, #tpu.memory_space<vmem>>, %arg4: memref<256x768xf32, #tpu.memory_space<vmem>>, %arg5: memref<256x768xf32, #tpu.memory_space<vmem>>) attributes {dimension_semantics = [#tpu.dimension_semantics<arbitrary>], iteration_bounds = array<i64: 8>, scalar_prefetch = 0 : i64, scratch_operands = 0 : i64, tpu.core_type = #tpu.core_type<tc>, window_params = [{transform_indices = @transform_0, window_bounds = array<i64: 256, 768>}, {transform_indices = @transform_1, window_bounds = array<i64: 256, 8>}, {transform_indices = @transform_2, window_bounds = array<i64: 256, 768>}, {transform_indices = @transform_3, window_bounds = array<i64: 256, 768>}, {transform_indices = @transform_4, window_bounds = array<i64: 256, 768>}]} {
    %get3A = arith.constant 0 : index
    %get3A_0 = arith.constant 0 : index
    %get3A_1 = vector.load %arg2[%get3A, %get3A_0] : memref<256x8xf32, #tpu.memory_space<vmem>>, vector<256x1xf32>
    %get3A_2 = arith.constant 0 : index
    %get3A_3 = arith.constant 1 : index
    %get3A_4 = vector.load %arg2[%get3A_2, %get3A_3] : memref<256x8xf32, #tpu.memory_space<vmem>>, vector<256x1xf32>
    %get3A_5 = arith.constant 0 : index
    %get3A_6 = arith.constant 0 : index
    %get3A_7 = vector.load %arg1[%get3A_5, %get3A_6] : memref<256x768xf32, #tpu.memory_space<vmem>>, vector<256x768xf32>
    %get3A_8 = arith.constant 0 : index
    %get3A_9 = arith.constant 0 : index
    %get3A_10 = vector.load %arg3[%get3A_8, %get3A_9] : memref<256x768xf32, #tpu.memory_space<vmem>>, vector<256x768xf32>
    %mul3A = vector.broadcast %get3A_1 : vector<256x1xf32> to vector<256x768xf32>
    %mul3A_11 = arith.mulf %mul3A, %get3A_10 : vector<256x768xf32>
    %add3A = arith.addf %get3A_7, %mul3A_11 : vector<256x768xf32>
    %get3A_12 = arith.constant 0 : index
    %get3A_13 = arith.constant 0 : index
    %get3A_14 = vector.load %arg4[%get3A_12, %get3A_13] : memref<256x768xf32, #tpu.memory_space<vmem>>, vector<256x768xf32>
    %mul3A_15 = vector.broadcast %get3A_4 : vector<256x1xf32> to vector<256x768xf32>
    %mul3A_16 = arith.mulf %mul3A_15, %get3A_14 : vector<256x768xf32>
    %add3A_17 = arith.addf %add3A, %mul3A_16 : vector<256x768xf32>
    %swap3A = arith.constant 0 : index
    %swap3A_18 = arith.constant 0 : index
    %swap3A_19 = vector.load %arg5[%swap3A, %swap3A_18] : memref<256x768xf32, #tpu.memory_space<vmem>>, vector<256x768xf32>
    tpu.vector_store %arg5[%swap3A, %swap3A_18], %add3A_17 {strides = array<i32>} : memref<256x768xf32, #tpu.memory_space<vmem>>, vector<256x768xf32>,
    return
  }
  func.func @transform_0(%arg0: i32) -> (i32, i32) {
    %c0_i32 = arith.constant 0 : i32
    %c0_i32_0 = arith.constant 0 : i32
    return %arg0, %c0_i32 : i32, i32
  }
  func.func @transform_1(%arg0: i32) -> (i32, i32) {
    %c0_i32 = arith.constant 0 : i32
    %c0_i32_0 = arith.constant 0 : i32
    return %arg0, %c0_i32 : i32, i32
  }
  func.func @transform_2(%arg0: i32) -> (i32, i32) {
    %c0_i32 = arith.constant 0 : i32
    %c0_i32_0 = arith.constant 0 : i32
    return %arg0, %c0_i32 : i32, i32
  }
  func.func @transform_3(%arg0: i32) -> (i32, i32) {
    %add3A = arith.constant 8 : i32
    %add3A_0 = arith.addi %add3A, %arg0 : i32
    %c0_i32 = arith.constant 0 : i32
    %c0_i32_1 = arith.constant 0 : i32
    return %add3A_0, %c0_i32 : i32, i32
  }
  func.func @transform_4(%arg0: i32) -> (i32, i32) {
    %c0_i32 = arith.constant 0 : i32
    %c0_i32_0 = arith.constant 0 : i32
    return %arg0, %c0_i32 : i32, i32
  }
}

module attributes {stable_mosaic.version = 14 : i64} {
  func.func @_stage_d_kern(%arg0: i32, %arg1: memref<40xi32, #tpu.memory_space<smem>>, %arg2: memref<40xi32, #tpu.memory_space<smem>>, %arg3: memref<128x768xf32, #tpu.memory_space<vmem>>, %arg4: memref<1x768x3072xf32, #tpu.memory_space<vmem>>, %arg5: memref<1x1536x768xf32, #tpu.memory_space<vmem>>, %arg6: memref<128x768xf32, #tpu.memory_space<vmem>>) attributes {dimension_semantics = [#tpu.dimension_semantics<arbitrary>], iteration_bounds = array<i64: 40>, scalar_prefetch = 2 : i64, scratch_operands = 0 : i64, tpu.core_type = #tpu.core_type<tc>, window_params = [{transform_indices = @transform_0, window_bounds = array<i64: 128, 768>}, {transform_indices = @transform_1, window_bounds = array<i64: 1, 768, 3072>}, {transform_indices = @transform_2, window_bounds = array<i64: 1, 1536, 768>}, {transform_indices = @transform_3, window_bounds = array<i64: 128, 768>}]} {
    %get3A = arith.index_cast %arg0 : i32 to index
    %get3A_0 = memref.load %arg2[%get3A] : memref<40xi32, #tpu.memory_space<smem>>
    %ne3A = arith.constant 0 : i32
    %ne3A_1 = arith.cmpi ne, %get3A_0, %ne3A : i32
    %convert_element_type3A = arith.extui %ne3A_1 : i1 to i32
    %cond3A = arith.constant 0 : i32
    %cond3A_2 = arith.cmpi ne, %convert_element_type3A, %cond3A : i32
    scf.if %cond3A_2 {
      %get3A_3 = arith.constant 0 : index
      %get3A_4 = arith.constant 0 : index
      %get3A_5 = vector.load %arg3[%get3A_3, %get3A_4] : memref<128x768xf32, #tpu.memory_space<vmem>>, vector<128x768xf32>
      %get3A_6 = arith.constant 0 : index
      %get3A_7 = arith.constant 0 : index
      %get3A_8 = arith.constant 0 : index
      %get3A_9 = vector.load %arg4[%get3A_6, %get3A_7, %get3A_8] : memref<1x768x3072xf32, #tpu.memory_space<vmem>>, vector<1x768x3072xf32>
      %get3A_10 = vector.shape_cast %get3A_9 : vector<1x768x3072xf32> to vector<768x3072xf32>
      %dot_general3A = arith.constant dense<0.000000e+00> : vector<128x3072xf32>
      %dot_general3A_11 = tpu.matmul %get3A_5, %get3A_10, %dot_general3A {dimension_numbers = #tpu.dot_dimension_numbers<[1], [0], [0], [1], [0, 0, 1, 1], [], []>, transpose_lhs_hint = false} : vector<128x768xf32>, vector<768x3072xf32>, vector<128x3072xf32> -> vector<128x3072xf32>
      %slice3A = vector.extract_strided_slice %dot_general3A_11 {offsets = [0, 0], sizes = [128, 1536], strides = [1, 1]} : vector<128x3072xf32> to vector<128x1536xf32>
      %slice3A_12 = vector.extract_strided_slice %dot_general3A_11 {offsets = [0, 1536], sizes = [128, 1536], strides = [1, 1]} : vector<128x3072xf32> to vector<128x1536xf32>
      %neg3A = arith.constant 0.000000e+00 : f32
      %neg3A_13 = vector.broadcast %neg3A : f32 to vector<128x1536xf32>
      %neg3A_14 = arith.subf %neg3A_13, %slice3A : vector<128x1536xf32>
      %exp3A = math.exp %neg3A_14 : vector<128x1536xf32>
      %add3A = arith.constant 1.000000e+00 : f32
      %add3A_15 = vector.broadcast %add3A : f32 to vector<128x1536xf32>
      %add3A_16 = arith.addf %add3A_15, %exp3A : vector<128x1536xf32>
      %div3A = arith.divf %slice3A, %add3A_16 : vector<128x1536xf32>
      %mul3A = arith.mulf %div3A, %slice3A_12 : vector<128x1536xf32>
      %get3A_17 = arith.constant 0 : index
      %get3A_18 = arith.constant 0 : index
      %get3A_19 = arith.constant 0 : index
      %get3A_20 = vector.load %arg5[%get3A_17, %get3A_18, %get3A_19] : memref<1x1536x768xf32, #tpu.memory_space<vmem>>, vector<1x1536x768xf32>
      %get3A_21 = vector.shape_cast %get3A_20 : vector<1x1536x768xf32> to vector<1536x768xf32>
      %dot_general3A_22 = arith.constant dense<0.000000e+00> : vector<128x768xf32>
      %dot_general3A_23 = tpu.matmul %mul3A, %get3A_21, %dot_general3A_22 {dimension_numbers = #tpu.dot_dimension_numbers<[1], [0], [0], [1], [0, 0, 1, 1], [], []>, transpose_lhs_hint = false} : vector<128x1536xf32>, vector<1536x768xf32>, vector<128x768xf32> -> vector<128x768xf32>
      %swap3A = arith.constant 0 : index
      %swap3A_24 = arith.constant 0 : index
      %swap3A_25 = vector.load %arg6[%swap3A, %swap3A_24] : memref<128x768xf32, #tpu.memory_space<vmem>>, vector<128x768xf32>
      tpu.vector_store %arg6[%swap3A, %swap3A_24], %dot_general3A_23 {strides = array<i32>} : memref<128x768xf32, #tpu.memory_space<vmem>>, vector<128x768xf32>,
    } else {
    }
    return
  }
  func.func @transform_0(%arg0: i32, %arg1: memref<40xi32, #tpu.memory_space<smem>>, %arg2: memref<40xi32, #tpu.memory_space<smem>>) -> (i32, i32) {
    %c0_i32 = arith.constant 0 : i32
    %c0_i32_0 = arith.constant 0 : i32
    return %arg0, %c0_i32 : i32, i32
  }
  func.func @transform_1(%arg0: i32, %arg1: memref<40xi32, #tpu.memory_space<smem>>, %arg2: memref<40xi32, #tpu.memory_space<smem>>) -> (i32, i32, i32) {
    %get3A = arith.index_cast %arg0 : i32 to index
    %get3A_0 = memref.load %arg1[%get3A] : memref<40xi32, #tpu.memory_space<smem>>
    %c0_i32 = arith.constant 0 : i32
    %c0_i32_1 = arith.constant 0 : i32
    %c0_i32_2 = arith.constant 0 : i32
    return %get3A_0, %c0_i32, %c0_i32_1 : i32, i32, i32
  }
  func.func @transform_2(%arg0: i32, %arg1: memref<40xi32, #tpu.memory_space<smem>>, %arg2: memref<40xi32, #tpu.memory_space<smem>>) -> (i32, i32, i32) {
    %get3A = arith.index_cast %arg0 : i32 to index
    %get3A_0 = memref.load %arg1[%get3A] : memref<40xi32, #tpu.memory_space<smem>>
    %c0_i32 = arith.constant 0 : i32
    %c0_i32_1 = arith.constant 0 : i32
    %c0_i32_2 = arith.constant 0 : i32
    return %get3A_0, %c0_i32, %c0_i32_1 : i32, i32, i32
  }
  func.func @transform_3(%arg0: i32, %arg1: memref<40xi32, #tpu.memory_space<smem>>, %arg2: memref<40xi32, #tpu.memory_space<smem>>) -> (i32, i32) {
    %c0_i32 = arith.constant 0 : i32
    %c0_i32_0 = arith.constant 0 : i32
    return %arg0, %c0_i32 : i32, i32
  }
}

</mosaic_0001>

<sc_bundles>
// kernel: gather_offload_async_start
scs
__scs_entry_jumppad:
0x0: {  	(pc) =	sbr.rel $0x88, $3  }
0x1: {  	(tag) =	ssettag $0x0;
	lr =	simm.s32 $0x1  }
0x2: {  	[smem:$0x3F99] =	sst lr;
	_ =	strace $0xD0000000  }
0x3: {  	_ = 	snop  }
0x4: {  	_ = 	snop  }
0x5: {  	_ = 	snop  }
0x6: {  	_ = 	snop  }
0x7: {  	_ = 	snop  }
__scs_overlays_trampoline_lowered:
0x8: {  	[smem:$0x3FA8] =	sst s0  }
0x9: {  	[smem:$0x3FA9] =	sst s1  }
0xa: {  	[smem:$0x3FAA] =	sst s2  }
0xb: {  	[smem:$0x3FAB] =	sst s3  }
0xc: {  	[smem:$0x3FAC] =	sst s4  }
0xd: {  	[smem:$0x3FAD] =	sst s5  }
0xe: {  	[smem:$0x3FAE] =	sst s6  }
0xf: {  	[smem:$0x3FAF] =	sst s7  }
0x10: {  	[smem:$0x3FB0] =	sst s8  }
0x11: {  	[smem:$0x3FB1] =	sst s9;
	s0 =	simm.s32 @!p0 $0x0  }
0x12: {  	s1 =	sld [smem:$0x3F97];
	s0 =	simm.s32 @p0 $0x1  }
0x13: {  	[smem:$0x3FB2] =	sst s0;
	s0 =	simm.s32 @!p1 $0x0  }
0x14: {  	s2 =	sld [smem:$0x3F96];
	s0 =	simm.s32 @p1 $0x1  }
0x15: {  	[smem:$0x3FB3] =	sst s0;
	s0 =	simm.s32 @!p2 $0x0  }
0x16: {  	s3 =	sld [smem:$0x3FDB];
	s0 =	simm.s32 @p2 $0x1  }
0x17: {  	s4 =	simm.s32 $0x1BF5;
	[smem:$0x3FB5] =	sst s0  }
0x18: {  	s0 =	sld [smem:$0x3F98];
	_ =	swait.ge [sflag:s4], $0x0  }
0x19: {  	s7 =	sld [smem:$0x3F99]  }
0x1a: {  	s8 =	sadd.s32 $0xFFFFE003, lr  }
0x1b: {  	s9 =	sadd.s32 $0xFFFFFEF7, lr;
	s5 =	simm.s32 $0xFFFFFFFF;
	p2 =	slt.u32 s8, $0xFFFFF086  }
0x1c: {  	p1 =	slt.u32 s9, $0xF7A;
	s5 =	simm.s32 @!p2 $0x0  }
0x1d: {  	s5 =	simm.s32 @p1 $0x1;
	p0 =	seq.s32 s7, s2  }
0x1e: {  	s7 =	smul.u32 @!p0 $0xF7A, s2;
	p2 =	seq.s32 @!p0 s5, $0x0  }
0x1f: {  	s9 =	smul.u32 $0xF7A, s1;
	s8 =	simm.s32 @!p0 $0x1BF5;
	p2 =	por !p2, p0  }
0x20: {  	[sflag:s8] =	ssyncset.s32 @!p0 $0xFFFFF086;
	s6 =	sadd.s32 @!p0 s3, s7;
	s7 =	simm.s32 @!p0 $0x108  }
0x21: {  	s3 =	sadd.s32 s3, s9;
	s6 =	sadd.s32 @!p0 $0x88, s6;
	s7 =	simm.s32 @p2 $0x1082  }
0x22: {  	[simem:s7], [sflag:s8] =	dma.local @!p0 [hbm:s6], $0xF7A  }
0x23: {  	s9 =	sor.u32 $0xD0000000, s2;
	s6 =	simm.s32 $0x108;
	_ =	swait.ge @!p0 [sflag:s8], $0x0  }
0x24: {  	s3 =	sadd.s32 $0x88, s3;
	s6 =	simm.s32 @!p1 $0x1082;
	[sflag:s4] =	ssyncset.s32 $0xFFFFF086  }
0x25: {  	[simem:s6], [sflag:s4] =	dma.local [hbm:s3], $0xF7A  }
0x26: {  	[smem:$0x3F99] =	sst s1;
	(tag) =	ssettag s2;
	_ =	strace s9  }
0x27: {  	s1 =	sld [smem:$0x3FA9]  }
0x28: {  	s2 =	sld [smem:$0x3FAA]  }
0x29: {  	s4 =	sld [smem:$0x3FAC]  }
0x2a: {  	p0 =	seq.s32 s5, $0x0;
	s5 =	sld [smem:$0x3FAD]  }
0x2b: {  	s6 =	sld [smem:$0x3FAE]  }
0x2c: {  	s7 =	sld [smem:$0x3FAF]  }
0x2d: {  	s3 =	simm.s32 $0x108;
	s8 =	sld [smem:$0x3FB0]  }
0x2e: {  	s3 =	simm.s32 @!p0 $0x1082;
	s9 =	sld [smem:$0x3FB1]  }
0x2f: {  	lr =	sadd.s32 s0, s3;
	s0 =	sld [smem:$0x3FA8]  }
0x30: {  	s3 =	sld [smem:$0x3FAB]  }
0x31: {  	[smem:$0x3FB4] =	sst s10  }
0x32: {  	s10 =	sld [smem:$0x3FB2];
	_ =	sdelay $0x3  }
0x33: {  	p0 =	seq.s32 s10, $0x1;
	s10 =	sld [smem:$0x3FB4];
	_ =	sdelay $0x3  }
0x34: {  	[smem:$0x3FB4] =	sst s10  }
0x35: {  	s10 =	sld [smem:$0x3FB3];
	_ =	sdelay $0x3  }
0x36: {  	p1 =	seq.s32 s10, $0x1;
	s10 =	sld [smem:$0x3FB4];
	_ =	sdelay $0x3  }
0x37: {  	[smem:$0x3FB4] =	sst s10  }
0x38: {  	s10 =	sld [smem:$0x3FB5]  }
0x39: {  	_ = 	snop;
	(pc) =	sbr.ind lr, $3  }
0x3a: {  	_ = 	snop  }
0x3b: {  	_ = 	snop  }
0x3c: {  	p2 =	seq.s32 s10, $0x1;
	s10 =	sld [smem:$0x3FB4]  }
0x3d: {  	_ =	shalt  }
0x3e: {  	_ =	shalt  }
0x3f: {  	_ =	shalt  }
0x40: {  	_ =	shalt  }
0x41: {  	_ =	shalt  }
0x42: {  	_ =	shalt  }
0x43: {  	_ =	shalt  }
0x44: {  	_ =	shalt  }
0x45: {  	_ =	shalt  }
0x46: {  	_ =	shalt  }
0x47: {  	_ =	shalt  }
0x48: {  	_ =	shalt  }
0x49: {  	_ =	shalt  }
0x4a: {  	_ =	shalt  }
0x4b: {  	_ =	shalt  }
0x4c: {  	_ =	shalt  }
0x4d: {  	_ =	shalt  }
0x4e: {  	_ =	shalt  }
0x4f: {  	_ =	shalt  }
0x50: {  	_ =	shalt  }
0x51: {  	_ =	shalt  }
0x52: {  	_ =	shalt  }
0x53: {  	_ =	shalt  }
0x54: {  	_ =	shalt  }
0x55: {  	_ =	shalt  }
0x56: {  	_ =	shalt  }
0x57: {  	_ =	shalt  }
0x58: {  	_ =	shalt  }
0x59: {  	_ =	shalt  }
0x5a: {  	_ =	shalt  }
0x5b: {  	_ =	shalt  }
0x5c: {  	_ =	shalt  }
0x5d: {  	_ =	shalt  }
0x5e: {  	_ =	shalt  }
0x5f: {  	_ =	shalt  }
0x60: {  	_ =	shalt  }
0x61: {  	_ =	shalt  }
0x62: {  	_ =	shalt  }
0x63: {  	_ =	shalt  }
0x64: {  	_ =	shalt  }
0x65: {  	_ =	shalt  }
0x66: {  	_ =	shalt  }
0x67: {  	_ =	shalt  }
0x68: {  	_ =	shalt  }
0x69: {  	_ =	shalt  }
0x6a: {  	_ =	shalt  }
0x6b: {  	_ =	shalt  }
0x6c: {  	_ =	shalt  }
0x6d: {  	_ =	shalt  }
0x6e: {  	_ =	shalt  }
0x6f: {  	_ =	shalt  }
0x70: {  	_ =	shalt  }
0x71: {  	_ =	shalt  }
0x72: {  	_ =	shalt  }
0x73: {  	_ =	shalt  }
0x74: {  	_ =	shalt  }
0x75: {  	_ =	shalt  }
0x76: {  	_ =	shalt  }
0x77: {  	_ =	shalt  }
0x78: {  	_ =	shalt  }
0x79: {  	_ =	shalt  }
0x7a: {  	_ =	shalt  }
0x7b: {  	_ =	shalt  }
0x7c: {  	_ =	shalt  }
0x7d: {  	_ =	shalt  }
0x7e: {  	_ =	shalt  }
0x7f: {  	_ =	shalt  }
0x80: {  	_ =	shalt  }
0x81: {  	_ =	shalt  }
0x82: {  	_ =	shalt  }
0x83: {  	_ =	shalt  }
0x84: {  	_ =	shalt  }
0x85: {  	_ =	shalt  }
0x86: {  	_ =	shalt  }
0x87: {  	_ =	shalt  }
.Lfunc_end0:
.L_simem_size_0:
called_computation.1_lowered:
.L_overlay_start_0:
0x88: {  	s2 =	sld [smem:$0x3FD9]  }
0x89: {  	s3 =	sld [smem:$0x3FFE];
	_ =	sdelay $0x1  }
0x8a: {  	s1 =	srdreg.scid  }
0x8b: {  	s0 =	sand.u32 $0x1, s1  }
0x8c: {  	s16 =	sshll.u32 s0, $0xA;
	s2 =	sadd.s32 s3, s2  }
0x8d: {  	s2 =	sadd.s32 s2, s16  }
0x8e: {  	[smem:$0x3FC0] =	sst s2  }
0x8f: {  	_ = 	snop  }
0x90: {  	(tm) =	ssettm $0x1  }
0x91: {  	s17 =	sld [smem:$0x3FFB];
	_ =	sdelay $0x3  }
0x92: {  	_ =	strace s17  }
0x93: {  	s2 =	sld [smem:$0x3FFC];
	_ =	sdelay $0x3  }
0x94: {  	_ =	strace s2  }
0x95: {  	s2 =	sld [smem:$0x3FFD];
	_ =	sdelay $0x3  }
0x96: {  	_ =	strace s2  }
0x97: {  	_ =	strace $0x8FFFFFFF  }
0x98: {  	s18 =	sld [smem:$0x3FDB];
	_ =	sdelay $0x1  }
0x99: {  	s19 =	simm.s32 $_scs_section_size  }
0x9a: {  	s4 =	simm.s32 $_size__tile_overlayer_lowered;
	s5 =	simm.s32 $_tile_overlayer_lowered  }
0x9b: {  	s22 =	simm.s32 $0x1BFF;
	s21 =	sshll.u32 s5, $0x1;
	s2 =	sadd.s32 s19, s18  }
0x9c: {  	s6 =	simm.s32 $0x0;
	s20 =	sshll.u32 s4, $0x1;
	s4 =	sadd.s32 s21, s2  }
0x9d: {  	[timem:s6], [sflag:s22] =	dma.local [hbm:s4], s20  }
0x9e: {  	_ =	swait.ge [sflag:s22], s20  }
0x9f: {  	s3 =	ssub.s32 $0x0, s20;
	[sflag:s22] =	ssyncset.done $0x0  }
0xa0: {  	[sflag:s22] =	ssyncadd.s32 s3;
	_ =	sdelay $0x1  }
0xa1: {  	s23 =	simm.s32 $0x1B8B  }
0xa2: {  	_ =	swait.ge [sflag:s23], $0x1  }
0xa3: {  	[sflag:s23] =	ssyncset.done $0x0  }
0xa4: {  	s25 =	simm.s32 $0x1B8E;
	s24 =	sld [smem:$0x3FFE];
	[sflag:s23] =	ssyncadd.s32 $0xFFFFFFFF  }
0xa5: {  	s26 =	simm.s32 $execute0_lowered;
	[smem:$0x3FD2] =	sst s25  }
0xa6: {  	s4 =	sshll.u32 s26, $0x1;
	_ =	strace $0x80000049;
	[dreg:$0x1] =	wrdreg $0xFFFFFFFF  }
0xa7: {  	s28 =	simm.s32 $_size_execute0_lowered;
	s2 =	sadd.s32 s2, s4;
	[dreg:$0x0] =	wrdreg $0x0  }
0xa8: {  	s4 =	sshll.u32 s28, $0x1;
	[dreg:$0x2] =	wrdreg s2  }
0xa9: {  	[dreg:$0x3] =	wrdreg s4  }
0xaa: {  	[dreg:$0x4] =	wrdreg $0xC0  }
0xab: {  	_ =	task [dreg:s6], $0x5FFFF  }
0xac: {  	[dreg:$0x1] =	wrdreg $0xFFFFFFFF  }
0xad: {  	[dreg:$0x0] =	wrdreg $0x60  }
0xae: {  	[dreg:$0x2] =	wrdreg s24  }
0xaf: {  	[dreg:$0x3] =	wrdreg $0x9  }
0xb0: {  	_ =	task.clear_ibuf [dreg:s6], $0x4FFFF;
	_ =	strace $0x90000049  }
0xb1: {  	s29 =	simm.s32 $0x9;
	_ =	strace $0x8000004B  }
0xb2: {  	_ =	swait.ge [sflag:s29], $0x1  }
0xb3: {  	[sflag:s29] =	ssyncadd.s32 $0xFFFFFFFF  }
0xb4: {  	_ =	strace $0x9000004B  }
0xb5: {  	_ =	sfence  }
0xb6: {  	s30 =	sld [smem:$0x0];
	_ =	sdelay $0x2  }
0xb7: {  	s31 =	sshll.u32 s1, $0xD;
	s1 =	sshrl.u32 s1, $0x2  }
0xb8: {  	s3 =	sand.u32 $0x4000, s31;
	s1 =	sadd.s32 s1, s30  }
0xb9: {  	s0 =	sor.u32 s3, s0;
	s1 =	sshll.u32 s1, $0x11  }
0xba: {  	s0 =	sor.u32 s1, s0  }
0xbb: {  	s0 =	sadd.s32 $0x8F2B, s0  }
0xbc: {  	[sflag:s0] =	ssyncadd.remote.s32 $0x1  }
0xbd: {  	_ =	sfence.sel $0xFFFF  }
0xbe: {  	[dreg:$0x0] =	wrdreg $0xFFFFFFFF;
	(pc) =	sbr.abs _section_cstart, $3  }
0xbf: {  	[dreg:$0x1] =	wrdreg $0xFFFFFFFF  }
0xc0: {  	_ =	task.clear_ibuf [dreg:s6], $0x2FFFF;
	_ =	strace $0x9FFFFFFF  }
0xc1: {  	(tm) =	ssettm $0x7FFFFFFF  }
tec
execute0_lowered:
.L_overlay_start_1:
0x0: {  	(tag) =	ssettag $0x1  }
0x1: {  	s0 =	srdreg.scid;
	s5 =	rddreg [dreg:$0x0]  }
0x2: {  	s1 =	stileid.u32;
	s6 =	simm.s32 $0x1;
	s9 =	simm.s32 $0x1  }
0x3: {  	s10 =	simm.s32 $0x3;
	s13 =	simm.s32 $0x0;
	s2 =	sshll.u32 s0, $0x6  }
0x4: {  	s12 =	simm.s32 $0x0;
	s3 =	sshll.u32 s1, $0x7;
	s2 =	sand.u32 $0x40, s2  }
0x5: {  	s0 =	rddreg [dreg:$0x1];
	_ =	strace $0x8000004A;
	s2 =	sor.u32 s3, s2  }
0x6: {  	s4 =	sadd.s32 $0x1800, s5;
	[sflag:s6] =	ssyncpa.u1 $0x0;
	s8 =	ssub.s32 $0x1000, s2  }
.Ltmp0:
0x7: {  	s3 =	sadd.s32 $0x1000, s5;
	s7 =	sand.u32 $0x7C0, s8;
	(pc) =	sbr.rel .LBB2_1-.Ltmp0, $4  }
0x8: {  	s5 =	sadd.s32 $0x2200, s5;
	s11 =	smov.u32 s2;
	p0 =	sne.s32 s7, $0x0  }
0x9: {  	s8 =	sshrl.u32 s8, $0xB;
	s7 =	simm.s32 $0x2;
	s9 =	simm.s32 @!p0 $0x0  }
0xa: {  	[sflag:s7] =	ssyncpa.u1 $0x0;
	p0 =	por $0x0, $0x0;
	s8 =	sadd.s32 s9, s8  }
0xb: {  	vm0 =	vmmov $0xffff;
	[sflag:s10] =	ssyncpa.u1 $0x0;
	s10 =	simm.s32 $0x0;
	s9 =	sadd.s32 $0x1, s8  }
.LBB2_4:
0xc: {  	v2 =	vnsel vm1, $0x0, v2  }
0xd: {  	vm1 =	vgt.s32 v0, $0x0;
	v2 =	vmin.u32 v2, $0xFFF  }
0xe: {  	v0 =	vnsel vm1, $0x0, v0  }
0xf: {  	v0 =	vmin.u32 v0, $0xFFF  }
0x10: {  	[tilespmem:s15], [sflag:$0x1] =	stream.indirect_vreg.gather [hbm4b:s3+s10], $0x1, v1, vm0, $0x4038;
	[tilespmem:$0x100] =	vst v63  }
0x11: {  	(ifvalue) =	ssetifvalue $0x7FFFFFFF  }
0x12: {  	[tilespmem:s16], [sflag:$0x1] =	stream.indirect_vreg.gather [hbm4b:s3+s10], $0x1, v2, vm0, $0x4038;
	[tilespmem:$0x100] =	vst v63  }
0x13: {  	s29 =	sadd.s32 $0x10, s16;
	(ifvalue) =	ssetifvalue $0x7FFFFFFF  }
0x14: {  	[tilespmem:s29], [sflag:$0x1] =	stream.indirect_vreg.gather [hbm4b:s3+s10], $0x1, v0, vm0, $0x4038;
	[tilespmem:$0x100] =	vst v63  }
0x15: {  	_ =	swait.ge [sflag:s6], $0x40  }
0x16: {  	s30 =	sshrl.u32 s13, $0x3;
	[sflag:s6] =	ssyncset.done $0x0  }
0x17: {  	s31 =	sand.u32 $0x7, s13;
	s15 =	sadd.s32 s5, s30;
	[sflag:s6] =	ssyncadd.s32 $0xFFFFFFC0  }
0x18: {  	[hbm4b:s15+s31] =	stream.linear.scatter [tilespmem:s14], [sflag:$0x3], $0x40, $0x38;
	[tilespmem:$0x100] =	vst v63  }
.LBB2_5:
0x19: {  	s15 =	sadd.s32 $0x800, s11  }
0x1a: {  	p2 =	sgt.s32 s15, $0xFFF  }
0x1b: {  	s15 =	smov.u32 @p2 s2;
	p2 =	sne.s32 s12, s9  }
.Ltmp1:
0x1c: {  	p1 =	slt.u32 s12, $0x2;
	(pc) =	sbr.rel @!p2 .LBB2_6-.Ltmp1, $4  }
0x1d: {  	s14 =	simm.s32 @!p1 $0x3  }
0x1e: {  	s16 =	sadd.s32 $0x1, s12;
	_ =	swait.ge @!p1 [sflag:s14], $0x40  }
0x1f: {  	s13 =	smov.u32 s11;
	p0 =	por !p0, !p0;
	[sflag:s14] =	ssyncset.done @!p1 $0x0  }
0x20: {  	s12 =	smov.u32 s16;
	s11 =	smov.u32 s15;
	[sflag:s14] =	ssyncadd.s32 @!p1 $0xFFFFFFC0  }
.LBB2_1:
0x21: {  	p1 =	sge.u32 s12, s8  }
0x22: {  	s14 =	sxor.u32 @!p1 $0xFFFFFFFF, s12  }
0x23: {  	s31 =	sadd.s32 $0xFFFFFFFF, s12;
	s15 =	sshrl.u32 @!p1 s11, $0x3;
	s14 =	sshll.u32 @!p1 s14, $0x6  }
0x24: {  	s16 =	sand.u32 @!p1 $0x7, s11;
	s15 =	sadd.s32 @!p1 s4, s15;
	s14 =	sand.u32 @!p1 $0x40, s14  }
0x25: {  	[tilespmem:s14], [sflag:$0x2] =	stream.linear.gather @!p1 [hbm4b:s15+s16], $0x40, $0x38;
	[tilespmem:$0x100] =	vst v63  }
0x26: {  	p1 =	sge.u32 s31, s8  }
.Ltmp2:
0x27: {  	_ = 	snop;
	(pc) =	sbr.rel @p1 .LBB2_5-.Ltmp2, $1  }
0x28: {  	_ =	sdelay $0x3  }
0x29: {  	s14 =	simm.s32 $0x1  }
0x2a: {  	_ =	swait.ge [sflag:s7], $0x40;
	s14 =	simm.s32 @!p0 $0x0  }
0x2b: {  	[sflag:s7] =	ssyncset.done $0x0;
	s14 =	sshll.u32 s14, $0x6  }
0x2c: {  	[sflag:s7] =	ssyncadd.s32 $0xFFFFFFC0;
	(ifvalue) =	ssetifvalue $0x7FFFFFFF;
	v0 =	vld.msk [tilespmem:s14+$0x0 ss:$0x1], $0xffff;
	_ =	sdelay $0x4  }
0x2d: {  	s15 =	sadd.s32 $0x10, s14;
	vm1 =	vgt.s32 v0, $0x0  }
0x2e: {  	v2 =	vld.msk [tilespmem:s15+$0x0 ss:$0x1], $0xffff;
	v1 =	vnsel vm1, $0x0, v0  }
0x2f: {  	v1 =	vmin.u32 v1, $0xFFF;
	_ =	sdelay $0x1  }
0x30: {  	s16 =	sshll.u32 s12, $0x6;
	s18 =	simm.s32 $0x20  }
0x31: {  	s16 =	sand.u32 $0x40, s16;
	s17 =	sadd.s32 $0x10, s15;
	s15 =	sor.u32 $0x80, s14  }
0x32: {  	s14 =	sor.u32 $0x80, s16;
	s16 =	sadd.s32 $0x10, s15;
	v0 =	vld.msk [tilespmem:s17+$0x0 ss:$0x1], $0xffff;
	vm1 =	vgt.s32 v2, $0x0;
	(ifvalue) =	ssetifvalue $0x7FFFFFFF  }
.LBB2_3:
0x33: {  	[tilespmem:s15], [sflag:$0x1] =	stream.indirect_vreg.gather [hbm4b:s3+s10], $0x1, v1, vm0, $0x4038;
	[tilespmem:$0x100] =	vst v63  }
0x34: {  	s18 =	sadd.s32 $0x10, s18  }
0x35: {  	v2 =	vnsel vm1, $0x0, v2;
	p1 =	slt.u32 s18, $0x30  }
.Ltmp3:
0x36: {  	s15 =	smov.u32 s16;
	v1 =	vmin.u32 v2, $0xFFF;
	(pc) =	sbr.rel @p1 .LBB2_3-.Ltmp3, $3  }
0x37: {  	_ =	sdelay $0x1  }
0x38: {  	s17 =	sadd.s32 $0x10, s17  }
0x39: {  	vm1 =	vgt.s32 v0, $0x0;
	s16 =	sadd.s32 $0x10, s16;
	v2 =	vmov v0;
	(ifvalue) =	ssetifvalue $0x7FFFFFFF;
	v0 =	vld.msk [tilespmem:s17+$0x0 ss:$0x1], $0xffff  }
.Ltmp4:
0x3a: {  	_ = 	snop;
	(pc) =	sbr.rel .LBB2_4-.Ltmp4, $1  }
0x3b: {  	_ =	sdelay $0x3  }
.LBB2_6:
0x3c: {  	_ =	sfence.sel $0x180000  }
0x3d: {  	s2 =	simm.s32 $0x2;
	[bflag:$0x0] =	sbarrier.arrive $0xFFFF  }
0x3e: {  	s30 =	simm.s32 $0x3;
	[sflag:s2] =	ssyncpa.u1 $0x1  }
0x3f: {  	s31 =	simm.s32 $0x1;
	[sflag:s30] =	ssyncpa.u1 $0x1  }
0x40: {  	[sflag:s31] =	ssyncpa.u1 $0x1  }
0x41: {  	p0 =	sne.s32 s1, $0x0;
	_ =	strace $0x9000004A  }
0x42: {  	s0 =	sadd.s32 @!p0 $0x100000, s0;
	[bflag:$0x2] =	sbarrier.arrive $0xFFFF  }
0x43: {  	[sflag:s0] =	ssyncadd.tile.s32 @!p0 $0x1;
	_ =	shalt  }
.Lfunc_end2:
_tile_overlayer_lowered:
.L_overlay_start_2:
0x44: {  	(tag) =	ssettag $0x2  }
0x45: {  	s0 =	rddreg [dreg:$0x0];
	s2 =	stileid.u32  }
0x46: {  	s1 =	rddreg [dreg:$0x1];
	p0 =	sne.s32 s2, $0x0  }
0x47: {  	s3 =	rddreg [dreg:$0x2];
	[bflag:$0x3] =	sbarrier.arrive $0xFFFF;
	s2 =	simm.s32 @!p0 $0x1C01  }
0x48: {  	[timem:s3], [sflag:s2] =	dma.local @!p0 [hbm:s0], s1  }
0x49: {  	s0 =	simm.s32 @!p0 $0x1  }
0x4a: {  	_ =	swait.ge @!p0 [sflag:s0], s1  }
0x4b: {  	s1 =	ssub.s32 @!p0 $0x0, s1;
	[sflag:s0] =	ssyncset.done @!p0 $0x0  }
0x4c: {  	[sflag:s0] =	ssyncadd.s32 @!p0 s1  }
0x4d: {  	[bflag:$0x3] =	sbarrier.arrive $0xFFFF  }
0x4e: {  	_ =	shalt  }

// kernel: kernel.12.cloned.1.call-start
scs
__scs_entry_jumppad:
0x0: {  	(pc) =	sbr.rel $0x88, $3  }
0x1: {  	(tag) =	ssettag $0x0;
	lr =	simm.s32 $0x1  }
0x2: {  	[smem:$0x3F99] =	sst lr;
	_ =	strace $0xD0000000  }
0x3: {  	_ = 	snop  }
0x4: {  	_ = 	snop  }
0x5: {  	_ = 	snop  }
0x6: {  	_ = 	snop  }
0x7: {  	_ = 	snop  }
__scs_overlays_trampoline_lowered:
0x8: {  	[smem:$0x3FA8] =	sst s0  }
0x9: {  	[smem:$0x3FA9] =	sst s1  }
0xa: {  	[smem:$0x3FAA] =	sst s2  }
0xb: {  	[smem:$0x3FAB] =	sst s3  }
0xc: {  	[smem:$0x3FAC] =	sst s4  }
0xd: {  	[smem:$0x3FAD] =	sst s5  }
0xe: {  	[smem:$0x3FAE] =	sst s6  }
0xf: {  	[smem:$0x3FAF] =	sst s7  }
0x10: {  	[smem:$0x3FB0] =	sst s8  }
0x11: {  	[smem:$0x3FB1] =	sst s9;
	s0 =	simm.s32 @!p0 $0x0  }
0x12: {  	s1 =	sld [smem:$0x3F97];
	s0 =	simm.s32 @p0 $0x1  }
0x13: {  	[smem:$0x3FB2] =	sst s0;
	s0 =	simm.s32 @!p1 $0x0  }
0x14: {  	s2 =	sld [smem:$0x3F96];
	s0 =	simm.s32 @p1 $0x1  }
0x15: {  	[smem:$0x3FB3] =	sst s0;
	s0 =	simm.s32 @!p2 $0x0  }
0x16: {  	s3 =	sld [smem:$0x3FDB];
	s0 =	simm.s32 @p2 $0x1  }
0x17: {  	s4 =	simm.s32 $0x1BF5;
	[smem:$0x3FB5] =	sst s0  }
0x18: {  	s0 =	sld [smem:$0x3F98];
	_ =	swait.ge [sflag:s4], $0x0  }
0x19: {  	s7 =	sld [smem:$0x3F99]  }
0x1a: {  	s8 =	sadd.s32 $0xFFFFE003, lr  }
0x1b: {  	s9 =	sadd.s32 $0xFFFFFEF7, lr;
	s5 =	simm.s32 $0xFFFFFFFF;
	p2 =	slt.u32 s8, $0xFFFFF086  }
0x1c: {  	p1 =	slt.u32 s9, $0xF7A;
	s5 =	simm.s32 @!p2 $0x0  }
0x1d: {  	s5 =	simm.s32 @p1 $0x1;
	p0 =	seq.s32 s7, s2  }
0x1e: {  	s7 =	smul.u32 @!p0 $0xF7A, s2;
	p2 =	seq.s32 @!p0 s5, $0x0  }
0x1f: {  	s9 =	smul.u32 $0xF7A, s1;
	s8 =	simm.s32 @!p0 $0x1BF5;
	p2 =	por !p2, p0  }
0x20: {  	[sflag:s8] =	ssyncset.s32 @!p0 $0xFFFFF086;
	s6 =	sadd.s32 @!p0 s3, s7;
	s7 =	simm.s32 @!p0 $0x108  }
0x21: {  	s3 =	sadd.s32 s3, s9;
	s6 =	sadd.s32 @!p0 $0x88, s6;
	s7 =	simm.s32 @p2 $0x1082  }
0x22: {  	[simem:s7], [sflag:s8] =	dma.local @!p0 [hbm:s6], $0xF7A  }
0x23: {  	s9 =	sor.u32 $0xD0000000, s2;
	s6 =	simm.s32 $0x108;
	_ =	swait.ge @!p0 [sflag:s8], $0x0  }
0x24: {  	s3 =	sadd.s32 $0x88, s3;
	s6 =	simm.s32 @!p1 $0x1082;
	[sflag:s4] =	ssyncset.s32 $0xFFFFF086  }
0x25: {  	[simem:s6], [sflag:s4] =	dma.local [hbm:s3], $0xF7A  }
0x26: {  	[smem:$0x3F99] =	sst s1;
	(tag) =	ssettag s2;
	_ =	strace s9  }
0x27: {  	s1 =	sld [smem:$0x3FA9]  }
0x28: {  	s2 =	sld [smem:$0x3FAA]  }
0x29: {  	s4 =	sld [smem:$0x3FAC]  }
0x2a: {  	p0 =	seq.s32 s5, $0x0;
	s5 =	sld [smem:$0x3FAD]  }
0x2b: {  	s6 =	sld [smem:$0x3FAE]  }
0x2c: {  	s7 =	sld [smem:$0x3FAF]  }
0x2d: {  	s3 =	simm.s32 $0x108;
	s8 =	sld [smem:$0x3FB0]  }
0x2e: {  	s3 =	simm.s32 @!p0 $0x1082;
	s9 =	sld [smem:$0x3FB1]  }
0x2f: {  	lr =	sadd.s32 s0, s3;
	s0 =	sld [smem:$0x3FA8]  }
0x30: {  	s3 =	sld [smem:$0x3FAB]  }
0x31: {  	[smem:$0x3FB4] =	sst s10  }
0x32: {  	s10 =	sld [smem:$0x3FB2];
	_ =	sdelay $0x3  }
0x33: {  	p0 =	seq.s32 s10, $0x1;
	s10 =	sld [smem:$0x3FB4];
	_ =	sdelay $0x3  }
0x34: {  	[smem:$0x3FB4] =	sst s10  }
0x35: {  	s10 =	sld [smem:$0x3FB3];
	_ =	sdelay $0x3  }
0x36: {  	p1 =	seq.s32 s10, $0x1;
	s10 =	sld [smem:$0x3FB4];
	_ =	sdelay $0x3  }
0x37: {  	[smem:$0x3FB4] =	sst s10  }
0x38: {  	s10 =	sld [smem:$0x3FB5]  }
0x39: {  	_ = 	snop;
	(pc) =	sbr.ind lr, $3  }
0x3a: {  	_ = 	snop  }
0x3b: {  	_ = 	snop  }
0x3c: {  	p2 =	seq.s32 s10, $0x1;
	s10 =	sld [smem:$0x3FB4]  }
0x3d: {  	_ =	shalt  }
0x3e: {  	_ =	shalt  }
0x3f: {  	_ =	shalt  }
0x40: {  	_ =	shalt  }
0x41: {  	_ =	shalt  }
0x42: {  	_ =	shalt  }
0x43: {  	_ =	shalt  }
0x44: {  	_ =	shalt  }
0x45: {  	_ =	shalt  }
0x46: {  	_ =	shalt  }
0x47: {  	_ =	shalt  }
0x48: {  	_ =	shalt  }
0x49: {  	_ =	shalt  }
0x4a: {  	_ =	shalt  }
0x4b: {  	_ =	shalt  }
0x4c: {  	_ =	shalt  }
0x4d: {  	_ =	shalt  }
0x4e: {  	_ =	shalt  }
0x4f: {  	_ =	shalt  }
0x50: {  	_ =	shalt  }
0x51: {  	_ =	shalt  }
0x52: {  	_ =	shalt  }
0x53: {  	_ =	shalt  }
0x54: {  	_ =	shalt  }
0x55: {  	_ =	shalt  }
0x56: {  	_ =	shalt  }
0x57: {  	_ =	shalt  }
0x58: {  	_ =	shalt  }
0x59: {  	_ =	shalt  }
0x5a: {  	_ =	shalt  }
0x5b: {  	_ =	shalt  }
0x5c: {  	_ =	shalt  }
0x5d: {  	_ =	shalt  }
0x5e: {  	_ =	shalt  }
0x5f: {  	_ =	shalt  }
0x60: {  	_ =	shalt  }
0x61: {  	_ =	shalt  }
0x62: {  	_ =	shalt  }
0x63: {  	_ =	shalt  }
0x64: {  	_ =	shalt  }
0x65: {  	_ =	shalt  }
0x66: {  	_ =	shalt  }
0x67: {  	_ =	shalt  }
0x68: {  	_ =	shalt  }
0x69: {  	_ =	shalt  }
0x6a: {  	_ =	shalt  }
0x6b: {  	_ =	shalt  }
0x6c: {  	_ =	shalt  }
0x6d: {  	_ =	shalt  }
0x6e: {  	_ =	shalt  }
0x6f: {  	_ =	shalt  }
0x70: {  	_ =	shalt  }
0x71: {  	_ =	shalt  }
0x72: {  	_ =	shalt  }
0x73: {  	_ =	shalt  }
0x74: {  	_ =	shalt  }
0x75: {  	_ =	shalt  }
0x76: {  	_ =	shalt  }
0x77: {  	_ =	shalt  }
0x78: {  	_ =	shalt  }
0x79: {  	_ =	shalt  }
0x7a: {  	_ =	shalt  }
0x7b: {  	_ =	shalt  }
0x7c: {  	_ =	shalt  }
0x7d: {  	_ =	shalt  }
0x7e: {  	_ =	shalt  }
0x7f: {  	_ =	shalt  }
0x80: {  	_ =	shalt  }
0x81: {  	_ =	shalt  }
0x82: {  	_ =	shalt  }
0x83: {  	_ =	shalt  }
0x84: {  	_ =	shalt  }
0x85: {  	_ =	shalt  }
0x86: {  	_ =	shalt  }
0x87: {  	_ =	shalt  }
.Lfunc_end0:
.L_simem_size_0:
called_computation.2_lowered:
.L_overlay_start_0:
0x88: {  	s2 =	sld [smem:$0x3FD9]  }
0x89: {  	s3 =	sld [smem:$0x3FFE];
	_ =	sdelay $0x1  }
0x8a: {  	s1 =	srdreg.scid  }
0x8b: {  	s0 =	sand.u32 $0x1, s1  }
0x8c: {  	s17 =	sshll.u32 s0, $0xA;
	s2 =	sadd.s32 s3, s2  }
0x8d: {  	s2 =	sadd.s32 s2, s17  }
0x8e: {  	[smem:$0x3FC0] =	sst s2  }
0x8f: {  	_ = 	snop  }
0x90: {  	s2 =	sld [smem:$0x3FD0];
	(tm) =	ssettm $0x1  }
0x91: {  	s18 =	sld [smem:$0x3FFB];
	_ =	sdelay $0x3  }
0x92: {  	_ =	strace s18  }
0x93: {  	s3 =	sld [smem:$0x3FFC];
	_ =	sdelay $0x3  }
0x94: {  	_ =	strace s3  }
0x95: {  	s3 =	sld [smem:$0x3FFD];
	_ =	sdelay $0x3  }
0x96: {  	_ =	strace s3  }
0x97: {  	_ =	strace $0x8FFFFFFF  }
0x98: {  	s19 =	sld [smem:$0x3FDB];
	_ =	sdelay $0x1  }
0x99: {  	s4 =	simm.s32 $_scs_section_size  }
0x9a: {  	s5 =	simm.s32 $_size__tile_overlayer_lowered;
	s6 =	simm.s32 $_tile_overlayer_lowered  }
0x9b: {  	s22 =	simm.s32 $0x1BFF;
	s21 =	sshll.u32 s6, $0x1;
	s3 =	sadd.s32 s4, s19  }
0x9c: {  	s7 =	simm.s32 $0x0;
	s20 =	sshll.u32 s5, $0x1;
	s5 =	sadd.s32 s21, s3  }
0x9d: {  	[timem:s7], [sflag:s22] =	dma.local [hbm:s5], s20  }
0x9e: {  	_ =	swait.ge [sflag:s22], s20  }
0x9f: {  	s4 =	ssub.s32 $0x0, s20;
	[sflag:s22] =	ssyncset.done $0x0  }
0xa0: {  	[sflag:s22] =	ssyncadd.s32 s4;
	_ =	sdelay $0x1  }
0xa1: {  	s23 =	simm.s32 $0x1B8B  }
0xa2: {  	_ =	swait.ge [sflag:s23], $0x1  }
0xa3: {  	[sflag:s23] =	ssyncset.done $0x0  }
0xa4: {  	s25 =	simm.s32 $0x1B8E;
	s24 =	sld [smem:$0x3FFE];
	[sflag:s23] =	ssyncadd.s32 $0xFFFFFFFF  }
0xa5: {  	s26 =	simm.s32 $execute0_lowered;
	[smem:$0x3FD2] =	sst s25  }
0xa6: {  	s5 =	sshll.u32 s26, $0x1;
	_ =	strace $0x8000004C;
	[dreg:$0x1] =	wrdreg $0xFFFFFFFF  }
0xa7: {  	s28 =	simm.s32 $_size_execute0_lowered;
	s3 =	sadd.s32 s3, s5;
	[dreg:$0x0] =	wrdreg $0x0  }
0xa8: {  	s5 =	sshll.u32 s28, $0x1;
	[dreg:$0x2] =	wrdreg s3  }
0xa9: {  	[dreg:$0x3] =	wrdreg s5  }
0xaa: {  	[dreg:$0x4] =	wrdreg $0xC0  }
0xab: {  	_ =	task [dreg:s7], $0x5FFFF  }
0xac: {  	[dreg:$0x1] =	wrdreg $0xFFFFFFFF  }
0xad: {  	[dreg:$0x0] =	wrdreg $0x60  }
0xae: {  	[dreg:$0x2] =	wrdreg s2  }
0xaf: {  	[dreg:$0x3] =	wrdreg s24  }
0xb0: {  	[dreg:$0x4] =	wrdreg $0x9  }
0xb1: {  	_ =	task.clear_ibuf [dreg:s7], $0x5FFFF;
	_ =	strace $0x9000004C  }
0xb2: {  	s29 =	simm.s32 $0x9;
	_ =	strace $0x8000004E  }
0xb3: {  	_ =	swait.ge [sflag:s29], $0x1  }
0xb4: {  	[sflag:s29] =	ssyncadd.s32 $0xFFFFFFFF  }
0xb5: {  	_ =	strace $0x9000004E  }
0xb6: {  	_ =	sfence  }
0xb7: {  	s30 =	sld [smem:$0x0];
	_ =	sdelay $0x2  }
0xb8: {  	s31 =	sshll.u32 s1, $0xD;
	s1 =	sshrl.u32 s1, $0x2  }
0xb9: {  	s3 =	sand.u32 $0x4000, s31;
	s1 =	sadd.s32 s1, s30  }
0xba: {  	s0 =	sor.u32 s3, s0;
	s1 =	sshll.u32 s1, $0x11  }
0xbb: {  	s0 =	sor.u32 s1, s0  }
0xbc: {  	s0 =	sadd.s32 $0x8F2B, s0  }
0xbd: {  	[sflag:s0] =	ssyncadd.remote.s32 $0x1  }
0xbe: {  	_ =	sfence.sel $0xFFFF  }
0xbf: {  	[dreg:$0x0] =	wrdreg $0xFFFFFFFF;
	(pc) =	sbr.abs _section_cstart, $3  }
0xc0: {  	[dreg:$0x1] =	wrdreg $0xFFFFFFFF  }
0xc1: {  	_ =	task.clear_ibuf [dreg:s7], $0x2FFFF;
	_ =	strace $0x9FFFFFFF  }
0xc2: {  	(tm) =	ssettm $0x7FFFFFFF  }
0xc3: {  	_ =	shalt  }
tec
execute0_lowered:
.L_overlay_start_1:
0x0: {  	(tag) =	ssettag $0x1  }
0x1: {  	s1 =	srdreg.scid;
	s0 =	stileid.u32  }
0x2: {  	s1 =	sand.u32 $0x1, s1;
	s2 =	sshll.u32 s0, $0x1  }
0x3: {  	s4 =	sor.u32 s1, s2  }
0x4: {  	s5 =	rddreg [dreg:$0x1];
	s3 =	smul.u32 $0xA0, s4  }
0x5: {  	s2 =	rddreg [dreg:$0x0];
	s4 =	sshll.u32 s4, $0x5  }
0x6: {  	s4 =	sadd.s32 s4, s5;
	s6 =	sshrl.u32 s3, $0x3;
	s3 =	simm.s32 $0x0  }
0x7: {  	s4 =	sadd.s32 $0x1000, s4;
	[smem:$0x7FF] =	sst s3  }
0x8: {  	s13 =	simm.s32 $0x900;
	_ =	strace $0x8000004D;
	[dreg:$0x3] =	wrdreg s4  }
0x9: {  	s14 =	simm.s32 $0x1100;
	[dreg:$0x6] =	wrdreg s13  }
0xa: {  	s15 =	simm.s32 $0x1900;
	[dreg:$0x7] =	wrdreg s14  }
0xb: {  	s16 =	simm.s32 $0x2100;
	[dreg:$0x8] =	wrdreg s15  }
0xc: {  	s17 =	simm.s32 $0x2900;
	[dreg:$0x9] =	wrdreg s16  }
0xd: {  	s18 =	simm.s32 $0x3100;
	[dreg:$0xa] =	wrdreg s17  }
0xe: {  	s19 =	simm.s32 $0x3900;
	[dreg:$0xb] =	wrdreg s18  }
0xf: {  	s20 =	simm.s32 $0x4100;
	[dreg:$0xc] =	wrdreg s19  }
0x10: {  	s21 =	simm.s32 $0x4900;
	[dreg:$0xd] =	wrdreg s20  }
0x11: {  	s22 =	simm.s32 $0x5100;
	[dreg:$0xe] =	wrdreg s21  }
0x12: {  	s23 =	simm.s32 $0x5900;
	[dreg:$0xf] =	wrdreg s22  }
0x13: {  	s24 =	simm.s32 $0x6100;
	[dreg:$0x10] =	wrdreg s23  }
0x14: {  	s25 =	simm.s32 $0x6900;
	[dreg:$0x11] =	wrdreg s24  }
0x15: {  	s26 =	simm.s32 $0x7100;
	[dreg:$0x12] =	wrdreg s25  }
0x16: {  	s0 =	simm.s32 $0x7900;
	[dreg:$0x13] =	wrdreg s26  }
0x17: {  	s7 =	simm.s32 $0x9100;
	[dreg:$0x14] =	wrdreg s0  }
0x18: {  	s8 =	simm.s32 $0x9900;
	[dreg:$0x17] =	wrdreg s7  }
0x19: {  	s9 =	simm.s32 $0xA100;
	[dreg:$0x18] =	wrdreg s8  }
0x1a: {  	s10 =	simm.s32 $0xA900;
	[dreg:$0x19] =	wrdreg s9  }
0x1b: {  	[dreg:$0x1a] =	wrdreg s10;
	s13 =	simm.s32 $0xC100  }
0x1c: {  	s14 =	simm.s32 $0xC900;
	[dreg:$0x1d] =	wrdreg s13  }
0x1d: {  	s28 =	simm.s32 $0x1C100;
	s15 =	simm.s32 $0xD100;
	[dreg:$0x1e] =	wrdreg s14  }
0x1e: {  	s29 =	simm.s32 $0x1C900;
	s16 =	simm.s32 $0xD900;
	[dreg:$0x1f] =	wrdreg s15  }
0x1f: {  	s30 =	simm.s32 $0x1D100;
	s17 =	simm.s32 $0xE100;
	[smem:$0x7F3] =	sst s16  }
0x20: {  	s31 =	simm.s32 $0x1D900;
	s18 =	simm.s32 $0xE900;
	[smem:$0x7F4] =	sst s17  }
0x21: {  	s1 =	ssub.s32 $0x2, s1;
	s19 =	simm.s32 $0xF900;
	[smem:$0x7F5] =	sst s18  }
0x22: {  	s6 =	smul.u32 $0x300, s6;
	s21 =	simm.s32 $0x10100;
	[smem:$0x7F6] =	sst s19  }
0x23: {  	s20 =	sshrl.u32 s1, $0x1;
	s22 =	simm.s32 $0x10900;
	[smem:$0x7F7] =	sst s21  }
0x24: {  	s4 =	sadd.s32 $0x100, s2;
	s23 =	simm.s32 $0x11100;
	[smem:$0x7F8] =	sst s22  }
0x25: {  	s7 =	simm.s32 $0x11900;
	s24 =	simm.s32 $0x12100;
	[smem:$0x7F9] =	sst s23  }
0x26: {  	s25 =	simm.s32 $0x12900;
	s8 =	simm.s32 $0x100;
	[smem:$0x7FA] =	sst s7  }
0x27: {  	s26 =	simm.s32 $0x13100;
	s9 =	simm.s32 $0xF100;
	[smem:$0x7FB] =	sst s24  }
0x28: {  	s5 =	sadd.s32 s6, s5;
	s6 =	simm.s32 $0x8900;
	[smem:$0x7FC] =	sst s25  }
0x29: {  	s1 =	ssub.s32 s1, s20;
	s7 =	simm.s32 $0x2;
	[smem:$0x7FD] =	sst s26  }
0x2a: {  	s13 =	simm.s32 $0x15100;
	s14 =	simm.s32 $0x15900;
	s15 =	simm.s32 $0x16100  }
0x2b: {  	s16 =	simm.s32 $0x16900;
	s17 =	simm.s32 $0x17100;
	s18 =	simm.s32 $0x17900  }
0x2c: {  	s19 =	simm.s32 $0x18100;
	s20 =	simm.s32 $0x18900;
	s21 =	simm.s32 $0x19100  }
0x2d: {  	s22 =	simm.s32 $0x19900;
	s23 =	simm.s32 $0x1A100;
	s24 =	simm.s32 $0x1A900  }
0x2e: {  	s25 =	simm.s32 $0x1B100;
	s11 =	sadd.s32 $0x2200, s5;
	[dreg:$0x16] =	wrdreg s6  }
0x2f: {  	s26 =	simm.s32 $0x1B900;
	s12 =	sadd.s32 $0x4000, s5;
	[dreg:$0x4] =	wrdreg s11  }
0x30: {  	s5 =	simm.s32 $0x8100;
	s6 =	smax.u32 s1, $0x1;
	[dreg:$0x5] =	wrdreg s12  }
0x31: {  	v2 =	vlaneseq.u32;
	s1 =	simm.s32 $0x1;
	[dreg:$0x15] =	wrdreg s5;
	s11 =	simm.s32 $0xB100  }
0x32: {  	vm0 =	vmmov $0xffff;
	v1 =	vshrl.u32 v2, $0x3;
	s12 =	simm.s32 $0xB900;
	s5 =	sadd.s32 $0x200, s2;
	[dreg:$0x1b] =	wrdreg s11  }
0x33: {  	v0 =	vand.u32 $0x7, v2;
	v2 =	vor.u32 $0x8, v2;
	v1 =	vmul.u32 $0x8, v1;
	[dreg:$0x1c] =	wrdreg s12;
	s11 =	simm.s32 $0x14100;
	s12 =	simm.s32 $0x14900  }
.LBB2_1:
0x34: {  	s0 =	rddreg [dreg:$0x3]  }
0x35: {  	[tilespmem:s3], [sflag:$0x2] =	stream.linear.gather [hbm4b:s0+s3], $0x100, $0x38;
	[tilespmem:$0x1E100] =	vst v63  }
0x36: {  	_ =	swait.ge [sflag:s7], $0x100  }
0x37: {  	[sflag:s7] =	ssyncset.done $0x0  }
0x38: {  	[sflag:s7] =	ssyncadd.s32 $0xFFFFFF00  }
0x39: {  	v3 =	vld [tilespmem:$0x0];
	_ =	sdelay $0x4  }
0x3a: {  	v4 =	vshrl.u32 v3, $0x3  }
0x3b: {  	v4 =	vmul.u32 $0x30, v4  }
0x3c: {  	v3 =	vand.u32 $0x7, v3  }
0x3d: {  	v3 =	vor.u32 v3, v4  }
0x3e: {  	v4 =	vperm.xlane v3, v0;
	_ =	sdelay $0x1  }
0x3f: {  	v4 =	vadd.s32 v1, v4;
	_ =	sdelay $0x3  }
0x40: {  	v3 =	vperm.xlane v3, v2  }
0x41: {  	[tilespmem:s8], [sflag:$0x1] =	stream.indirect_vreg.gather [hbm4b:s2+s3], $0x80, v4, vm0, $0xb8;
	[tilespmem:$0x1E100] =	vst v63  }
0x42: {  	s0 =	rddreg [dreg:$0x6];
	v3 =	vadd.s32 v1, v3  }
0x43: {  	[tilespmem:s0], [sflag:$0x1] =	stream.indirect_vreg.gather [hbm4b:s4+s3], $0x80, v4, vm0, $0xb8;
	[tilespmem:$0x1E100] =	vst v63  }
0x44: {  	s10 =	rddreg [dreg:$0x7]  }
0x45: {  	[tilespmem:s10], [sflag:$0x1] =	stream.indirect_vreg.gather [hbm4b:s5+s3], $0x80, v4, vm0, $0xb8;
	[tilespmem:$0x1E100] =	vst v63  }
0x46: {  	s0 =	rddreg [dreg:$0x8]  }
0x47: {  	[tilespmem:s0], [sflag:$0x1] =	stream.indirect_vreg.gather [hbm4b:s2+s3], $0x80, v3, vm0, $0xb8;
	[tilespmem:$0x1E100] =	vst v63  }
0x48: {  	s10 =	rddreg [dreg:$0x9]  }
0x49: {  	[tilespmem:s10], [sflag:$0x1] =	stream.indirect_vreg.gather [hbm4b:s4+s3], $0x80, v3, vm0, $0xb8;
	[tilespmem:$0x1E100] =	vst v63  }
0x4a: {  	s0 =	rddreg [dreg:$0xa]  }
0x4b: {  	[tilespmem:s0], [sflag:$0x1] =	stream.indirect_vreg.gather [hbm4b:s5+s3], $0x80, v3, vm0, $0xb8;
	[tilespmem:$0x1E100] =	vst v63  }
0x4c: {  	v3 =	vld [tilespmem:$0x10];
	_ =	sdelay $0x4  }
0x4d: {  	v55 =	vshrl.u32 v3, $0x3  }
0x4e: {  	v4 =	vmul.u32 $0x30, v55  }
0x4f: {  	v3 =	vand.u32 $0x7, v3  }
0x50: {  	v3 =	vor.u32 v3, v4  }
0x51: {  	v4 =	vperm.xlane v3, v0;
	_ =	sdelay $0x1  }
0x52: {  	v4 =	vadd.s32 v1, v4;
	_ =	sdelay $0x3  }
0x53: {  	s0 =	rddreg [dreg:$0xb];
	v3 =	vperm.xlane v3, v2  }
0x54: {  	[tilespmem:s0], [sflag:$0x1] =	stream.indirect_vreg.gather [hbm4b:s2+s3], $0x80, v4, vm0, $0xb8;
	[tilespmem:$0x1E100] =	vst v63  }
0x55: {  	s10 =	rddreg [dreg:$0xc];
	v3 =	vadd.s32 v1, v3  }
0x56: {  	[tilespmem:s10], [sflag:$0x1] =	stream.indirect_vreg.gather [hbm4b:s4+s3], $0x80, v4, vm0, $0xb8;
	[tilespmem:$0x1E100] =	vst v63  }
0x57: {  	s0 =	rddreg [dreg:$0xd]  }
0x58: {  	[tilespmem:s0], [sflag:$0x1] =	stream.indirect_vreg.gather [hbm4b:s5+s3], $0x80, v4, vm0, $0xb8;
	[tilespmem:$0x1E100] =	vst v63  }
0x59: {  	s10 =	rddreg [dreg:$0xe]  }
0x5a: {  	[tilespmem:s10], [sflag:$0x1] =	stream.indirect_vreg.gather [hbm4b:s2+s3], $0x80, v3, vm0, $0xb8;
	[tilespmem:$0x1E100] =	vst v63  }
0x5b: {  	s0 =	rddreg [dreg:$0xf]  }
0x5c: {  	[tilespmem:s0], [sflag:$0x1] =	stream.indirect_vreg.gather [hbm4b:s4+s3], $0x80, v3, vm0, $0xb8;
	[tilespmem:$0x1E100] =	vst v63  }
0x5d: {  	s10 =	rddreg [dreg:$0x10]  }
0x5e: {  	[tilespmem:s10], [sflag:$0x1] =	stream.indirect_vreg.gather [hbm4b:s5+s3], $0x80, v3, vm0, $0xb8;
	[tilespmem:$0x1E100] =	vst v63  }
0x5f: {  	v3 =	vld [tilespmem:$0x20];
	_ =	sdelay $0x4  }
0x60: {  	v56 =	vshrl.u32 v3, $0x3  }
0x61: {  	v4 =	vmul.u32 $0x30, v56  }
0x62: {  	v3 =	vand.u32 $0x7, v3  }
0x63: {  	v3 =	vor.u32 v3, v4  }
0x64: {  	v4 =	vperm.xlane v3, v0;
	_ =	sdelay $0x1  }
0x65: {  	v4 =	vadd.s32 v1, v4;
	_ =	sdelay $0x3  }
0x66: {  	s0 =	rddreg [dreg:$0x11];
	v3 =	vperm.xlane v3, v2  }
0x67: {  	[tilespmem:s0], [sflag:$0x1] =	stream.indirect_vreg.gather [hbm4b:s2+s3], $0x80, v4, vm0, $0xb8;
	[tilespmem:$0x1E100] =	vst v63  }
0x68: {  	s10 =	rddreg [dreg:$0x12];
	v3 =	vadd.s32 v1, v3  }
0x69: {  	[tilespmem:s10], [sflag:$0x1] =	stream.indirect_vreg.gather [hbm4b:s4+s3], $0x80, v4, vm0, $0xb8;
	[tilespmem:$0x1E100] =	vst v63  }
0x6a: {  	s0 =	rddreg [dreg:$0x13]  }
0x6b: {  	[tilespmem:s0], [sflag:$0x1] =	stream.indirect_vreg.gather [hbm4b:s5+s3], $0x80, v4, vm0, $0xb8;
	[tilespmem:$0x1E100] =	vst v63  }
0x6c: {  	s10 =	rddreg [dreg:$0x14]  }
0x6d: {  	[tilespmem:s10], [sflag:$0x1] =	stream.indirect_vreg.gather [hbm4b:s2+s3], $0x80, v3, vm0, $0xb8;
	[tilespmem:$0x1E100] =	vst v63  }
0x6e: {  	s0 =	rddreg [dreg:$0x15]  }
0x6f: {  	[tilespmem:s0], [sflag:$0x1] =	stream.indirect_vreg.gather [hbm4b:s4+s3], $0x80, v3, vm0, $0xb8;
	[tilespmem:$0x1E100] =	vst v63  }
0x70: {  	s10 =	rddreg [dreg:$0x16]  }
0x71: {  	[tilespmem:s10], [sflag:$0x1] =	stream.indirect_vreg.gather [hbm4b:s5+s3], $0x80, v3, vm0, $0xb8;
	[tilespmem:$0x1E100] =	vst v63  }
0x72: {  	v3 =	vld [tilespmem:$0x30];
	_ =	sdelay $0x4  }
0x73: {  	v57 =	vshrl.u32 v3, $0x3  }
0x74: {  	v4 =	vmul.u32 $0x30, v57  }
0x75: {  	v3 =	vand.u32 $0x7, v3  }
0x76: {  	v3 =	vor.u32 v3, v4  }
0x77: {  	v4 =	vperm.xlane v3, v0;
	_ =	sdelay $0x1  }
0x78: {  	v4 =	vadd.s32 v1, v4;
	_ =	sdelay $0x3  }
0x79: {  	s0 =	rddreg [dreg:$0x17];
	v3 =	vperm.xlane v3, v2  }
0x7a: {  	[tilespmem:s0], [sflag:$0x1] =	stream.indirect_vreg.gather [hbm4b:s2+s3], $0x80, v4, vm0, $0xb8;
	[tilespmem:$0x1E100] =	vst v63  }
0x7b: {  	s10 =	rddreg [dreg:$0x18];
	v3 =	vadd.s32 v1, v3  }
0x7c: {  	[tilespmem:s10], [sflag:$0x1] =	stream.indirect_vreg.gather [hbm4b:s4+s3], $0x80, v4, vm0, $0xb8;
	[tilespmem:$0x1E100] =	vst v63  }
0x7d: {  	s0 =	rddreg [dreg:$0x19]  }
0x7e: {  	[tilespmem:s0], [sflag:$0x1] =	stream.indirect_vreg.gather [hbm4b:s5+s3], $0x80, v4, vm0, $0xb8;
	[tilespmem:$0x1E100] =	vst v63  }
0x7f: {  	s10 =	rddreg [dreg:$0x1a]  }
0x80: {  	[tilespmem:s10], [sflag:$0x1] =	stream.indirect_vreg.gather [hbm4b:s2+s3], $0x80, v3, vm0, $0xb8;
	[tilespmem:$0x1E100] =	vst v63  }
0x81: {  	s0 =	rddreg [dreg:$0x1b]  }
0x82: {  	[tilespmem:s0], [sflag:$0x1] =	stream.indirect_vreg.gather [hbm4b:s4+s3], $0x80, v3, vm0, $0xb8;
	[tilespmem:$0x1E100] =	vst v63  }
0x83: {  	s10 =	rddreg [dreg:$0x1c]  }
0x84: {  	[tilespmem:s10], [sflag:$0x1] =	stream.indirect_vreg.gather [hbm4b:s5+s3], $0x80, v3, vm0, $0xb8;
	[tilespmem:$0x1E100] =	vst v63  }
0x85: {  	v3 =	vld [tilespmem:$0x40];
	_ =	sdelay $0x4  }
0x86: {  	v58 =	vshrl.u32 v3, $0x3  }
0x87: {  	v4 =	vmul.u32 $0x30, v58  }
0x88: {  	v3 =	vand.u32 $0x7, v3  }
0x89: {  	v3 =	vor.u32 v3, v4  }
0x8a: {  	v4 =	vperm.xlane v3, v0;
	_ =	sdelay $0x1  }
0x8b: {  	v4 =	vadd.s32 v1, v4;
	_ =	sdelay $0x2  }
0x8c: {  	s0 =	rddreg [dreg:$0x1d]  }
0x8d: {  	s10 =	rddreg [dreg:$0x1e];
	v3 =	vperm.xlane v3, v2  }
0x8e: {  	[tilespmem:s0], [sflag:$0x1] =	stream.indirect_vreg.gather [hbm4b:s2+s3], $0x80, v4, vm0, $0xb8;
	[tilespmem:$0x1E100] =	vst v63  }
0x8f: {  	v3 =	vadd.s32 v1, v3;
	s0 =	rddreg [dreg:$0x1f]  }
0x90: {  	[tilespmem:s10], [sflag:$0x1] =	stream.indirect_vreg.gather [hbm4b:s4+s3], $0x80, v4, vm0, $0xb8;
	[tilespmem:$0x1E100] =	vst v63  }
0x91: {  	s10 =	sld [smem:$0x7F3]  }
0x92: {  	[tilespmem:s0], [sflag:$0x1] =	stream.indirect_vreg.gather [hbm4b:s5+s3], $0x80, v4, vm0, $0xb8;
	[tilespmem:$0x1E100] =	vst v63  }
0x93: {  	s0 =	sld [smem:$0x7F4]  }
0x94: {  	[tilespmem:s10], [sflag:$0x1] =	stream.indirect_vreg.gather [hbm4b:s2+s3], $0x80, v3, vm0, $0xb8;
	[tilespmem:$0x1E100] =	vst v63  }
0x95: {  	s10 =	sld [smem:$0x7F5]  }
0x96: {  	[tilespmem:s0], [sflag:$0x1] =	stream.indirect_vreg.gather [hbm4b:s4+s3], $0x80, v3, vm0, $0xb8;
	[tilespmem:$0x1E100] =	vst v63  }
0x97: {  	_ = 	snop  }
0x98: {  	[tilespmem:s10], [sflag:$0x1] =	stream.indirect_vreg.gather [hbm4b:s5+s3], $0x80, v3, vm0, $0xb8;
	[tilespmem:$0x1E100] =	vst v63  }
0x99: {  	v3 =	vld [tilespmem:$0x80];
	_ =	sdelay $0x4  }
0x9a: {  	v59 =	vshrl.u32 v3, $0x3  }
0x9b: {  	v4 =	vmul.u32 $0x30, v59  }
0x9c: {  	v3 =	vand.u32 $0x7, v3  }
0x9d: {  	v3 =	vor.u32 v3, v4  }
0x9e: {  	v4 =	vperm.xlane v3, v0;
	_ =	sdelay $0x1  }
0x9f: {  	v4 =	vadd.s32 v1, v4;
	_ =	sdelay $0x3  }
0xa0: {  	s0 =	sld [smem:$0x7F6];
	v3 =	vperm.xlane v3, v2  }
0xa1: {  	[tilespmem:s9], [sflag:$0x1] =	stream.indirect_vreg.gather [hbm4b:s2+s3], $0x80, v4, vm0, $0xb8;
	[tilespmem:$0x1E100] =	vst v63  }
0xa2: {  	s10 =	sld [smem:$0x7F7];
	v3 =	vadd.s32 v1, v3  }
0xa3: {  	[tilespmem:s0], [sflag:$0x1] =	stream.indirect_vreg.gather [hbm4b:s4+s3], $0x80, v4, vm0, $0xb8;
	[tilespmem:$0x1E100] =	vst v63  }
0xa4: {  	s0 =	sld [smem:$0x7F8]  }
0xa5: {  	[tilespmem:s10], [sflag:$0x1] =	stream.indirect_vreg.gather [hbm4b:s5+s3], $0x80, v4, vm0, $0xb8;
	[tilespmem:$0x1E100] =	vst v63  }
0xa6: {  	s10 =	sld [smem:$0x7F9]  }
0xa7: {  	[tilespmem:s0], [sflag:$0x1] =	stream.indirect_vreg.gather [hbm4b:s2+s3], $0x80, v3, vm0, $0xb8;
	[tilespmem:$0x1E100] =	vst v63  }
0xa8: {  	s0 =	sld [smem:$0x7FA]  }
0xa9: {  	[tilespmem:s10], [sflag:$0x1] =	stream.indirect_vreg.gather [hbm4b:s4+s3], $0x80, v3, vm0, $0xb8;
	[tilespmem:$0x1E100] =	vst v63  }
0xaa: {  	_ = 	snop  }
0xab: {  	[tilespmem:s0], [sflag:$0x1] =	stream.indirect_vreg.gather [hbm4b:s5+s3], $0x80, v3, vm0, $0xb8;
	[tilespmem:$0x1E100] =	vst v63  }
0xac: {  	v3 =	vld [tilespmem:$0x90];
	_ =	sdelay $0x4  }
0xad: {  	v60 =	vshrl.u32 v3, $0x3  }
0xae: {  	v4 =	vmul.u32 $0x30, v60  }
0xaf: {  	v3 =	vand.u32 $0x7, v3  }
0xb0: {  	v3 =	vor.u32 v3, v4  }
0xb1: {  	v4 =	vperm.xlane v3, v0;
	_ =	sdelay $0x1  }
0xb2: {  	v4 =	vadd.s32 v1, v4;
	_ =	sdelay $0x1  }
0xb3: {  	s0 =	sld [smem:$0x7FB];
	_ =	sdelay $0x1  }
0xb4: {  	s10 =	sld [smem:$0x7FC];
	v3 =	vperm.xlane v3, v2  }
0xb5: {  	[tilespmem:s0], [sflag:$0x1] =	stream.indirect_vreg.gather [hbm4b:s2+s3], $0x80, v4, vm0, $0xb8;
	[tilespmem:$0x1E100] =	vst v63  }
0xb6: {  	v3 =	vadd.s32 v1, v3;
	s0 =	sld [smem:$0x7FD]  }
0xb7: {  	[tilespmem:s10], [sflag:$0x1] =	stream.indirect_vreg.gather [hbm4b:s4+s3], $0x80, v4, vm0, $0xb8;
	[tilespmem:$0x1E100] =	vst v63  }
0xb8: {  	_ = 	snop  }
0xb9: {  	[tilespmem:s0], [sflag:$0x1] =	stream.indirect_vreg.gather [hbm4b:s5+s3], $0x80, v4, vm0, $0xb8;
	[tilespmem:$0x1E100] =	vst v63  }
0xba: {  	s10 =	simm.s32 $0x13900  }
0xbb: {  	[tilespmem:s10], [sflag:$0x1] =	stream.indirect_vreg.gather [hbm4b:s2+s3], $0x80, v3, vm0, $0xb8;
	[tilespmem:$0x1E100] =	vst v63  }
0xbc: {  	_ = 	snop  }
0xbd: {  	[tilespmem:s11], [sflag:$0x1] =	stream.indirect_vreg.gather [hbm4b:s4+s3], $0x80, v3, vm0, $0xb8;
	[tilespmem:$0x1E100] =	vst v63  }
0xbe: {  	_ = 	snop  }
0xbf: {  	[tilespmem:s12], [sflag:$0x1] =	stream.indirect_vreg.gather [hbm4b:s5+s3], $0x80, v3, vm0, $0xb8;
	[tilespmem:$0x1E100] =	vst v63  }
0xc0: {  	v3 =	vld [tilespmem:$0xA0];
	_ =	sdelay $0x4  }
0xc1: {  	v61 =	vshrl.u32 v3, $0x3  }
0xc2: {  	v4 =	vmul.u32 $0x30, v61  }
0xc3: {  	v3 =	vand.u32 $0x7, v3  }
0xc4: {  	v3 =	vor.u32 v3, v4  }
0xc5: {  	v4 =	vperm.xlane v3, v0;
	_ =	sdelay $0x1  }
0xc6: {  	v4 =	vadd.s32 v1, v4;
	_ =	sdelay $0x3  }
0xc7: {  	v3 =	vperm.xlane v3, v2  }
0xc8: {  	[tilespmem:s13], [sflag:$0x1] =	stream.indirect_vreg.gather [hbm4b:s2+s3], $0x80, v4, vm0, $0xb8;
	[tilespmem:$0x1E100] =	vst v63  }
0xc9: {  	v3 =	vadd.s32 v1, v3  }
0xca: {  	[tilespmem:s14], [sflag:$0x1] =	stream.indirect_vreg.gather [hbm4b:s4+s3], $0x80, v4, vm0, $0xb8;
	[tilespmem:$0x1E100] =	vst v63  }
0xcb: {  	_ = 	snop  }
0xcc: {  	[tilespmem:s15], [sflag:$0x1] =	stream.indirect_vreg.gather [hbm4b:s5+s3], $0x80, v4, vm0, $0xb8;
	[tilespmem:$0x1E100] =	vst v63  }
0xcd: {  	_ = 	snop  }
0xce: {  	[tilespmem:s16], [sflag:$0x1] =	stream.indirect_vreg.gather [hbm4b:s2+s3], $0x80, v3, vm0, $0xb8;
	[tilespmem:$0x1E100] =	vst v63  }
0xcf: {  	_ = 	snop  }
0xd0: {  	[tilespmem:s17], [sflag:$0x1] =	stream.indirect_vreg.gather [hbm4b:s4+s3], $0x80, v3, vm0, $0xb8;
	[tilespmem:$0x1E100] =	vst v63  }
0xd1: {  	_ = 	snop  }
0xd2: {  	[tilespmem:s18], [sflag:$0x1] =	stream.indirect_vreg.gather [hbm4b:s5+s3], $0x80, v3, vm0, $0xb8;
	[tilespmem:$0x1E100] =	vst v63  }
0xd3: {  	v3 =	vld [tilespmem:$0xB0];
	_ =	sdelay $0x4  }
0xd4: {  	v62 =	vshrl.u32 v3, $0x3  }
0xd5: {  	v4 =	vmul.u32 $0x30, v62  }
0xd6: {  	v3 =	vand.u32 $0x7, v3  }
0xd7: {  	v3 =	vor.u32 v3, v4  }
0xd8: {  	v4 =	vperm.xlane v3, v0;
	_ =	sdelay $0x1  }
0xd9: {  	v4 =	vadd.s32 v1, v4;
	_ =	sdelay $0x3  }
0xda: {  	v3 =	vperm.xlane v3, v2  }
0xdb: {  	[tilespmem:s19], [sflag:$0x1] =	stream.indirect_vreg.gather [hbm4b:s2+s3], $0x80, v4, vm0, $0xb8;
	[tilespmem:$0x1E100] =	vst v63  }
0xdc: {  	v3 =	vadd.s32 v1, v3  }
0xdd: {  	[tilespmem:s20], [sflag:$0x1] =	stream.indirect_vreg.gather [hbm4b:s4+s3], $0x80, v4, vm0, $0xb8;
	[tilespmem:$0x1E100] =	vst v63  }
0xde: {  	_ = 	snop  }
0xdf: {  	[tilespmem:s21], [sflag:$0x1] =	stream.indirect_vreg.gather [hbm4b:s5+s3], $0x80, v4, vm0, $0xb8;
	[tilespmem:$0x1E100] =	vst v63  }
0xe0: {  	_ = 	snop  }
0xe1: {  	[tilespmem:s22], [sflag:$0x1] =	stream.indirect_vreg.gather [hbm4b:s2+s3], $0x80, v3, vm0, $0xb8;
	[tilespmem:$0x1E100] =	vst v63  }
0xe2: {  	_ = 	snop  }
0xe3: {  	[tilespmem:s23], [sflag:$0x1] =	stream.indirect_vreg.gather [hbm4b:s4+s3], $0x80, v3, vm0, $0xb8;
	[tilespmem:$0x1E100] =	vst v63  }
0xe4: {  	_ = 	snop  }
0xe5: {  	[tilespmem:s24], [sflag:$0x1] =	stream.indirect_vreg.gather [hbm4b:s5+s3], $0x80, v3, vm0, $0xb8;
	[tilespmem:$0x1E100] =	vst v63  }
0xe6: {  	v3 =	vld [tilespmem:$0xC0];
	_ =	sdelay $0x4  }
0xe7: {  	v63 =	vshrl.u32 v3, $0x3  }
0xe8: {  	v4 =	vmul.u32 $0x30, v63  }
0xe9: {  	v3 =	vand.u32 $0x7, v3  }
0xea: {  	v3 =	vor.u32 v3, v4  }
0xeb: {  	v4 =	vperm.xlane v3, v0;
	_ =	sdelay $0x1  }
0xec: {  	v4 =	vadd.s32 v1, v4;
	_ =	sdelay $0x3  }
0xed: {  	v3 =	vperm.xlane v3, v2  }
0xee: {  	[tilespmem:s25], [sflag:$0x1] =	stream.indirect_vreg.gather [hbm4b:s2+s3], $0x80, v4, vm0, $0xb8;
	[tilespmem:$0x1E100] =	vst v63  }
0xef: {  	v3 =	vadd.s32 v1, v3  }
0xf0: {  	[tilespmem:s26], [sflag:$0x1] =	stream.indirect_vreg.gather [hbm4b:s4+s3], $0x80, v4, vm0, $0xb8;
	[tilespmem:$0x1E100] =	vst v63  }
0xf1: {  	_ = 	snop  }
0xf2: {  	[tilespmem:s28], [sflag:$0x1] =	stream.indirect_vreg.gather [hbm4b:s5+s3], $0x80, v4, vm0, $0xb8;
	[tilespmem:$0x1E100] =	vst v63  }
0xf3: {  	_ = 	snop  }
0xf4: {  	[tilespmem:s29], [sflag:$0x1] =	stream.indirect_vreg.gather [hbm4b:s2+s3], $0x80, v3, vm0, $0xb8;
	[tilespmem:$0x1E100] =	vst v63  }
0xf5: {  	_ = 	snop  }
0xf6: {  	[tilespmem:s30], [sflag:$0x1] =	stream.indirect_vreg.gather [hbm4b:s4+s3], $0x80, v3, vm0, $0xb8;
	[tilespmem:$0x1E100] =	vst v63  }
0xf7: {  	_ = 	snop  }
0xf8: {  	[tilespmem:s31], [sflag:$0x1] =	stream.indirect_vreg.gather [hbm4b:s5+s3], $0x80, v3, vm0, $0xb8;
	[tilespmem:$0x1E100] =	vst v63  }
0xf9: {  	_ =	swait.ge [sflag:s1], $0xF000  }
0xfa: {  	[sflag:s1] =	ssyncset.done $0x0  }
0xfb: {  	s10 =	rddreg [dreg:$0x4];
	[sflag:s1] =	ssyncadd.s32 $0xFFFF1000  }
0xfc: {  	[hbm4b:s10+s3] =	stream.linear.scatter [tilespmem:s8], [sflag:$0x2], $0xF000, $0x38;
	[tilespmem:$0x1E100] =	vst v63  }
0xfd: {  	_ =	swait.ge [sflag:s7], $0xF000  }
0xfe: {  	[sflag:s7] =	ssyncset.done $0x0  }
0xff: {  	[sflag:s7] =	ssyncadd.s32 $0xFFFF1000  }
0x100: {  	_ =	swait.ge [sflag:s1], $0xF000  }
0x101: {  	p0 =	sne.s32 s6, $0x1;
	[sflag:s1] =	ssyncset.done $0x0  }
.Ltmp0:
0x102: {  	s10 =	rddreg [dreg:$0x5];
	[sflag:s1] =	ssyncadd.s32 $0xFFFF1000;
	(pc) =	sbr.rel @p0 .LBB2_1-.Ltmp0, $4  }
0x103: {  	[hbm4b:s10+s3] =	stream.linear.scatter [tilespmem:s9], [sflag:$0x2], $0xF000, $0x38;
	[tilespmem:$0x1E100] =	vst v63  }
0x104: {  	_ =	swait.ge [sflag:s7], $0xF000  }
0x105: {  	[sflag:s7] =	ssyncset.done $0x0  }
0x106: {  	s6 =	sadd.s32 $0xFFFFFFFF, s6;
	[sflag:s7] =	ssyncadd.s32 $0xFFFF1000  }
0x107: {  	_ =	sfence.sel $0x180000  }
0x108: {  	[bflag:$0x0] =	sbarrier.arrive $0xFFFF  }
0x109: {  	_ =	strace $0x9000004D  }
0x10a: {  	s0 =	stileid.u32;
	[bflag:$0x2] =	sbarrier.arrive $0xFFFF  }
0x10b: {  	p0 =	sne.s32 s0, $0x0;
	s0 =	rddreg [dreg:$0x2]  }
0x10c: {  	s0 =	sadd.s32 @!p0 $0x100000, s0  }
0x10d: {  	[sflag:s0] =	ssyncadd.tile.s32 @!p0 $0x1;
	_ =	shalt  }
.Lfunc_end2:
_tile_overlayer_lowered:
.L_overlay_start_2:
0x10e: {  	(tag) =	ssettag $0x2  }
0x10f: {  	s0 =	rddreg [dreg:$0x0];
	s2 =	stileid.u32  }
0x110: {  	s1 =	rddreg [dreg:$0x1];
	p0 =	sne.s32 s2, $0x0  }
0x111: {  	s3 =	rddreg [dreg:$0x2];
	[bflag:$0x3] =	sbarrier.arrive $0xFFFF;
	s2 =	simm.s32 @!p0 $0x1C02  }
0x112: {  	[timem:s3], [sflag:s2] =	dma.local @!p0 [hbm:s0], s1  }
0x113: {  	s0 =	simm.s32 @!p0 $0x2  }
0x114: {  	_ =	swait.ge @!p0 [sflag:s0], s1  }
0x115: {  	s1 =	ssub.s32 @!p0 $0x0, s1;
	[sflag:s0] =	ssyncset.done @!p0 $0x0  }
0x116: {  	[sflag:s0] =	ssyncadd.s32 @!p0 s1  }
0x117: {  	[bflag:$0x3] =	sbarrier.arrive $0xFFFF  }
0x118: {  	_ =	shalt  }

// kernel: kernel.15.cloned.1.call-start
scs
__scs_entry_jumppad:
0x0: {  	(pc) =	sbr.rel $0x88, $3  }
0x1: {  	(tag) =	ssettag $0x0;
	lr =	simm.s32 $0x1  }
0x2: {  	[smem:$0x3F99] =	sst lr;
	_ =	strace $0xD0000000  }
0x3: {  	_ = 	snop  }
0x4: {  	_ = 	snop  }
0x5: {  	_ = 	snop  }
0x6: {  	_ = 	snop  }
0x7: {  	_ = 	snop  }
__scs_overlays_trampoline_lowered:
0x8: {  	[smem:$0x3FA8] =	sst s0  }
0x9: {  	[smem:$0x3FA9] =	sst s1  }
0xa: {  	[smem:$0x3FAA] =	sst s2  }
0xb: {  	[smem:$0x3FAB] =	sst s3  }
0xc: {  	[smem:$0x3FAC] =	sst s4  }
0xd: {  	[smem:$0x3FAD] =	sst s5  }
0xe: {  	[smem:$0x3FAE] =	sst s6  }
0xf: {  	[smem:$0x3FAF] =	sst s7  }
0x10: {  	[smem:$0x3FB0] =	sst s8  }
0x11: {  	[smem:$0x3FB1] =	sst s9;
	s0 =	simm.s32 @!p0 $0x0  }
0x12: {  	s1 =	sld [smem:$0x3F97];
	s0 =	simm.s32 @p0 $0x1  }
0x13: {  	[smem:$0x3FB2] =	sst s0;
	s0 =	simm.s32 @!p1 $0x0  }
0x14: {  	s2 =	sld [smem:$0x3F96];
	s0 =	simm.s32 @p1 $0x1  }
0x15: {  	[smem:$0x3FB3] =	sst s0;
	s0 =	simm.s32 @!p2 $0x0  }
0x16: {  	s3 =	sld [smem:$0x3FDB];
	s0 =	simm.s32 @p2 $0x1  }
0x17: {  	s4 =	simm.s32 $0x1BF5;
	[smem:$0x3FB5] =	sst s0  }
0x18: {  	s0 =	sld [smem:$0x3F98];
	_ =	swait.ge [sflag:s4], $0x0  }
0x19: {  	s7 =	sld [smem:$0x3F99]  }
0x1a: {  	s8 =	sadd.s32 $0xFFFFE003, lr  }
0x1b: {  	s9 =	sadd.s32 $0xFFFFFEF7, lr;
	s5 =	simm.s32 $0xFFFFFFFF;
	p2 =	slt.u32 s8, $0xFFFFF086  }
0x1c: {  	p1 =	slt.u32 s9, $0xF7A;
	s5 =	simm.s32 @!p2 $0x0  }
0x1d: {  	s5 =	simm.s32 @p1 $0x1;
	p0 =	seq.s32 s7, s2  }
0x1e: {  	s7 =	smul.u32 @!p0 $0xF7A, s2;
	p2 =	seq.s32 @!p0 s5, $0x0  }
0x1f: {  	s9 =	smul.u32 $0xF7A, s1;
	s8 =	simm.s32 @!p0 $0x1BF5;
	p2 =	por !p2, p0  }
0x20: {  	[sflag:s8] =	ssyncset.s32 @!p0 $0xFFFFF086;
	s6 =	sadd.s32 @!p0 s3, s7;
	s7 =	simm.s32 @!p0 $0x108  }
0x21: {  	s3 =	sadd.s32 s3, s9;
	s6 =	sadd.s32 @!p0 $0x88, s6;
	s7 =	simm.s32 @p2 $0x1082  }
0x22: {  	[simem:s7], [sflag:s8] =	dma.local @!p0 [hbm:s6], $0xF7A  }
0x23: {  	s9 =	sor.u32 $0xD0000000, s2;
	s6 =	simm.s32 $0x108;
	_ =	swait.ge @!p0 [sflag:s8], $0x0  }
0x24: {  	s3 =	sadd.s32 $0x88, s3;
	s6 =	simm.s32 @!p1 $0x1082;
	[sflag:s4] =	ssyncset.s32 $0xFFFFF086  }
0x25: {  	[simem:s6], [sflag:s4] =	dma.local [hbm:s3], $0xF7A  }
0x26: {  	[smem:$0x3F99] =	sst s1;
	(tag) =	ssettag s2;
	_ =	strace s9  }
0x27: {  	s1 =	sld [smem:$0x3FA9]  }
0x28: {  	s2 =	sld [smem:$0x3FAA]  }
0x29: {  	s4 =	sld [smem:$0x3FAC]  }
0x2a: {  	p0 =	seq.s32 s5, $0x0;
	s5 =	sld [smem:$0x3FAD]  }
0x2b: {  	s6 =	sld [smem:$0x3FAE]  }
0x2c: {  	s7 =	sld [smem:$0x3FAF]  }
0x2d: {  	s3 =	simm.s32 $0x108;
	s8 =	sld [smem:$0x3FB0]  }
0x2e: {  	s3 =	simm.s32 @!p0 $0x1082;
	s9 =	sld [smem:$0x3FB1]  }
0x2f: {  	lr =	sadd.s32 s0, s3;
	s0 =	sld [smem:$0x3FA8]  }
0x30: {  	s3 =	sld [smem:$0x3FAB]  }
0x31: {  	[smem:$0x3FB4] =	sst s10  }
0x32: {  	s10 =	sld [smem:$0x3FB2];
	_ =	sdelay $0x3  }
0x33: {  	p0 =	seq.s32 s10, $0x1;
	s10 =	sld [smem:$0x3FB4];
	_ =	sdelay $0x3  }
0x34: {  	[smem:$0x3FB4] =	sst s10  }
0x35: {  	s10 =	sld [smem:$0x3FB3];
	_ =	sdelay $0x3  }
0x36: {  	p1 =	seq.s32 s10, $0x1;
	s10 =	sld [smem:$0x3FB4];
	_ =	sdelay $0x3  }
0x37: {  	[smem:$0x3FB4] =	sst s10  }
0x38: {  	s10 =	sld [smem:$0x3FB5]  }
0x39: {  	_ = 	snop;
	(pc) =	sbr.ind lr, $3  }
0x3a: {  	_ = 	snop  }
0x3b: {  	_ = 	snop  }
0x3c: {  	p2 =	seq.s32 s10, $0x1;
	s10 =	sld [smem:$0x3FB4]  }
0x3d: {  	_ =	shalt  }
0x3e: {  	_ =	shalt  }
0x3f: {  	_ =	shalt  }
0x40: {  	_ =	shalt  }
0x41: {  	_ =	shalt  }
0x42: {  	_ =	shalt  }
0x43: {  	_ =	shalt  }
0x44: {  	_ =	shalt  }
0x45: {  	_ =	shalt  }
0x46: {  	_ =	shalt  }
0x47: {  	_ =	shalt  }
0x48: {  	_ =	shalt  }
0x49: {  	_ =	shalt  }
0x4a: {  	_ =	shalt  }
0x4b: {  	_ =	shalt  }
0x4c: {  	_ =	shalt  }
0x4d: {  	_ =	shalt  }
0x4e: {  	_ =	shalt  }
0x4f: {  	_ =	shalt  }
0x50: {  	_ =	shalt  }
0x51: {  	_ =	shalt  }
0x52: {  	_ =	shalt  }
0x53: {  	_ =	shalt  }
0x54: {  	_ =	shalt  }
0x55: {  	_ =	shalt  }
0x56: {  	_ =	shalt  }
0x57: {  	_ =	shalt  }
0x58: {  	_ =	shalt  }
0x59: {  	_ =	shalt  }
0x5a: {  	_ =	shalt  }
0x5b: {  	_ =	shalt  }
0x5c: {  	_ =	shalt  }
0x5d: {  	_ =	shalt  }
0x5e: {  	_ =	shalt  }
0x5f: {  	_ =	shalt  }
0x60: {  	_ =	shalt  }
0x61: {  	_ =	shalt  }
0x62: {  	_ =	shalt  }
0x63: {  	_ =	shalt  }
0x64: {  	_ =	shalt  }
0x65: {  	_ =	shalt  }
0x66: {  	_ =	shalt  }
0x67: {  	_ =	shalt  }
0x68: {  	_ =	shalt  }
0x69: {  	_ =	shalt  }
0x6a: {  	_ =	shalt  }
0x6b: {  	_ =	shalt  }
0x6c: {  	_ =	shalt  }
0x6d: {  	_ =	shalt  }
0x6e: {  	_ =	shalt  }
0x6f: {  	_ =	shalt  }
0x70: {  	_ =	shalt  }
0x71: {  	_ =	shalt  }
0x72: {  	_ =	shalt  }
0x73: {  	_ =	shalt  }
0x74: {  	_ =	shalt  }
0x75: {  	_ =	shalt  }
0x76: {  	_ =	shalt  }
0x77: {  	_ =	shalt  }
0x78: {  	_ =	shalt  }
0x79: {  	_ =	shalt  }
0x7a: {  	_ =	shalt  }
0x7b: {  	_ =	shalt  }
0x7c: {  	_ =	shalt  }
0x7d: {  	_ =	shalt  }
0x7e: {  	_ =	shalt  }
0x7f: {  	_ =	shalt  }
0x80: {  	_ =	shalt  }
0x81: {  	_ =	shalt  }
0x82: {  	_ =	shalt  }
0x83: {  	_ =	shalt  }
0x84: {  	_ =	shalt  }
0x85: {  	_ =	shalt  }
0x86: {  	_ =	shalt  }
0x87: {  	_ =	shalt  }
.Lfunc_end0:
.L_simem_size_0:
called_computation.3_lowered:
.L_overlay_start_0:
0x88: {  	s2 =	sld [smem:$0x3FD9]  }
0x89: {  	s3 =	sld [smem:$0x3FFE];
	_ =	sdelay $0x1  }
0x8a: {  	s1 =	srdreg.scid  }
0x8b: {  	s0 =	sand.u32 $0x1, s1  }
0x8c: {  	s16 =	sshll.u32 s0, $0xA;
	s2 =	sadd.s32 s3, s2  }
0x8d: {  	s2 =	sadd.s32 s2, s16  }
0x8e: {  	[smem:$0x3FC0] =	sst s2  }
0x8f: {  	_ = 	snop  }
0x90: {  	(tm) =	ssettm $0x1  }
0x91: {  	s17 =	sld [smem:$0x3FFB];
	_ =	sdelay $0x3  }
0x92: {  	_ =	strace s17  }
0x93: {  	s2 =	sld [smem:$0x3FFC];
	_ =	sdelay $0x3  }
0x94: {  	_ =	strace s2  }
0x95: {  	s2 =	sld [smem:$0x3FFD];
	_ =	sdelay $0x3  }
0x96: {  	_ =	strace s2  }
0x97: {  	_ =	strace $0x8FFFFFFF  }
0x98: {  	s18 =	sld [smem:$0x3FDB];
	_ =	sdelay $0x1  }
0x99: {  	s19 =	simm.s32 $_scs_section_size  }
0x9a: {  	s4 =	simm.s32 $_size__tile_overlayer_lowered;
	s5 =	simm.s32 $_tile_overlayer_lowered  }
0x9b: {  	s22 =	simm.s32 $0x1BFF;
	s21 =	sshll.u32 s5, $0x1;
	s2 =	sadd.s32 s19, s18  }
0x9c: {  	s6 =	simm.s32 $0x0;
	s20 =	sshll.u32 s4, $0x1;
	s4 =	sadd.s32 s21, s2  }
0x9d: {  	[timem:s6], [sflag:s22] =	dma.local [hbm:s4], s20  }
0x9e: {  	_ =	swait.ge [sflag:s22], s20  }
0x9f: {  	s3 =	ssub.s32 $0x0, s20;
	[sflag:s22] =	ssyncset.done $0x0  }
0xa0: {  	[sflag:s22] =	ssyncadd.s32 s3;
	_ =	sdelay $0x1  }
0xa1: {  	s23 =	simm.s32 $0x1B8B  }
0xa2: {  	_ =	swait.ge [sflag:s23], $0x1  }
0xa3: {  	[sflag:s23] =	ssyncset.done $0x0  }
0xa4: {  	s25 =	simm.s32 $0x1B8E;
	s24 =	sld [smem:$0x3FFE];
	[sflag:s23] =	ssyncadd.s32 $0xFFFFFFFF  }
0xa5: {  	s26 =	simm.s32 $execute0_lowered;
	[smem:$0x3FD2] =	sst s25  }
0xa6: {  	s4 =	sshll.u32 s26, $0x1;
	_ =	strace $0x8000004F;
	[dreg:$0x1] =	wrdreg $0xFFFFFFFF  }
0xa7: {  	s28 =	simm.s32 $_size_execute0_lowered;
	s2 =	sadd.s32 s2, s4;
	[dreg:$0x0] =	wrdreg $0x0  }
0xa8: {  	s4 =	sshll.u32 s28, $0x1;
	[dreg:$0x2] =	wrdreg s2  }
0xa9: {  	[dreg:$0x3] =	wrdreg s4  }
0xaa: {  	[dreg:$0x4] =	wrdreg $0xC0  }
0xab: {  	_ =	task [dreg:s6], $0x5FFFF  }
0xac: {  	[dreg:$0x1] =	wrdreg $0xFFFFFFFF  }
0xad: {  	[dreg:$0x0] =	wrdreg $0x60  }
0xae: {  	[dreg:$0x2] =	wrdreg s24  }
0xaf: {  	[dreg:$0x3] =	wrdreg $0x9  }
0xb0: {  	_ =	task.clear_ibuf [dreg:s6], $0x4FFFF;
	_ =	strace $0x9000004F  }
0xb1: {  	s29 =	simm.s32 $0x9;
	_ =	strace $0x80000051  }
0xb2: {  	_ =	swait.ge [sflag:s29], $0x1  }
0xb3: {  	[sflag:s29] =	ssyncadd.s32 $0xFFFFFFFF  }
0xb4: {  	_ =	strace $0x90000051  }
0xb5: {  	_ =	sfence  }
0xb6: {  	s30 =	sld [smem:$0x0];
	_ =	sdelay $0x2  }
0xb7: {  	s31 =	sshll.u32 s1, $0xD;
	s1 =	sshrl.u32 s1, $0x2  }
0xb8: {  	s3 =	sand.u32 $0x4000, s31;
	s1 =	sadd.s32 s1, s30  }
0xb9: {  	s0 =	sor.u32 s3, s0;
	s1 =	sshll.u32 s1, $0x11  }
0xba: {  	s0 =	sor.u32 s1, s0  }
0xbb: {  	s0 =	sadd.s32 $0x8F2B, s0  }
0xbc: {  	[sflag:s0] =	ssyncadd.remote.s32 $0x1  }
0xbd: {  	_ =	sfence.sel $0xFFFF  }
0xbe: {  	[dreg:$0x0] =	wrdreg $0xFFFFFFFF;
	(pc) =	sbr.abs _section_cstart, $3  }
0xbf: {  	[dreg:$0x1] =	wrdreg $0xFFFFFFFF  }
0xc0: {  	_ =	task.clear_ibuf [dreg:s6], $0x2FFFF;
	_ =	strace $0x9FFFFFFF  }
0xc1: {  	(tm) =	ssettm $0x7FFFFFFF  }
tec
execute0_lowered:
.L_overlay_start_1:
0x0: {  	(tag) =	ssettag $0x1  }
0x1: {  	s2 =	srdreg.scid  }
0x2: {  	s1 =	rddreg [dreg:$0x0];
	s4 =	sand.u32 $0x1, s2;
	s2 =	simm.s32 $0x0  }
0x3: {  	s24 =	simm.s32 $0x900;
	[smem:$0x7FF] =	sst s2  }
0x4: {  	s25 =	simm.s32 $0x1100;
	_ =	strace $0x80000050;
	[dreg:$0x5] =	wrdreg s24  }
0x5: {  	s0 =	stileid.u32;
	s26 =	simm.s32 $0x1900;
	[dreg:$0x6] =	wrdreg s25  }
0x6: {  	s3 =	sshll.u32 s0, $0x1;
	s0 =	simm.s32 $0x2100;
	[dreg:$0x7] =	wrdreg s26  }
0x7: {  	s8 =	simm.s32 $0x4100;
	[dreg:$0x8] =	wrdreg s0  }
0x8: {  	s9 =	simm.s32 $0x4900;
	[dreg:$0xc] =	wrdreg s8  }
0x9: {  	s10 =	simm.s32 $0x5100;
	s11 =	simm.s32 $0x5900;
	[dreg:$0xd] =	wrdreg s9  }
0xa: {  	s12 =	simm.s32 $0x6100;
	s13 =	simm.s32 $0x6900;
	[dreg:$0xe] =	wrdreg s10  }
0xb: {  	s14 =	simm.s32 $0x7100;
	s15 =	simm.s32 $0x7900;
	[dreg:$0xf] =	wrdreg s11  }
0xc: {  	s16 =	simm.s32 $0x8100;
	s17 =	simm.s32 $0x8900;
	[dreg:$0x10] =	wrdreg s12  }
0xd: {  	s18 =	simm.s32 $0x9100;
	s20 =	simm.s32 $0x9900;
	[dreg:$0x11] =	wrdreg s13  }
0xe: {  	s21 =	simm.s32 $0xA100;
	s28 =	simm.s32 $0x16100;
	[dreg:$0x12] =	wrdreg s14  }
0xf: {  	s29 =	simm.s32 $0x16900;
	s30 =	simm.s32 $0x17100;
	[dreg:$0x13] =	wrdreg s15  }
0x10: {  	s31 =	simm.s32 $0x17900;
	s7 =	sadd.s32 $0x79C00, s1;
	[dreg:$0x14] =	wrdreg s16  }
0x11: {  	s3 =	sor.u32 s4, s3;
	s4 =	ssub.s32 $0x2, s4;
	[dreg:$0x15] =	wrdreg s17  }
0x12: {  	s5 =	sshll.u32 s3, $0x5;
	s6 =	smul.u32 $0x18000, s3;
	[dreg:$0x16] =	wrdreg s18  }
0x13: {  	s3 =	smul.u32 $0x3000, s3;
	s19 =	sshrl.u32 s4, $0x1;
	[dreg:$0x17] =	wrdreg s20  }
0x14: {  	[dreg:$0x18] =	wrdreg s21;
	s24 =	simm.s32 $0xB900;
	s25 =	simm.s32 $0xC900  }
0x15: {  	s8 =	simm.s32 $0x100;
	s26 =	simm.s32 $0xD100;
	s9 =	simm.s32 $0xC100  }
0x16: {  	s11 =	simm.s32 $0xE100;
	s12 =	simm.s32 $0xE900;
	s13 =	simm.s32 $0xF100  }
0x17: {  	s14 =	simm.s32 $0xF900;
	s15 =	simm.s32 $0x10100;
	s16 =	simm.s32 $0x10900  }
0x18: {  	s17 =	simm.s32 $0x11100;
	s18 =	simm.s32 $0x11900;
	[dreg:$0x1b] =	wrdreg s24  }
0x19: {  	s20 =	simm.s32 $0x12900;
	s21 =	simm.s32 $0x13100;
	[dreg:$0x1c] =	wrdreg s25  }
0x1a: {  	s5 =	sadd.s32 s5, s1;
	[dreg:$0x1d] =	wrdreg s26;
	s24 =	simm.s32 $0x14900  }
0x1b: {  	s25 =	simm.s32 $0x15100;
	s26 =	simm.s32 $0x15900;
	s5 =	sadd.s32 $0x1800, s5  }
0x1c: {  	s6 =	sshrl.u32 s6, $0x3;
	s3 =	sadd.s32 s7, s3;
	[dreg:$0x2] =	wrdreg s5  }
0x1d: {  	s22 =	sadd.s32 s7, s6;
	[dreg:$0x3] =	wrdreg s3;
	s5 =	simm.s32 $0x2900  }
0x1e: {  	s6 =	simm.s32 $0x3100;
	s7 =	simm.s32 $0x3900;
	[dreg:$0x9] =	wrdreg s5  }
0x1f: {  	s3 =	sadd.s32 $0x1C00, s1;
	s23 =	sadd.s32 $0x1800, s22;
	[dreg:$0xa] =	wrdreg s6  }
0x20: {  	[dreg:$0xb] =	wrdreg s7;
	s6 =	ssub.s32 s4, s19;
	s4 =	sadd.s32 $0x1D00, s1  }
0x21: {  	s22 =	simm.s32 $0xA900;
	s5 =	sadd.s32 $0x1E00, s1;
	s7 =	simm.s32 $0x2  }
0x22: {  	v2 =	vlaneseq.u32;
	s19 =	simm.s32 $0x12100;
	s1 =	simm.s32 $0x1;
	[dreg:$0x4] =	wrdreg s23  }
0x23: {  	vm0 =	vmmov $0xffff;
	v1 =	vshrl.u32 v2, $0x3;
	[dreg:$0x19] =	wrdreg s22;
	s23 =	simm.s32 $0xB100;
	s6 =	smax.u32 s6, $0x1  }
0x24: {  	v0 =	vand.u32 $0x7, v2;
	v2 =	vor.u32 $0x8, v2;
	v1 =	vmul.u32 $0x8, v1;
	s22 =	simm.s32 $0x13900;
	[dreg:$0x1a] =	wrdreg s23;
	s23 =	simm.s32 $0x14100  }
.LBB2_1:
0x25: {  	s0 =	rddreg [dreg:$0x2]  }
0x26: {  	[tilespmem:s2], [sflag:$0x2] =	stream.linear.gather [hbm4b:s0+s2], $0x100, $0x38;
	[tilespmem:$0x18100] =	vst v63  }
0x27: {  	_ =	swait.ge [sflag:s7], $0x100  }
0x28: {  	[sflag:s7] =	ssyncset.done $0x0  }
0x29: {  	[sflag:s7] =	ssyncadd.s32 $0xFFFFFF00  }
0x2a: {  	v3 =	vld [tilespmem:$0x0];
	_ =	sdelay $0x4  }
0x2b: {  	v4 =	vshrl.u32 v3, $0x3  }
0x2c: {  	v4 =	vmul.u32 $0x30, v4  }
0x2d: {  	v3 =	vand.u32 $0x7, v3  }
0x2e: {  	v3 =	vor.u32 v3, v4  }
0x2f: {  	v4 =	vperm.xlane v3, v0;
	_ =	sdelay $0x1  }
0x30: {  	v4 =	vadd.s32 v1, v4;
	_ =	sdelay $0x3  }
0x31: {  	v3 =	vperm.xlane v3, v2  }
0x32: {  	[tilespmem:s8], [sflag:$0x1] =	stream.indirect_vreg.gather [hbm4b:s3+s2], $0x80, v4, vm0, $0xb8;
	[tilespmem:$0x18100] =	vst v63  }
0x33: {  	s0 =	rddreg [dreg:$0x5];
	v3 =	vadd.s32 v1, v3  }
0x34: {  	[tilespmem:s0], [sflag:$0x1] =	stream.indirect_vreg.gather [hbm4b:s4+s2], $0x80, v4, vm0, $0xb8;
	[tilespmem:$0x18100] =	vst v63  }
0x35: {  	s10 =	rddreg [dreg:$0x6]  }
0x36: {  	[tilespmem:s10], [sflag:$0x1] =	stream.indirect_vreg.gather [hbm4b:s5+s2], $0x80, v4, vm0, $0xb8;
	[tilespmem:$0x18100] =	vst v63  }
0x37: {  	s0 =	rddreg [dreg:$0x7]  }
0x38: {  	[tilespmem:s0], [sflag:$0x1] =	stream.indirect_vreg.gather [hbm4b:s3+s2], $0x80, v3, vm0, $0xb8;
	[tilespmem:$0x18100] =	vst v63  }
0x39: {  	s10 =	rddreg [dreg:$0x8]  }
0x3a: {  	[tilespmem:s10], [sflag:$0x1] =	stream.indirect_vreg.gather [hbm4b:s4+s2], $0x80, v3, vm0, $0xb8;
	[tilespmem:$0x18100] =	vst v63  }
0x3b: {  	s0 =	rddreg [dreg:$0x9]  }
0x3c: {  	[tilespmem:s0], [sflag:$0x1] =	stream.indirect_vreg.gather [hbm4b:s5+s2], $0x80, v3, vm0, $0xb8;
	[tilespmem:$0x18100] =	vst v63  }
0x3d: {  	v3 =	vld [tilespmem:$0x10];
	_ =	sdelay $0x4  }
0x3e: {  	v57 =	vshrl.u32 v3, $0x3  }
0x3f: {  	v4 =	vmul.u32 $0x30, v57  }
0x40: {  	v3 =	vand.u32 $0x7, v3  }
0x41: {  	v3 =	vor.u32 v3, v4  }
0x42: {  	v4 =	vperm.xlane v3, v0;
	_ =	sdelay $0x1  }
0x43: {  	v4 =	vadd.s32 v1, v4;
	_ =	sdelay $0x3  }
0x44: {  	s0 =	rddreg [dreg:$0xa];
	v3 =	vperm.xlane v3, v2  }
0x45: {  	[tilespmem:s0], [sflag:$0x1] =	stream.indirect_vreg.gather [hbm4b:s3+s2], $0x80, v4, vm0, $0xb8;
	[tilespmem:$0x18100] =	vst v63  }
0x46: {  	s10 =	rddreg [dreg:$0xb];
	v3 =	vadd.s32 v1, v3  }
0x47: {  	[tilespmem:s10], [sflag:$0x1] =	stream.indirect_vreg.gather [hbm4b:s4+s2], $0x80, v4, vm0, $0xb8;
	[tilespmem:$0x18100] =	vst v63  }
0x48: {  	s0 =	rddreg [dreg:$0xc]  }
0x49: {  	[tilespmem:s0], [sflag:$0x1] =	stream.indirect_vreg.gather [hbm4b:s5+s2], $0x80, v4, vm0, $0xb8;
	[tilespmem:$0x18100] =	vst v63  }
0x4a: {  	s10 =	rddreg [dreg:$0xd]  }
0x4b: {  	[tilespmem:s10], [sflag:$0x1] =	stream.indirect_vreg.gather [hbm4b:s3+s2], $0x80, v3, vm0, $0xb8;
	[tilespmem:$0x18100] =	vst v63  }
0x4c: {  	s0 =	rddreg [dreg:$0xe]  }
0x4d: {  	[tilespmem:s0], [sflag:$0x1] =	stream.indirect_vreg.gather [hbm4b:s4+s2], $0x80, v3, vm0, $0xb8;
	[tilespmem:$0x18100] =	vst v63  }
0x4e: {  	s10 =	rddreg [dreg:$0xf]  }
0x4f: {  	[tilespmem:s10], [sflag:$0x1] =	stream.indirect_vreg.gather [hbm4b:s5+s2], $0x80, v3, vm0, $0xb8;
	[tilespmem:$0x18100] =	vst v63  }
0x50: {  	v3 =	vld [tilespmem:$0x20];
	_ =	sdelay $0x4  }
0x51: {  	v58 =	vshrl.u32 v3, $0x3  }
0x52: {  	v4 =	vmul.u32 $0x30, v58  }
0x53: {  	v3 =	vand.u32 $0x7, v3  }
0x54: {  	v3 =	vor.u32 v3, v4  }
0x55: {  	v4 =	vperm.xlane v3, v0;
	_ =	sdelay $0x1  }
0x56: {  	v4 =	vadd.s32 v1, v4;
	_ =	sdelay $0x3  }
0x57: {  	s0 =	rddreg [dreg:$0x10];
	v3 =	vperm.xlane v3, v2  }
0x58: {  	[tilespmem:s0], [sflag:$0x1] =	stream.indirect_vreg.gather [hbm4b:s3+s2], $0x80, v4, vm0, $0xb8;
	[tilespmem:$0x18100] =	vst v63  }
0x59: {  	s10 =	rddreg [dreg:$0x11];
	v3 =	vadd.s32 v1, v3  }
0x5a: {  	[tilespmem:s10], [sflag:$0x1] =	stream.indirect_vreg.gather [hbm4b:s4+s2], $0x80, v4, vm0, $0xb8;
	[tilespmem:$0x18100] =	vst v63  }
0x5b: {  	s0 =	rddreg [dreg:$0x12]  }
0x5c: {  	[tilespmem:s0], [sflag:$0x1] =	stream.indirect_vreg.gather [hbm4b:s5+s2], $0x80, v4, vm0, $0xb8;
	[tilespmem:$0x18100] =	vst v63  }
0x5d: {  	s10 =	rddreg [dreg:$0x13]  }
0x5e: {  	[tilespmem:s10], [sflag:$0x1] =	stream.indirect_vreg.gather [hbm4b:s3+s2], $0x80, v3, vm0, $0xb8;
	[tilespmem:$0x18100] =	vst v63  }
0x5f: {  	s0 =	rddreg [dreg:$0x14]  }
0x60: {  	[tilespmem:s0], [sflag:$0x1] =	stream.indirect_vreg.gather [hbm4b:s4+s2], $0x80, v3, vm0, $0xb8;
	[tilespmem:$0x18100] =	vst v63  }
0x61: {  	s10 =	rddreg [dreg:$0x15]  }
0x62: {  	[tilespmem:s10], [sflag:$0x1] =	stream.indirect_vreg.gather [hbm4b:s5+s2], $0x80, v3, vm0, $0xb8;
	[tilespmem:$0x18100] =	vst v63  }
0x63: {  	v3 =	vld [tilespmem:$0x30];
	_ =	sdelay $0x4  }
0x64: {  	v59 =	vshrl.u32 v3, $0x3  }
0x65: {  	v4 =	vmul.u32 $0x30, v59  }
0x66: {  	v3 =	vand.u32 $0x7, v3  }
0x67: {  	v3 =	vor.u32 v3, v4  }
0x68: {  	v4 =	vperm.xlane v3, v0;
	_ =	sdelay $0x1  }
0x69: {  	v4 =	vadd.s32 v1, v4;
	_ =	sdelay $0x3  }
0x6a: {  	s0 =	rddreg [dreg:$0x16];
	v3 =	vperm.xlane v3, v2  }
0x6b: {  	[tilespmem:s0], [sflag:$0x1] =	stream.indirect_vreg.gather [hbm4b:s3+s2], $0x80, v4, vm0, $0xb8;
	[tilespmem:$0x18100] =	vst v63  }
0x6c: {  	s10 =	rddreg [dreg:$0x17];
	v3 =	vadd.s32 v1, v3  }
0x6d: {  	[tilespmem:s10], [sflag:$0x1] =	stream.indirect_vreg.gather [hbm4b:s4+s2], $0x80, v4, vm0, $0xb8;
	[tilespmem:$0x18100] =	vst v63  }
0x6e: {  	s0 =	rddreg [dreg:$0x18]  }
0x6f: {  	[tilespmem:s0], [sflag:$0x1] =	stream.indirect_vreg.gather [hbm4b:s5+s2], $0x80, v4, vm0, $0xb8;
	[tilespmem:$0x18100] =	vst v63  }
0x70: {  	s10 =	rddreg [dreg:$0x19]  }
0x71: {  	[tilespmem:s10], [sflag:$0x1] =	stream.indirect_vreg.gather [hbm4b:s3+s2], $0x80, v3, vm0, $0xb8;
	[tilespmem:$0x18100] =	vst v63  }
0x72: {  	s0 =	rddreg [dreg:$0x1a]  }
0x73: {  	[tilespmem:s0], [sflag:$0x1] =	stream.indirect_vreg.gather [hbm4b:s4+s2], $0x80, v3, vm0, $0xb8;
	[tilespmem:$0x18100] =	vst v63  }
0x74: {  	s10 =	rddreg [dreg:$0x1b]  }
0x75: {  	[tilespmem:s10], [sflag:$0x1] =	stream.indirect_vreg.gather [hbm4b:s5+s2], $0x80, v3, vm0, $0xb8;
	[tilespmem:$0x18100] =	vst v63  }
0x76: {  	v3 =	vld [tilespmem:$0x80];
	_ =	sdelay $0x4  }
0x77: {  	v60 =	vshrl.u32 v3, $0x3  }
0x78: {  	v4 =	vmul.u32 $0x30, v60  }
0x79: {  	v3 =	vand.u32 $0x7, v3  }
0x7a: {  	v3 =	vor.u32 v3, v4  }
0x7b: {  	v4 =	vperm.xlane v3, v0;
	_ =	sdelay $0x1  }
0x7c: {  	v4 =	vadd.s32 v1, v4;
	_ =	sdelay $0x3  }
0x7d: {  	v3 =	vperm.xlane v3, v2  }
0x7e: {  	[tilespmem:s9], [sflag:$0x1] =	stream.indirect_vreg.gather [hbm4b:s3+s2], $0x80, v4, vm0, $0xb8;
	[tilespmem:$0x18100] =	vst v63  }
0x7f: {  	s0 =	rddreg [dreg:$0x1c];
	v3 =	vadd.s32 v1, v3  }
0x80: {  	[tilespmem:s0], [sflag:$0x1] =	stream.indirect_vreg.gather [hbm4b:s4+s2], $0x80, v4, vm0, $0xb8;
	[tilespmem:$0x18100] =	vst v63  }
0x81: {  	s10 =	rddreg [dreg:$0x1d]  }
0x82: {  	[tilespmem:s10], [sflag:$0x1] =	stream.indirect_vreg.gather [hbm4b:s5+s2], $0x80, v4, vm0, $0xb8;
	[tilespmem:$0x18100] =	vst v63  }
0x83: {  	s10 =	simm.s32 $0xD900  }
0x84: {  	[tilespmem:s10], [sflag:$0x1] =	stream.indirect_vreg.gather [hbm4b:s3+s2], $0x80, v3, vm0, $0xb8;
	[tilespmem:$0x18100] =	vst v63  }
0x85: {  	_ = 	snop  }
0x86: {  	[tilespmem:s11], [sflag:$0x1] =	stream.indirect_vreg.gather [hbm4b:s4+s2], $0x80, v3, vm0, $0xb8;
	[tilespmem:$0x18100] =	vst v63  }
0x87: {  	_ = 	snop  }
0x88: {  	[tilespmem:s12], [sflag:$0x1] =	stream.indirect_vreg.gather [hbm4b:s5+s2], $0x80, v3, vm0, $0xb8;
	[tilespmem:$0x18100] =	vst v63  }
0x89: {  	v3 =	vld [tilespmem:$0x90];
	_ =	sdelay $0x4  }
0x8a: {  	v61 =	vshrl.u32 v3, $0x3  }
0x8b: {  	v4 =	vmul.u32 $0x30, v61  }
0x8c: {  	v3 =	vand.u32 $0x7, v3  }
0x8d: {  	v3 =	vor.u32 v3, v4  }
0x8e: {  	v4 =	vperm.xlane v3, v0;
	_ =	sdelay $0x1  }
0x8f: {  	v4 =	vadd.s32 v1, v4;
	_ =	sdelay $0x3  }
0x90: {  	v3 =	vperm.xlane v3, v2  }
0x91: {  	[tilespmem:s13], [sflag:$0x1] =	stream.indirect_vreg.gather [hbm4b:s3+s2], $0x80, v4, vm0, $0xb8;
	[tilespmem:$0x18100] =	vst v63  }
0x92: {  	v3 =	vadd.s32 v1, v3  }
0x93: {  	[tilespmem:s14], [sflag:$0x1] =	stream.indirect_vreg.gather [hbm4b:s4+s2], $0x80, v4, vm0, $0xb8;
	[tilespmem:$0x18100] =	vst v63  }
0x94: {  	_ = 	snop  }
0x95: {  	[tilespmem:s15], [sflag:$0x1] =	stream.indirect_vreg.gather [hbm4b:s5+s2], $0x80, v4, vm0, $0xb8;
	[tilespmem:$0x18100] =	vst v63  }
0x96: {  	_ = 	snop  }
0x97: {  	[tilespmem:s16], [sflag:$0x1] =	stream.indirect_vreg.gather [hbm4b:s3+s2], $0x80, v3, vm0, $0xb8;
	[tilespmem:$0x18100] =	vst v63  }
0x98: {  	_ = 	snop  }
0x99: {  	[tilespmem:s17], [sflag:$0x1] =	stream.indirect_vreg.gather [hbm4b:s4+s2], $0x80, v3, vm0, $0xb8;
	[tilespmem:$0x18100] =	vst v63  }
0x9a: {  	_ = 	snop  }
0x9b: {  	[tilespmem:s18], [sflag:$0x1] =	stream.indirect_vreg.gather [hbm4b:s5+s2], $0x80, v3, vm0, $0xb8;
	[tilespmem:$0x18100] =	vst v63  }
0x9c: {  	v3 =	vld [tilespmem:$0xA0];
	_ =	sdelay $0x4  }
0x9d: {  	v62 =	vshrl.u32 v3, $0x3  }
0x9e: {  	v4 =	vmul.u32 $0x30, v62  }
0x9f: {  	v3 =	vand.u32 $0x7, v3  }
0xa0: {  	v3 =	vor.u32 v3, v4  }
0xa1: {  	v4 =	vperm.xlane v3, v0;
	_ =	sdelay $0x1  }
0xa2: {  	v4 =	vadd.s32 v1, v4;
	_ =	sdelay $0x3  }
0xa3: {  	v3 =	vperm.xlane v3, v2  }
0xa4: {  	[tilespmem:s19], [sflag:$0x1] =	stream.indirect_vreg.gather [hbm4b:s3+s2], $0x80, v4, vm0, $0xb8;
	[tilespmem:$0x18100] =	vst v63  }
0xa5: {  	v3 =	vadd.s32 v1, v3  }
0xa6: {  	[tilespmem:s20], [sflag:$0x1] =	stream.indirect_vreg.gather [hbm4b:s4+s2], $0x80, v4, vm0, $0xb8;
	[tilespmem:$0x18100] =	vst v63  }
0xa7: {  	_ = 	snop  }
0xa8: {  	[tilespmem:s21], [sflag:$0x1] =	stream.indirect_vreg.gather [hbm4b:s5+s2], $0x80, v4, vm0, $0xb8;
	[tilespmem:$0x18100] =	vst v63  }
0xa9: {  	_ = 	snop  }
0xaa: {  	[tilespmem:s22], [sflag:$0x1] =	stream.indirect_vreg.gather [hbm4b:s3+s2], $0x80, v3, vm0, $0xb8;
	[tilespmem:$0x18100] =	vst v63  }
0xab: {  	_ = 	snop  }
0xac: {  	[tilespmem:s23], [sflag:$0x1] =	stream.indirect_vreg.gather [hbm4b:s4+s2], $0x80, v3, vm0, $0xb8;
	[tilespmem:$0x18100] =	vst v63  }
0xad: {  	_ = 	snop  }
0xae: {  	[tilespmem:s24], [sflag:$0x1] =	stream.indirect_vreg.gather [hbm4b:s5+s2], $0x80, v3, vm0, $0xb8;
	[tilespmem:$0x18100] =	vst v63  }
0xaf: {  	v3 =	vld [tilespmem:$0xB0];
	_ =	sdelay $0x4  }
0xb0: {  	v63 =	vshrl.u32 v3, $0x3  }
0xb1: {  	v4 =	vmul.u32 $0x30, v63  }
0xb2: {  	v3 =	vand.u32 $0x7, v3  }
0xb3: {  	v3 =	vor.u32 v3, v4  }
0xb4: {  	v4 =	vperm.xlane v3, v0;
	_ =	sdelay $0x1  }
0xb5: {  	v4 =	vadd.s32 v1, v4;
	_ =	sdelay $0x3  }
0xb6: {  	v3 =	vperm.xlane v3, v2  }
0xb7: {  	[tilespmem:s25], [sflag:$0x1] =	stream.indirect_vreg.gather [hbm4b:s3+s2], $0x80, v4, vm0, $0xb8;
	[tilespmem:$0x18100] =	vst v63  }
0xb8: {  	v3 =	vadd.s32 v1, v3  }
0xb9: {  	[tilespmem:s26], [sflag:$0x1] =	stream.indirect_vreg.gather [hbm4b:s4+s2], $0x80, v4, vm0, $0xb8;
	[tilespmem:$0x18100] =	vst v63  }
0xba: {  	_ = 	snop  }
0xbb: {  	[tilespmem:s28], [sflag:$0x1] =	stream.indirect_vreg.gather [hbm4b:s5+s2], $0x80, v4, vm0, $0xb8;
	[tilespmem:$0x18100] =	vst v63  }
0xbc: {  	_ = 	snop  }
0xbd: {  	[tilespmem:s29], [sflag:$0x1] =	stream.indirect_vreg.gather [hbm4b:s3+s2], $0x80, v3, vm0, $0xb8;
	[tilespmem:$0x18100] =	vst v63  }
0xbe: {  	_ = 	snop  }
0xbf: {  	[tilespmem:s30], [sflag:$0x1] =	stream.indirect_vreg.gather [hbm4b:s4+s2], $0x80, v3, vm0, $0xb8;
	[tilespmem:$0x18100] =	vst v63  }
0xc0: {  	_ = 	snop  }
0xc1: {  	[tilespmem:s31], [sflag:$0x1] =	stream.indirect_vreg.gather [hbm4b:s5+s2], $0x80, v3, vm0, $0xb8;
	[tilespmem:$0x18100] =	vst v63  }
0xc2: {  	_ =	swait.ge [sflag:s1], $0xC000  }
0xc3: {  	[sflag:s1] =	ssyncset.done $0x0  }
0xc4: {  	s10 =	rddreg [dreg:$0x3];
	[sflag:s1] =	ssyncadd.s32 $0xFFFF4000  }
0xc5: {  	[hbm4b:s10+s2] =	stream.linear.scatter [tilespmem:s8], [sflag:$0x2], $0xC000, $0x38;
	[tilespmem:$0x18100] =	vst v63  }
0xc6: {  	_ =	swait.ge [sflag:s7], $0xC000  }
0xc7: {  	[sflag:s7] =	ssyncset.done $0x0  }
0xc8: {  	[sflag:s7] =	ssyncadd.s32 $0xFFFF4000  }
0xc9: {  	_ =	swait.ge [sflag:s1], $0xC000  }
0xca: {  	p0 =	sne.s32 s6, $0x1;
	[sflag:s1] =	ssyncset.done $0x0  }
.Ltmp0:
0xcb: {  	s10 =	rddreg [dreg:$0x4];
	[sflag:s1] =	ssyncadd.s32 $0xFFFF4000;
	(pc) =	sbr.rel @p0 .LBB2_1-.Ltmp0, $4  }
0xcc: {  	[hbm4b:s10+s2] =	stream.linear.scatter [tilespmem:s9], [sflag:$0x2], $0xC000, $0x38;
	[tilespmem:$0x18100] =	vst v63  }
0xcd: {  	_ =	swait.ge [sflag:s7], $0xC000  }
0xce: {  	[sflag:s7] =	ssyncset.done $0x0  }
0xcf: {  	s6 =	sadd.s32 $0xFFFFFFFF, s6;
	[sflag:s7] =	ssyncadd.s32 $0xFFFF4000  }
0xd0: {  	_ =	sfence.sel $0x180000  }
0xd1: {  	[bflag:$0x0] =	sbarrier.arrive $0xFFFF  }
0xd2: {  	_ =	strace $0x90000050  }
0xd3: {  	s0 =	stileid.u32;
	[bflag:$0x2] =	sbarrier.arrive $0xFFFF  }
0xd4: {  	p0 =	sne.s32 s0, $0x0;
	s0 =	rddreg [dreg:$0x1]  }
0xd5: {  	s0 =	sadd.s32 @!p0 $0x100000, s0  }
0xd6: {  	[sflag:s0] =	ssyncadd.tile.s32 @!p0 $0x1;
	_ =	shalt  }
.Lfunc_end2:
_tile_overlayer_lowered:
.L_overlay_start_2:
0xd7: {  	(tag) =	ssettag $0x2  }
0xd8: {  	s0 =	rddreg [dreg:$0x0];
	s2 =	stileid.u32  }
0xd9: {  	s1 =	rddreg [dreg:$0x1];
	p0 =	sne.s32 s2, $0x0  }
0xda: {  	s3 =	rddreg [dreg:$0x2];
	[bflag:$0x3] =	sbarrier.arrive $0xFFFF;
	s2 =	simm.s32 @!p0 $0x1C02  }
0xdb: {  	[timem:s3], [sflag:s2] =	dma.local @!p0 [hbm:s0], s1  }
0xdc: {  	s0 =	simm.s32 @!p0 $0x2  }
0xdd: {  	_ =	swait.ge @!p0 [sflag:s0], s1  }
0xde: {  	s1 =	ssub.s32 @!p0 $0x0, s1;
	[sflag:s0] =	ssyncset.done @!p0 $0x0  }
0xdf: {  	[sflag:s0] =	ssyncadd.s32 @!p0 s1  }
0xe0: {  	[bflag:$0x3] =	sbarrier.arrive $0xFFFF  }
0xe1: {  	_ =	shalt  }

// kernel: scatter_offload_async_start
scs
__scs_entry_jumppad:
0x0: {  	(pc) =	sbr.rel $0x88, $3  }
0x1: {  	(tag) =	ssettag $0x0;
	lr =	simm.s32 $0x1  }
0x2: {  	[smem:$0x3F99] =	sst lr;
	_ =	strace $0xD0000000  }
0x3: {  	_ = 	snop  }
0x4: {  	_ = 	snop  }
0x5: {  	_ = 	snop  }
0x6: {  	_ = 	snop  }
0x7: {  	_ = 	snop  }
__scs_overlays_trampoline_lowered:
0x8: {  	[smem:$0x3FA8] =	sst s0  }
0x9: {  	[smem:$0x3FA9] =	sst s1  }
0xa: {  	[smem:$0x3FAA] =	sst s2  }
0xb: {  	[smem:$0x3FAB] =	sst s3  }
0xc: {  	[smem:$0x3FAC] =	sst s4  }
0xd: {  	[smem:$0x3FAD] =	sst s5  }
0xe: {  	[smem:$0x3FAE] =	sst s6  }
0xf: {  	[smem:$0x3FAF] =	sst s7  }
0x10: {  	[smem:$0x3FB0] =	sst s8  }
0x11: {  	[smem:$0x3FB1] =	sst s9;
	s0 =	simm.s32 @!p0 $0x0  }
0x12: {  	s1 =	sld [smem:$0x3F97];
	s0 =	simm.s32 @p0 $0x1  }
0x13: {  	[smem:$0x3FB2] =	sst s0;
	s0 =	simm.s32 @!p1 $0x0  }
0x14: {  	s2 =	sld [smem:$0x3F96];
	s0 =	simm.s32 @p1 $0x1  }
0x15: {  	[smem:$0x3FB3] =	sst s0;
	s0 =	simm.s32 @!p2 $0x0  }
0x16: {  	s3 =	sld [smem:$0x3FDB];
	s0 =	simm.s32 @p2 $0x1  }
0x17: {  	s4 =	simm.s32 $0x1BF5;
	[smem:$0x3FB5] =	sst s0  }
0x18: {  	s0 =	sld [smem:$0x3F98];
	_ =	swait.ge [sflag:s4], $0x0  }
0x19: {  	s7 =	sld [smem:$0x3F99]  }
0x1a: {  	s8 =	sadd.s32 $0xFFFFE003, lr  }
0x1b: {  	s9 =	sadd.s32 $0xFFFFFEF7, lr;
	s5 =	simm.s32 $0xFFFFFFFF;
	p2 =	slt.u32 s8, $0xFFFFF086  }
0x1c: {  	p1 =	slt.u32 s9, $0xF7A;
	s5 =	simm.s32 @!p2 $0x0  }
0x1d: {  	s5 =	simm.s32 @p1 $0x1;
	p0 =	seq.s32 s7, s2  }
0x1e: {  	s7 =	smul.u32 @!p0 $0xF7A, s2;
	p2 =	seq.s32 @!p0 s5, $0x0  }
0x1f: {  	s9 =	smul.u32 $0xF7A, s1;
	s8 =	simm.s32 @!p0 $0x1BF5;
	p2 =	por !p2, p0  }
0x20: {  	[sflag:s8] =	ssyncset.s32 @!p0 $0xFFFFF086;
	s6 =	sadd.s32 @!p0 s3, s7;
	s7 =	simm.s32 @!p0 $0x108  }
0x21: {  	s3 =	sadd.s32 s3, s9;
	s6 =	sadd.s32 @!p0 $0x88, s6;
	s7 =	simm.s32 @p2 $0x1082  }
0x22: {  	[simem:s7], [sflag:s8] =	dma.local @!p0 [hbm:s6], $0xF7A  }
0x23: {  	s9 =	sor.u32 $0xD0000000, s2;
	s6 =	simm.s32 $0x108;
	_ =	swait.ge @!p0 [sflag:s8], $0x0  }
0x24: {  	s3 =	sadd.s32 $0x88, s3;
	s6 =	simm.s32 @!p1 $0x1082;
	[sflag:s4] =	ssyncset.s32 $0xFFFFF086  }
0x25: {  	[simem:s6], [sflag:s4] =	dma.local [hbm:s3], $0xF7A  }
0x26: {  	[smem:$0x3F99] =	sst s1;
	(tag) =	ssettag s2;
	_ =	strace s9  }
0x27: {  	s1 =	sld [smem:$0x3FA9]  }
0x28: {  	s2 =	sld [smem:$0x3FAA]  }
0x29: {  	s4 =	sld [smem:$0x3FAC]  }
0x2a: {  	p0 =	seq.s32 s5, $0x0;
	s5 =	sld [smem:$0x3FAD]  }
0x2b: {  	s6 =	sld [smem:$0x3FAE]  }
0x2c: {  	s7 =	sld [smem:$0x3FAF]  }
0x2d: {  	s3 =	simm.s32 $0x108;
	s8 =	sld [smem:$0x3FB0]  }
0x2e: {  	s3 =	simm.s32 @!p0 $0x1082;
	s9 =	sld [smem:$0x3FB1]  }
0x2f: {  	lr =	sadd.s32 s0, s3;
	s0 =	sld [smem:$0x3FA8]  }
0x30: {  	s3 =	sld [smem:$0x3FAB]  }
0x31: {  	[smem:$0x3FB4] =	sst s10  }
0x32: {  	s10 =	sld [smem:$0x3FB2];
	_ =	sdelay $0x3  }
0x33: {  	p0 =	seq.s32 s10, $0x1;
	s10 =	sld [smem:$0x3FB4];
	_ =	sdelay $0x3  }
0x34: {  	[smem:$0x3FB4] =	sst s10  }
0x35: {  	s10 =	sld [smem:$0x3FB3];
	_ =	sdelay $0x3  }
0x36: {  	p1 =	seq.s32 s10, $0x1;
	s10 =	sld [smem:$0x3FB4];
	_ =	sdelay $0x3  }
0x37: {  	[smem:$0x3FB4] =	sst s10  }
0x38: {  	s10 =	sld [smem:$0x3FB5]  }
0x39: {  	_ = 	snop;
	(pc) =	sbr.ind lr, $3  }
0x3a: {  	_ = 	snop  }
0x3b: {  	_ = 	snop  }
0x3c: {  	p2 =	seq.s32 s10, $0x1;
	s10 =	sld [smem:$0x3FB4]  }
0x3d: {  	_ =	shalt  }
0x3e: {  	_ =	shalt  }
0x3f: {  	_ =	shalt  }
0x40: {  	_ =	shalt  }
0x41: {  	_ =	shalt  }
0x42: {  	_ =	shalt  }
0x43: {  	_ =	shalt  }
0x44: {  	_ =	shalt  }
0x45: {  	_ =	shalt  }
0x46: {  	_ =	shalt  }
0x47: {  	_ =	shalt  }
0x48: {  	_ =	shalt  }
0x49: {  	_ =	shalt  }
0x4a: {  	_ =	shalt  }
0x4b: {  	_ =	shalt  }
0x4c: {  	_ =	shalt  }
0x4d: {  	_ =	shalt  }
0x4e: {  	_ =	shalt  }
0x4f: {  	_ =	shalt  }
0x50: {  	_ =	shalt  }
0x51: {  	_ =	shalt  }
0x52: {  	_ =	shalt  }
0x53: {  	_ =	shalt  }
0x54: {  	_ =	shalt  }
0x55: {  	_ =	shalt  }
0x56: {  	_ =	shalt  }
0x57: {  	_ =	shalt  }
0x58: {  	_ =	shalt  }
0x59: {  	_ =	shalt  }
0x5a: {  	_ =	shalt  }
0x5b: {  	_ =	shalt  }
0x5c: {  	_ =	shalt  }
0x5d: {  	_ =	shalt  }
0x5e: {  	_ =	shalt  }
0x5f: {  	_ =	shalt  }
0x60: {  	_ =	shalt  }
0x61: {  	_ =	shalt  }
0x62: {  	_ =	shalt  }
0x63: {  	_ =	shalt  }
0x64: {  	_ =	shalt  }
0x65: {  	_ =	shalt  }
0x66: {  	_ =	shalt  }
0x67: {  	_ =	shalt  }
0x68: {  	_ =	shalt  }
0x69: {  	_ =	shalt  }
0x6a: {  	_ =	shalt  }
0x6b: {  	_ =	shalt  }
0x6c: {  	_ =	shalt  }
0x6d: {  	_ =	shalt  }
0x6e: {  	_ =	shalt  }
0x6f: {  	_ =	shalt  }
0x70: {  	_ =	shalt  }
0x71: {  	_ =	shalt  }
0x72: {  	_ =	shalt  }
0x73: {  	_ =	shalt  }
0x74: {  	_ =	shalt  }
0x75: {  	_ =	shalt  }
0x76: {  	_ =	shalt  }
0x77: {  	_ =	shalt  }
0x78: {  	_ =	shalt  }
0x79: {  	_ =	shalt  }
0x7a: {  	_ =	shalt  }
0x7b: {  	_ =	shalt  }
0x7c: {  	_ =	shalt  }
0x7d: {  	_ =	shalt  }
0x7e: {  	_ =	shalt  }
0x7f: {  	_ =	shalt  }
0x80: {  	_ =	shalt  }
0x81: {  	_ =	shalt  }
0x82: {  	_ =	shalt  }
0x83: {  	_ =	shalt  }
0x84: {  	_ =	shalt  }
0x85: {  	_ =	shalt  }
0x86: {  	_ =	shalt  }
0x87: {  	_ =	shalt  }
.Lfunc_end0:
.L_simem_size_0:
called_computation_lowered:
.L_overlay_start_0:
0x88: {  	s0 =	sld [smem:$0x3FD9]  }
0x89: {  	s1 =	sld [smem:$0x3FFE];
	_ =	sdelay $0x3  }
0x8a: {  	s0 =	sadd.s32 s1, s0  }
0x8b: {  	[smem:$0x3FC0] =	sst s0  }
0x8c: {  	_ = 	snop  }
0x8d: {  	(tm) =	ssettm $0x1  }
0x8e: {  	s15 =	sld [smem:$0x3FFB];
	_ =	sdelay $0x3  }
0x8f: {  	_ =	strace s15  }
0x90: {  	s0 =	sld [smem:$0x3FFC];
	_ =	sdelay $0x3  }
0x91: {  	_ =	strace s0  }
0x92: {  	s0 =	sld [smem:$0x3FFD];
	_ =	sdelay $0x3  }
0x93: {  	_ =	strace s0  }
0x94: {  	_ =	strace $0x8FFFFFFF  }
0x95: {  	s16 =	sld [smem:$0x3FDB];
	_ =	sdelay $0x1  }
0x96: {  	s17 =	simm.s32 $_scs_section_size  }
0x97: {  	s2 =	simm.s32 $_size__tile_overlayer_lowered;
	s3 =	simm.s32 $_tile_overlayer_lowered  }
0x98: {  	s20 =	simm.s32 $0x1BFF;
	s19 =	sshll.u32 s3, $0x1;
	s0 =	sadd.s32 s17, s16  }
0x99: {  	s4 =	simm.s32 $0x0;
	s18 =	sshll.u32 s2, $0x1;
	s2 =	sadd.s32 s19, s0  }
0x9a: {  	[timem:s4], [sflag:s20] =	dma.local [hbm:s2], s18  }
0x9b: {  	_ =	swait.ge [sflag:s20], s18  }
0x9c: {  	s1 =	ssub.s32 $0x0, s18;
	[sflag:s20] =	ssyncset.done $0x0  }
0x9d: {  	[sflag:s20] =	ssyncadd.s32 s1;
	_ =	sdelay $0x1  }
0x9e: {  	s21 =	simm.s32 $0x1B8B  }
0x9f: {  	_ =	swait.ge [sflag:s21], $0x1  }
0xa0: {  	[sflag:s21] =	ssyncset.done $0x0  }
0xa1: {  	s23 =	simm.s32 $0x1B8E;
	s22 =	sld [smem:$0x3FFE];
	[sflag:s21] =	ssyncadd.s32 $0xFFFFFFFF  }
0xa2: {  	s24 =	simm.s32 $execute0_lowered;
	[smem:$0x3FD2] =	sst s23  }
0xa3: {  	s2 =	sshll.u32 s24, $0x1;
	_ =	strace $0x80000046;
	[dreg:$0x1] =	wrdreg $0xFFFFFFFF  }
0xa4: {  	s25 =	simm.s32 $_size_execute0_lowered;
	s0 =	sadd.s32 s0, s2;
	[dreg:$0x0] =	wrdreg $0x0  }
0xa5: {  	s2 =	sshll.u32 s25, $0x1;
	[dreg:$0x2] =	wrdreg s0  }
0xa6: {  	[dreg:$0x3] =	wrdreg s2  }
0xa7: {  	[dreg:$0x4] =	wrdreg $0xC0  }
0xa8: {  	_ =	task [dreg:s4], $0x5FFFF  }
0xa9: {  	[dreg:$0x1] =	wrdreg $0xFFFFFFFF  }
0xaa: {  	[dreg:$0x0] =	wrdreg $0x60  }
0xab: {  	[dreg:$0x2] =	wrdreg s22  }
0xac: {  	[dreg:$0x3] =	wrdreg $0x9  }
0xad: {  	_ =	task.clear_ibuf [dreg:s4], $0x4FFFF;
	_ =	strace $0x90000046  }
0xae: {  	s26 =	simm.s32 $0x9;
	_ =	strace $0x80000048  }
0xaf: {  	_ =	swait.ge [sflag:s26], $0x1  }
0xb0: {  	[sflag:s26] =	ssyncadd.s32 $0xFFFFFFFF  }
0xb1: {  	_ =	strace $0x90000048  }
0xb2: {  	_ =	sfence  }
0xb3: {  	s28 =	sld [smem:$0x0];
	_ =	sdelay $0x1  }
0xb4: {  	s29 =	srdreg.scid  }
0xb5: {  	s30 =	sshll.u32 s29, $0xD;
	s31 =	sshrl.u32 s29, $0x2  }
0xb6: {  	s1 =	sand.u32 $0x1, s29;
	s2 =	sand.u32 $0x4000, s30;
	s0 =	sadd.s32 s31, s28  }
0xb7: {  	s1 =	sor.u32 s2, s1;
	s0 =	sshll.u32 s0, $0x11  }
0xb8: {  	s0 =	sor.u32 s0, s1  }
0xb9: {  	s0 =	sadd.s32 $0x8F2B, s0  }
0xba: {  	[sflag:s0] =	ssyncadd.remote.s32 $0x1  }
0xbb: {  	_ =	sfence.sel $0xFFFF  }
0xbc: {  	[dreg:$0x0] =	wrdreg $0xFFFFFFFF;
	(pc) =	sbr.abs _section_cstart, $3  }
0xbd: {  	[dreg:$0x1] =	wrdreg $0xFFFFFFFF  }
0xbe: {  	_ =	task.clear_ibuf [dreg:s4], $0x2FFFF;
	_ =	strace $0x9FFFFFFF  }
0xbf: {  	(tm) =	ssettm $0x7FFFFFFF  }
tec
execute0_lowered:
.L_overlay_start_1:
0x0: {  	(tag) =	ssettag $0x1  }
0x1: {  	s5 =	rddreg [dreg:$0x0]  }
0x2: {  	s0 =	rddreg [dreg:$0x1];
	_ =	strace $0x80000047;
	s6 =	stileid.u32  }
0x3: {  	s3 =	simm.s32 $0x3E;
	s1 =	sadd.s32 $0x1400, s5;
	p0 =	sne.s32 s6, $0x0  }
0x4: {  	[sflag:s3] =	ssyncpa.u1 $0x0;
	s4 =	simm.s32 @!p0 $0x1C3E;
	s2 =	simm.s32 @!p0 $0x0  }
0x5: {  	[spmem:s2], [sflag:s4] =	dma.local @!p0 [hbm:s1], $0x10  }
0x6: {  	s4 =	simm.s32 @!p0 $0x3E  }
0x7: {  	_ =	swait.ge @!p0 [sflag:s4], $0x10  }
0x8: {  	[sflag:s4] =	ssyncset.done @!p0 $0x0  }
0x9: {  	s9 =	simm.s32 $0x108;
	[sflag:s4] =	ssyncadd.s32 @!p0 $0xFFFFFFF0  }
0xa: {  	s7 =	sadd.s32 $0x1200, s5;
	s8 =	sadd.s32 $0x1600, s5;
	[bflag:$0x0] =	sbarrier.arrive $0xFFFF  }
0xb: {  	s6 =	sshll.u32 s6, $0x5;
	[sflag:s3] =	ssyncpa.u1 $0x1;
	s3 =	simm.s32 $0x1  }
0xc: {  	s5 =	simm.s32 $0x0;
	s4 =	simm.s32 $0x2;
	[sflag:s3] =	ssyncpa.u1 $0x0  }
0xd: {  	s7 =	sadd.s32 s7, s6;
	(ifvalue) =	ssetifvalue $0x80;
	[sflag:s4] =	ssyncpa.u1 $0x0  }
0xe: {  	[tilespmem:s9], [sflag:$0x2] =	stream.linear.gather [hbm4b:s7+s5], $0x100, $0x38;
	[tilespmem:$0x408] =	vst v63  }
0xf: {  	s23 =	simm.s32 $0x308;
	s6 =	sadd.s32 s8, s6  }
0x10: {  	[tilespmem:s23], [sflag:$0x2] =	stream.linear.gather [hbm4b:s6+s5], $0x100, $0x38;
	[tilespmem:$0x408] =	vst v63  }
0x11: {  	_ =	swait.ge [sflag:s4], $0x200  }
0x12: {  	[sflag:s4] =	ssyncset.done $0x0  }
0x13: {  	[sflag:s4] =	ssyncadd.s32 $0xFFFFFE00  }
0x14: {  	v0 =	vld.msk [tilespmem:s9+$0x0 ss:$0x1], $0xffff;
	_ =	sdelay $0x4  }
0x15: {  	v0 =	vmin.u32 v0, $0x80;
	_ =	sdelay $0x3  }
0x16: {  	vm0 =	vmmov $0xffff;
	s24 =	simm.s32 $0x118  }
0x17: {  	[spmem:s5] =	stream.indirect_vreg.scatter.add.s32 [tilespmem:s23], [sflag:$0x1], $0x1, v0, vm0, $0x4038;
	[tilespmem:$0x408] =	vst v63  }
0x18: {  	v0 =	vld.msk [tilespmem:s24+$0x0 ss:$0x1], $0xffff;
	_ =	sdelay $0x4  }
0x19: {  	v0 =	vmin.u32 v0, $0x80;
	_ =	sdelay $0x3  }
0x1a: {  	s25 =	simm.s32 $0x318;
	s26 =	simm.s32 $0x128  }
0x1b: {  	[spmem:s5] =	stream.indirect_vreg.scatter.add.s32 [tilespmem:s25], [sflag:$0x1], $0x1, v0, vm0, $0x4038;
	[tilespmem:$0x408] =	vst v63  }
0x1c: {  	v0 =	vld.msk [tilespmem:s26+$0x0 ss:$0x1], $0xffff;
	_ =	sdelay $0x4  }
0x1d: {  	v0 =	vmin.u32 v0, $0x80;
	_ =	sdelay $0x3  }
0x1e: {  	s28 =	simm.s32 $0x328;
	s29 =	simm.s32 $0x138  }
0x1f: {  	[spmem:s5] =	stream.indirect_vreg.scatter.add.s32 [tilespmem:s28], [sflag:$0x1], $0x1, v0, vm0, $0x4038;
	[tilespmem:$0x408] =	vst v63  }
0x20: {  	v0 =	vld.msk [tilespmem:s29+$0x0 ss:$0x1], $0xffff;
	_ =	sdelay $0x4  }
0x21: {  	v0 =	vmin.u32 v0, $0x80;
	_ =	sdelay $0x3  }
0x22: {  	s30 =	simm.s32 $0x338;
	s31 =	simm.s32 $0x148  }
0x23: {  	[spmem:s5] =	stream.indirect_vreg.scatter.add.s32 [tilespmem:s30], [sflag:$0x1], $0x1, v0, vm0, $0x4038;
	[tilespmem:$0x408] =	vst v63  }
0x24: {  	v0 =	vld.msk [tilespmem:s31+$0x0 ss:$0x1], $0xffff;
	_ =	sdelay $0x4  }
0x25: {  	v0 =	vmin.u32 v0, $0x80;
	_ =	sdelay $0x3  }
0x26: {  	s8 =	simm.s32 $0x158;
	s7 =	simm.s32 $0x348  }
0x27: {  	[spmem:s5] =	stream.indirect_vreg.scatter.add.s32 [tilespmem:s7], [sflag:$0x1], $0x1, v0, vm0, $0x4038;
	[tilespmem:$0x408] =	vst v63  }
0x28: {  	v0 =	vld.msk [tilespmem:s8+$0x0 ss:$0x1], $0xffff;
	_ =	sdelay $0x4  }
0x29: {  	v0 =	vmin.u32 v0, $0x80;
	_ =	sdelay $0x3  }
0x2a: {  	s10 =	simm.s32 $0x168;
	s9 =	simm.s32 $0x358  }
0x2b: {  	[spmem:s5] =	stream.indirect_vreg.scatter.add.s32 [tilespmem:s9], [sflag:$0x1], $0x1, v0, vm0, $0x4038;
	[tilespmem:$0x408] =	vst v63  }
0x2c: {  	v0 =	vld.msk [tilespmem:s10+$0x0 ss:$0x1], $0xffff;
	_ =	sdelay $0x4  }
0x2d: {  	v0 =	vmin.u32 v0, $0x80;
	_ =	sdelay $0x3  }
0x2e: {  	s11 =	simm.s32 $0x368;
	s12 =	simm.s32 $0x178  }
0x2f: {  	[spmem:s5] =	stream.indirect_vreg.scatter.add.s32 [tilespmem:s11], [sflag:$0x1], $0x1, v0, vm0, $0x4038;
	[tilespmem:$0x408] =	vst v63  }
0x30: {  	v0 =	vld.msk [tilespmem:s12+$0x0 ss:$0x1], $0xffff;
	_ =	sdelay $0x4  }
0x31: {  	v0 =	vmin.u32 v0, $0x80;
	_ =	sdelay $0x3  }
0x32: {  	s13 =	simm.s32 $0x378;
	s14 =	simm.s32 $0x188  }
0x33: {  	[spmem:s5] =	stream.indirect_vreg.scatter.add.s32 [tilespmem:s13], [sflag:$0x1], $0x1, v0, vm0, $0x4038;
	[tilespmem:$0x408] =	vst v63  }
0x34: {  	v0 =	vld.msk [tilespmem:s14+$0x0 ss:$0x1], $0xffff;
	_ =	sdelay $0x4  }
0x35: {  	v0 =	vmin.u32 v0, $0x80;
	_ =	sdelay $0x3  }
0x36: {  	s15 =	simm.s32 $0x388;
	s16 =	simm.s32 $0x198  }
0x37: {  	[spmem:s5] =	stream.indirect_vreg.scatter.add.s32 [tilespmem:s15], [sflag:$0x1], $0x1, v0, vm0, $0x4038;
	[tilespmem:$0x408] =	vst v63  }
0x38: {  	v0 =	vld.msk [tilespmem:s16+$0x0 ss:$0x1], $0xffff;
	_ =	sdelay $0x4  }
0x39: {  	v0 =	vmin.u32 v0, $0x80;
	_ =	sdelay $0x3  }
0x3a: {  	s17 =	simm.s32 $0x398;
	s18 =	simm.s32 $0x1A8  }
0x3b: {  	[spmem:s5] =	stream.indirect_vreg.scatter.add.s32 [tilespmem:s17], [sflag:$0x1], $0x1, v0, vm0, $0x4038;
	[tilespmem:$0x408] =	vst v63  }
0x3c: {  	v0 =	vld.msk [tilespmem:s18+$0x0 ss:$0x1], $0xffff;
	_ =	sdelay $0x4  }
0x3d: {  	v0 =	vmin.u32 v0, $0x80;
	_ =	sdelay $0x3  }
0x3e: {  	s19 =	simm.s32 $0x3A8;
	s20 =	simm.s32 $0x1B8  }
0x3f: {  	[spmem:s5] =	stream.indirect_vreg.scatter.add.s32 [tilespmem:s19], [sflag:$0x1], $0x1, v0, vm0, $0x4038;
	[tilespmem:$0x408] =	vst v63  }
0x40: {  	v0 =	vld.msk [tilespmem:s20+$0x0 ss:$0x1], $0xffff;
	_ =	sdelay $0x4  }
0x41: {  	v0 =	vmin.u32 v0, $0x80;
	_ =	sdelay $0x3  }
0x42: {  	s21 =	simm.s32 $0x3B8;
	s22 =	simm.s32 $0x1C8  }
0x43: {  	[spmem:s5] =	stream.indirect_vreg.scatter.add.s32 [tilespmem:s21], [sflag:$0x1], $0x1, v0, vm0, $0x4038;
	[tilespmem:$0x408] =	vst v63  }
0x44: {  	v0 =	vld.msk [tilespmem:s22+$0x0 ss:$0x1], $0xffff;
	_ =	sdelay $0x4  }
0x45: {  	v0 =	vmin.u32 v0, $0x80;
	_ =	sdelay $0x3  }
0x46: {  	s23 =	simm.s32 $0x3C8;
	s24 =	simm.s32 $0x1D8  }
0x47: {  	[spmem:s5] =	stream.indirect_vreg.scatter.add.s32 [tilespmem:s23], [sflag:$0x1], $0x1, v0, vm0, $0x4038;
	[tilespmem:$0x408] =	vst v63  }
0x48: {  	v0 =	vld.msk [tilespmem:s24+$0x0 ss:$0x1], $0xffff;
	_ =	sdelay $0x4  }
0x49: {  	v0 =	vmin.u32 v0, $0x80;
	_ =	sdelay $0x3  }
0x4a: {  	s25 =	simm.s32 $0x3D8;
	s26 =	simm.s32 $0x1E8  }
0x4b: {  	[spmem:s5] =	stream.indirect_vreg.scatter.add.s32 [tilespmem:s25], [sflag:$0x1], $0x1, v0, vm0, $0x4038;
	[tilespmem:$0x408] =	vst v63  }
0x4c: {  	v0 =	vld.msk [tilespmem:s26+$0x0 ss:$0x1], $0xffff;
	_ =	sdelay $0x4  }
0x4d: {  	v0 =	vmin.u32 v0, $0x80;
	_ =	sdelay $0x3  }
0x4e: {  	s28 =	simm.s32 $0x3E8;
	s29 =	simm.s32 $0x1F8  }
0x4f: {  	[spmem:s5] =	stream.indirect_vreg.scatter.add.s32 [tilespmem:s28], [sflag:$0x1], $0x1, v0, vm0, $0x4038;
	[tilespmem:$0x408] =	vst v63  }
0x50: {  	v0 =	vld.msk [tilespmem:s29+$0x0 ss:$0x1], $0xffff;
	_ =	sdelay $0x4  }
0x51: {  	v0 =	vmin.u32 v0, $0x80;
	_ =	sdelay $0x3  }
0x52: {  	s30 =	simm.s32 $0x3F8  }
0x53: {  	[spmem:s5] =	stream.indirect_vreg.scatter.add.s32 [tilespmem:s30], [sflag:$0x1], $0x1, v0, vm0, $0x4038;
	[tilespmem:$0x408] =	vst v63  }
0x54: {  	_ =	swait.ge [sflag:s3], $0x100  }
0x55: {  	[sflag:s3] =	ssyncset.done $0x0  }
0x56: {  	[sflag:s3] =	ssyncadd.s32 $0xFFFFFF00  }
0x57: {  	_ =	sfence.sel $0x180000  }
0x58: {  	[bflag:$0x0] =	sbarrier.arrive $0xFFFF  }
0x59: {  	[sflag:s4] =	ssyncpa.u1 $0x1  }
0x5a: {  	[sflag:s3] =	ssyncpa.u1 $0x1  }
0x5b: {  	_ =	sfence.stream.spmem  }
0x5c: {  	s31 =	simm.s32 $0x3D;
	[bflag:$0x0] =	sbarrier.arrive $0xFFFF  }
0x5d: {  	s3 =	simm.s32 @p0 $0x3D;
	[sflag:s31] =	ssyncpa.u1 $0x0  }
0x5e: {  	[sflag:s3] =	ssyncpa.u1 @p0 $0x1  }
0x5f: {  	[bflag:$0x0] =	sbarrier.arrive @p0 $0xFFFF  }
0x60: {  	_ =	strace @p0 $0x90000047  }
0x61: {  	s3 =	simm.s32 @!p0 $0x1C3D;
	[bflag:$0x2] =	sbarrier.arrive @p0 $0xFFFF  }
0x62: {  	[hbm:s1], [sflag:s3] =	dma.local @!p0 [spmem:s2], $0x10  }
0x63: {  	s1 =	simm.s32 @!p0 $0x3D  }
0x64: {  	_ =	swait.ge @!p0 [sflag:s1], $0x10  }
0x65: {  	[sflag:s1] =	ssyncset.done @!p0 $0x0  }
0x66: {  	[sflag:s1] =	ssyncadd.s32 @!p0 $0xFFFFFFF0  }
0x67: {  	[sflag:s1] =	ssyncpa.u1 @!p0 $0x1  }
0x68: {  	[bflag:$0x0] =	sbarrier.arrive @!p0 $0xFFFF  }
0x69: {  	_ =	strace @!p0 $0x90000047  }
0x6a: {  	s0 =	sadd.s32 @!p0 $0x100000, s0;
	[bflag:$0x2] =	sbarrier.arrive @!p0 $0xFFFF  }
0x6b: {  	[sflag:s0] =	ssyncadd.tile.s32 @!p0 $0x1;
	_ =	shalt  }
.Lfunc_end2:
_tile_overlayer_lowered:
.L_overlay_start_2:
0x6c: {  	(tag) =	ssettag $0x2  }
0x6d: {  	s0 =	rddreg [dreg:$0x0];
	s2 =	stileid.u32  }
0x6e: {  	s1 =	rddreg [dreg:$0x1];
	p0 =	sne.s32 s2, $0x0  }
0x6f: {  	s3 =	rddreg [dreg:$0x2];
	[bflag:$0x3] =	sbarrier.arrive $0xFFFF;
	s2 =	simm.s32 @!p0 $0x1C01  }
0x70: {  	[timem:s3], [sflag:s2] =	dma.local @!p0 [hbm:s0], s1  }
0x71: {  	s0 =	simm.s32 @!p0 $0x1  }
0x72: {  	_ =	swait.ge @!p0 [sflag:s0], s1  }
0x73: {  	s1 =	ssub.s32 @!p0 $0x0, s1;
	[sflag:s0] =	ssyncset.done @!p0 $0x0  }
0x74: {  	[sflag:s0] =	ssyncadd.s32 @!p0 s1  }
0x75: {  	[bflag:$0x3] =	sbarrier.arrive $0xFFFF  }
0x76: {  	_ =	shalt  }

</sc_bundles>
